<compile_context>
chip_gen: v7x
topology: tpu7x:2x2x1
jax: 0.10.2.dev20260603
libtpu: 0.0.44.dev20260713+nightly
codegen_flags: <defaults>
</compile_context>

<pallas_src>
import functools

import jax
import jax.numpy as jnp
from jax import lax
from jax.experimental import pallas as pl
from jax.experimental.pallas import tpu as pltpu
from jax.experimental.pallas import tpu_sc as plsc

SCALE = 8.0

_info = plsc.get_sparse_core_info()
_NC, _NS, _L = _info.num_cores, _info.num_subcores, _info.num_lanes
_NW = _NC * _NS

_NBUF = 2


@functools.lru_cache(maxsize=None)
def _make_sc_gather(V, D, P, N):
    C = N // _NW
    assert C <= 128 and D % _L == 0 and P % _NBUF == 0
    mesh = plsc.VectorSubcoreMesh(core_axis_name="c", subcore_axis_name="s")

    @functools.partial(
        pl.kernel,
        mesh=mesh,
        compiler_params=pltpu.CompilerParams(
            use_tc_tiling_on_sc=False, needs_layout_passes=False),
        out_type=jax.ShapeDtypeStruct((P, D // 8, N // 128, 8, 128),
                                      jnp.float32),
        scratch_types=[
            pltpu.VMEM((P, C), jnp.int32),
            pltpu.VMEM((C, D), jnp.float32),
            pltpu.VMEM((C, D), jnp.float32),
            pltpu.VMEM((D // 8, 8, C + 1), jnp.float32),
            pltpu.VMEM((D // 8, 8, C + 1), jnp.float32),
            pltpu.SemaphoreType.DMA,
            pltpu.SemaphoreType.DMA,
            pltpu.SemaphoreType.DMA,
            pltpu.SemaphoreType.DMA,
        ],
    )
    def k(table_hbm, idx_hbm, out_hbm, idx_v, g0, g1, t0, t1,
          gs0, gs1, os0, os1):
        gbufs, tbufs = (g0, g1), (t0, t1)
        gsems, osems = (gs0, gs1), (os0, os1)
        wid = lax.axis_index("s") * _NC + lax.axis_index("c")
        b0 = wid * C
        pltpu.sync_copy(idx_hbm.at[:, pl.ds(b0, C)], idx_v)

        @plsc.parallel_loop(0, P, unroll=4)
        def _dbl(r):
            for h in range(C // _L):
                sl = pl.ds(h * _L, _L)
                idx_v[r, sl] = idx_v[r, sl] * 2

        def fire(buf, sem, p):
            pltpu.async_copy(table_hbm.at[idx_v.at[p]], buf, sem)

        def drain_gather(buf, sem):
            pltpu.make_async_copy(table_hbm.at[idx_v.at[0]], buf, sem).wait()

        def transpose_scale(gbuf, tbuf):
            @plsc.parallel_loop(0, C, unroll=8)
            def body(r):
                cols = jnp.full((_L,), r, jnp.int32)
                for q in range(D // _L):
                    rows = lax.iota(jnp.int32, _L) + q * _L
                    v = gbuf[r, pl.ds(q * _L, _L)]
                    plsc.store_scatter(
                        tbuf, [rows // 8, rows % 8, cols], v * SCALE)

        def writeback(tbuf, sem, p):
            pltpu.async_copy(
                tbuf.at[:, :, pl.ds(0, C)],
                out_hbm.at[p, :, wid], sem)

        def drain_out(tbuf, sem):
            pltpu.make_async_copy(
                tbuf.at[:, :, pl.ds(0, C)],
                out_hbm.at[0, :, 0], sem).wait()

        for b in range(_NBUF):
            fire(gbufs[b], gsems[b], b)

        def outer(g, carry):
            for b in range(_NBUF):
                p = g * _NBUF + b
                drain_gather(gbufs[b], gsems[b])

                @pl.when(g > 0)
                def _():
                    drain_out(tbufs[b], osems[b])

                transpose_scale(gbufs[b], tbufs[b])
                fire(gbufs[b], gsems[b], p + _NBUF)
                writeback(tbufs[b], osems[b], p)
            return carry

        lax.fori_loop(0, P // _NBUF - 1, outer, 0)

        for b in range(_NBUF):
            p = P - _NBUF + b
            drain_gather(gbufs[b], gsems[b])
            drain_out(tbufs[b], osems[b])
            transpose_scale(gbufs[b], tbufs[b])
            writeback(tbufs[b], osems[b], p)
        for b in range(_NBUF):
            drain_out(tbufs[b], osems[b])

    return k


def kernel(x, table):
    V, D = table.shape
    Bn, P = x.shape
    xt = x.T.astype(jnp.int32)
    tpad = jnp.pad(table, ((0, 0), (0, D)))
    t2 = tpad.reshape(2 * V, D)
    out = _make_sc_gather(V, D, P, Bn)(t2, xt)
    return out.transpose(2, 4, 0, 1, 3).reshape(Bn, P, D)

# --- scband reference (transcript-rebuilt; emitter-appended) ---
"""Pipeline reference for scband-input-embeddings-21741124452895 (READ-ONLY COPY).

The authoritative reference and input builder live on the scoring server;
editing this copy changes nothing except your own understanding.
"""

import jax, jax.numpy as jnp
import numpy as np
import math

EMBD_DIM = 64
VOCAB_SIZE = 1000000


def setup_inputs(seed: int = 0) -> dict:
    key = jax.random.key(seed)
    k1, k2 = jax.random.split(key)
    x = jax.random.randint(k1, (4096, 200), 0, VOCAB_SIZE, dtype=jnp.int64 if jax.config.jax_enable_x64 else jnp.int32)
    # embedding weight initialized uniform(-1, 1) as in the torch module
    table = jax.random.uniform(k2, (VOCAB_SIZE, EMBD_DIM), dtype=jnp.float32, minval=-1.0, maxval=1.0)
    return {"x": x, "table": table}


def reference(x, table):
    # embedding lookup scaled by sqrt(embd_dim)
    emb = jnp.take(table, x, axis=0)
    return emb * jnp.sqrt(jnp.float32(EMBD_DIM))

if __name__ == "__main__":
    import jax
    _d = setup_inputs()
    print(jax.jit(kernel)(*tuple(_d.values())))

</pallas_src>

<mosaic_0001>
#map = affine_map<(d0, d1) -> (0, 0)>
#map1 = affine_map<(d0, d1) -> (0, 0, 0, 0, 0)>
module attributes {stable_mosaic.version = 14 : i64} {
  func.func @k(%arg0: i32, %arg1: i32, %arg2: memref<2000000x64xf32, #tpu.memory_space<hbm>>, %arg3: memref<200x4096xi32, #tpu.memory_space<hbm>>, %arg4: memref<200x8x32x8x128xf32, #tpu.memory_space<hbm>>, %arg5: memref<200x128xi32, #tpu.memory_space<vmem>>, %arg6: memref<128x64xf32, #tpu.memory_space<vmem>>, %arg7: memref<128x64xf32, #tpu.memory_space<vmem>>, %arg8: memref<8x8x129xf32, #tpu.memory_space<vmem>>, %arg9: memref<8x8x129xf32, #tpu.memory_space<vmem>>, %arg10: memref<!tpu.dma_semaphore, #tpu.memory_space<semaphore_mem>>, %arg11: memref<!tpu.dma_semaphore, #tpu.memory_space<semaphore_mem>>, %arg12: memref<!tpu.dma_semaphore, #tpu.memory_space<semaphore_mem>>, %arg13: memref<!tpu.dma_semaphore, #tpu.memory_space<semaphore_mem>>) attributes {dimension_semantics = [#tpu.dimension_semantics<core_parallel>, #tpu.dimension_semantics<subcore_parallel>], iteration_bounds = array<i64: 2, 16>, scalar_prefetch = 0 : i64, scratch_operands = 9 : i64, tpu.core_type = #tpu.core_type<sc_vector_subcore>, window_params = [{transform_indices = #map}, {transform_indices = #map}, {transform_indices = #map1}]} {
    %mul3A = arith.constant 2 : i32
    %mul3A_0 = arith.muli %arg1, %mul3A : i32
    %add3A = arith.addi %mul3A_0, %arg0 : i32
    %mul3A_1 = arith.constant 128 : i32
    %mul3A_2 = arith.muli %add3A, %mul3A_1 : i32
    "tpu.region"() ({
      %run_scoped3A = tpu.sem_alloc : memref<!tpu.dma_semaphore, #tpu.memory_space<semaphore_mem>>
      %dma_start3A_160 = arith.constant 0 : i32
      %dma_start3A_161 = tpu.memref_slice %arg3[%dma_start3A_160, %mul3A_2] : memref<200x4096xi32, #tpu.memory_space<hbm>> -> memref<200x128xi32, #tpu.memory_space<hbm>>
      %dma_start3A_162 = arith.constant 0 : i32
      %dma_start3A_163 = tpu.memref_slice %arg3[%dma_start3A_162, %mul3A_2] : memref<200x4096xi32, #tpu.memory_space<hbm>> -> memref<200x128xi32, #tpu.memory_space<hbm>>
      tpu.enqueue_dma source(%dma_start3A_163 : memref<200x128xi32, #tpu.memory_space<hbm>>) target(%arg5 : memref<200x128xi32, #tpu.memory_space<vmem>>) target_semaphore(%run_scoped3A : memref<!tpu.dma_semaphore, #tpu.memory_space<semaphore_mem>>)
      %dma_wait3A_164 = arith.constant 0 : i32
      %dma_wait3A_165 = tpu.memref_slice %arg3[%dma_wait3A_164, %mul3A_2] : memref<200x4096xi32, #tpu.memory_space<hbm>> -> memref<200x128xi32, #tpu.memory_space<hbm>>
      %dma_wait3A_166 = arith.constant 0 : i32
      %dma_wait3A_167 = tpu.memref_slice %arg3[%dma_wait3A_166, %mul3A_2] : memref<200x4096xi32, #tpu.memory_space<hbm>> -> memref<200x128xi32, #tpu.memory_space<hbm>>
      tpu.wait_dma2 semaphore(%run_scoped3A : memref<!tpu.dma_semaphore, #tpu.memory_space<semaphore_mem>>) src(%dma_wait3A_167 : memref<200x128xi32, #tpu.memory_space<hbm>>) dst(%arg5 : memref<200x128xi32, #tpu.memory_space<vmem>>)
      tpu.yield
    }) : () -> ()
    %parallel_loop3A = arith.constant 0 : i32
    %parallel_loop3A_3 = arith.constant 200 : i32
    %parallel_loop3A_4 = arith.constant 1 : i32
    scf.for %parallel_loop3A_160 = %parallel_loop3A to %parallel_loop3A_3 step %parallel_loop3A_4  : i32 {
      %parallel_loop3A_161 = arith.index_cast %parallel_loop3A_160 : i32 to index
      %parallel_loop3A_162 = arith.constant 0 : index
      %parallel_loop3A_163 = tpu.vector_load %arg5[%parallel_loop3A_161, %parallel_loop3A_162] {strides = array<i32>} : memref<200x128xi32, #tpu.memory_space<vmem>>, vector<16xi32>,
      %parallel_loop3A_164 = arith.constant 2 : i32
      %parallel_loop3A_165 = vector.broadcast %parallel_loop3A_164 : i32 to vector<16xi32>
      %parallel_loop3A_166 = arith.muli %parallel_loop3A_163, %parallel_loop3A_165 : vector<16xi32>
      %parallel_loop3A_167 = arith.index_cast %parallel_loop3A_160 : i32 to index
      %parallel_loop3A_168 = arith.constant 0 : index
      %parallel_loop3A_169 = tpu.vector_load %arg5[%parallel_loop3A_167, %parallel_loop3A_168] {strides = array<i32>} : memref<200x128xi32, #tpu.memory_space<vmem>>, vector<16xi32>,
      tpu.vector_store %arg5[%parallel_loop3A_167, %parallel_loop3A_168], %parallel_loop3A_166 {strides = array<i32>} : memref<200x128xi32, #tpu.memory_space<vmem>>, vector<16xi32>,
      %parallel_loop3A_170 = arith.index_cast %parallel_loop3A_160 : i32 to index
      %parallel_loop3A_171 = arith.constant 16 : index
      %parallel_loop3A_172 = tpu.vector_load %arg5[%parallel_loop3A_170, %parallel_loop3A_171] {strides = array<i32>} : memref<200x128xi32, #tpu.memory_space<vmem>>, vector<16xi32>,
      %parallel_loop3A_173 = arith.constant 2 : i32
      %parallel_loop3A_174 = vector.broadcast %parallel_loop3A_173 : i32 to vector<16xi32>
      %parallel_loop3A_175 = arith.muli %parallel_loop3A_172, %parallel_loop3A_174 : vector<16xi32>
      %parallel_loop3A_176 = arith.index_cast %parallel_loop3A_160 : i32 to index
      %parallel_loop3A_177 = arith.constant 16 : index
      %parallel_loop3A_178 = tpu.vector_load %arg5[%parallel_loop3A_176, %parallel_loop3A_177] {strides = array<i32>} : memref<200x128xi32, #tpu.memory_space<vmem>>, vector<16xi32>,
      tpu.vector_store %arg5[%parallel_loop3A_176, %parallel_loop3A_177], %parallel_loop3A_175 {strides = array<i32>} : memref<200x128xi32, #tpu.memory_space<vmem>>, vector<16xi32>,
      %parallel_loop3A_179 = arith.index_cast %parallel_loop3A_160 : i32 to index
      %parallel_loop3A_180 = arith.constant 32 : index
      %parallel_loop3A_181 = tpu.vector_load %arg5[%parallel_loop3A_179, %parallel_loop3A_180] {strides = array<i32>} : memref<200x128xi32, #tpu.memory_space<vmem>>, vector<16xi32>,
      %parallel_loop3A_182 = arith.constant 2 : i32
      %parallel_loop3A_183 = vector.broadcast %parallel_loop3A_182 : i32 to vector<16xi32>
      %parallel_loop3A_184 = arith.muli %parallel_loop3A_181, %parallel_loop3A_183 : vector<16xi32>
      %parallel_loop3A_185 = arith.index_cast %parallel_loop3A_160 : i32 to index
      %parallel_loop3A_186 = arith.constant 32 : index
      %parallel_loop3A_187 = tpu.vector_load %arg5[%parallel_loop3A_185, %parallel_loop3A_186] {strides = array<i32>} : memref<200x128xi32, #tpu.memory_space<vmem>>, vector<16xi32>,
      tpu.vector_store %arg5[%parallel_loop3A_185, %parallel_loop3A_186], %parallel_loop3A_184 {strides = array<i32>} : memref<200x128xi32, #tpu.memory_space<vmem>>, vector<16xi32>,
      %parallel_loop3A_188 = arith.index_cast %parallel_loop3A_160 : i32 to index
      %parallel_loop3A_189 = arith.constant 48 : index
      %parallel_loop3A_190 = tpu.vector_load %arg5[%parallel_loop3A_188, %parallel_loop3A_189] {strides = array<i32>} : memref<200x128xi32, #tpu.memory_space<vmem>>, vector<16xi32>,
      %parallel_loop3A_191 = arith.constant 2 : i32
      %parallel_loop3A_192 = vector.broadcast %parallel_loop3A_191 : i32 to vector<16xi32>
      %parallel_loop3A_193 = arith.muli %parallel_loop3A_190, %parallel_loop3A_192 : vector<16xi32>
      %parallel_loop3A_194 = arith.index_cast %parallel_loop3A_160 : i32 to index
      %parallel_loop3A_195 = arith.constant 48 : index
      %parallel_loop3A_196 = tpu.vector_load %arg5[%parallel_loop3A_194, %parallel_loop3A_195] {strides = array<i32>} : memref<200x128xi32, #tpu.memory_space<vmem>>, vector<16xi32>,
      tpu.vector_store %arg5[%parallel_loop3A_194, %parallel_loop3A_195], %parallel_loop3A_193 {strides = array<i32>} : memref<200x128xi32, #tpu.memory_space<vmem>>, vector<16xi32>,
      %parallel_loop3A_197 = arith.index_cast %parallel_loop3A_160 : i32 to index
      %parallel_loop3A_198 = arith.constant 64 : index
      %parallel_loop3A_199 = tpu.vector_load %arg5[%parallel_loop3A_197, %parallel_loop3A_198] {strides = array<i32>} : memref<200x128xi32, #tpu.memory_space<vmem>>, vector<16xi32>,
      %parallel_loop3A_200 = arith.constant 2 : i32
      %parallel_loop3A_201 = vector.broadcast %parallel_loop3A_200 : i32 to vector<16xi32>
      %parallel_loop3A_202 = arith.muli %parallel_loop3A_199, %parallel_loop3A_201 : vector<16xi32>
      %parallel_loop3A_203 = arith.index_cast %parallel_loop3A_160 : i32 to index
      %parallel_loop3A_204 = arith.constant 64 : index
      %parallel_loop3A_205 = tpu.vector_load %arg5[%parallel_loop3A_203, %parallel_loop3A_204] {strides = array<i32>} : memref<200x128xi32, #tpu.memory_space<vmem>>, vector<16xi32>,
      tpu.vector_store %arg5[%parallel_loop3A_203, %parallel_loop3A_204], %parallel_loop3A_202 {strides = array<i32>} : memref<200x128xi32, #tpu.memory_space<vmem>>, vector<16xi32>,
      %parallel_loop3A_206 = arith.index_cast %parallel_loop3A_160 : i32 to index
      %parallel_loop3A_207 = arith.constant 80 : index
      %parallel_loop3A_208 = tpu.vector_load %arg5[%parallel_loop3A_206, %parallel_loop3A_207] {strides = array<i32>} : memref<200x128xi32, #tpu.memory_space<vmem>>, vector<16xi32>,
      %parallel_loop3A_209 = arith.constant 2 : i32
      %parallel_loop3A_210 = vector.broadcast %parallel_loop3A_209 : i32 to vector<16xi32>
      %parallel_loop3A_211 = arith.muli %parallel_loop3A_208, %parallel_loop3A_210 : vector<16xi32>
      %parallel_loop3A_212 = arith.index_cast %parallel_loop3A_160 : i32 to index
      %parallel_loop3A_213 = arith.constant 80 : index
      %parallel_loop3A_214 = tpu.vector_load %arg5[%parallel_loop3A_212, %parallel_loop3A_213] {strides = array<i32>} : memref<200x128xi32, #tpu.memory_space<vmem>>, vector<16xi32>,
      tpu.vector_store %arg5[%parallel_loop3A_212, %parallel_loop3A_213], %parallel_loop3A_211 {strides = array<i32>} : memref<200x128xi32, #tpu.memory_space<vmem>>, vector<16xi32>,
      %parallel_loop3A_215 = arith.index_cast %parallel_loop3A_160 : i32 to index
      %parallel_loop3A_216 = arith.constant 96 : index
      %parallel_loop3A_217 = tpu.vector_load %arg5[%parallel_loop3A_215, %parallel_loop3A_216] {strides = array<i32>} : memref<200x128xi32, #tpu.memory_space<vmem>>, vector<16xi32>,
      %parallel_loop3A_218 = arith.constant 2 : i32
      %parallel_loop3A_219 = vector.broadcast %parallel_loop3A_218 : i32 to vector<16xi32>
      %parallel_loop3A_220 = arith.muli %parallel_loop3A_217, %parallel_loop3A_219 : vector<16xi32>
      %parallel_loop3A_221 = arith.index_cast %parallel_loop3A_160 : i32 to index
      %parallel_loop3A_222 = arith.constant 96 : index
      %parallel_loop3A_223 = tpu.vector_load %arg5[%parallel_loop3A_221, %parallel_loop3A_222] {strides = array<i32>} : memref<200x128xi32, #tpu.memory_space<vmem>>, vector<16xi32>,
      tpu.vector_store %arg5[%parallel_loop3A_221, %parallel_loop3A_222], %parallel_loop3A_220 {strides = array<i32>} : memref<200x128xi32, #tpu.memory_space<vmem>>, vector<16xi32>,
      %parallel_loop3A_224 = arith.index_cast %parallel_loop3A_160 : i32 to index
      %parallel_loop3A_225 = arith.constant 112 : index
      %parallel_loop3A_226 = tpu.vector_load %arg5[%parallel_loop3A_224, %parallel_loop3A_225] {strides = array<i32>} : memref<200x128xi32, #tpu.memory_space<vmem>>, vector<16xi32>,
      %parallel_loop3A_227 = arith.constant 2 : i32
      %parallel_loop3A_228 = vector.broadcast %parallel_loop3A_227 : i32 to vector<16xi32>
      %parallel_loop3A_229 = arith.muli %parallel_loop3A_226, %parallel_loop3A_228 : vector<16xi32>
      %parallel_loop3A_230 = arith.index_cast %parallel_loop3A_160 : i32 to index
      %parallel_loop3A_231 = arith.constant 112 : index
      %parallel_loop3A_232 = tpu.vector_load %arg5[%parallel_loop3A_230, %parallel_loop3A_231] {strides = array<i32>} : memref<200x128xi32, #tpu.memory_space<vmem>>, vector<16xi32>,
      tpu.vector_store %arg5[%parallel_loop3A_230, %parallel_loop3A_231], %parallel_loop3A_229 {strides = array<i32>} : memref<200x128xi32, #tpu.memory_space<vmem>>, vector<16xi32>,
    } {sc.loop_unroll_factor = 4 : i64, sc.parallel_access}
    %dma_start3A = arith.constant 0 : i32
    %dma_start3A_5 = arith.constant 0 : i32
    %dma_start3A_6 = tpu.memref_slice %arg5[%dma_start3A, %dma_start3A_5] : memref<200x128xi32, #tpu.memory_space<vmem>> -> memref<1x128xi32, #tpu.memory_space<vmem>>
    %dma_start3A_7 = tpu.memref_squeeze %dma_start3A_6 : memref<1x128xi32, #tpu.memory_space<vmem>> -> memref<128xi32, #tpu.memory_space<vmem>>
    %dma_start3A_8 = arith.constant 0 : i32
    %dma_start3A_9 = arith.constant 0 : i32
    %dma_start3A_10 = tpu.memref_slice %arg2[%dma_start3A_8, %dma_start3A_9] : memref<2000000x64xf32, #tpu.memory_space<hbm>> -> memref<2000000x64xf32, #tpu.memory_space<hbm>>
    tpu.enqueue_indirect_dma source(%dma_start3A_10 : memref<2000000x64xf32, #tpu.memory_space<hbm>>) target(%arg6 : memref<128x64xf32, #tpu.memory_space<vmem>>) offsets(%dma_start3A_7 : memref<128xi32, #tpu.memory_space<vmem>>) semaphore(%arg10 : memref<!tpu.dma_semaphore, #tpu.memory_space<semaphore_mem>>)
    %dma_start3A_11 = arith.constant 1 : i32
    %dma_start3A_12 = arith.constant 0 : i32
    %dma_start3A_13 = tpu.memref_slice %arg5[%dma_start3A_11, %dma_start3A_12] : memref<200x128xi32, #tpu.memory_space<vmem>> -> memref<1x128xi32, #tpu.memory_space<vmem>>
    %dma_start3A_14 = tpu.memref_squeeze %dma_start3A_13 : memref<1x128xi32, #tpu.memory_space<vmem>> -> memref<128xi32, #tpu.memory_space<vmem>>
    %dma_start3A_15 = arith.constant 0 : i32
    %dma_start3A_16 = arith.constant 0 : i32
    %dma_start3A_17 = tpu.memref_slice %arg2[%dma_start3A_15, %dma_start3A_16] : memref<2000000x64xf32, #tpu.memory_space<hbm>> -> memref<2000000x64xf32, #tpu.memory_space<hbm>>
    tpu.enqueue_indirect_dma source(%dma_start3A_17 : memref<2000000x64xf32, #tpu.memory_space<hbm>>) target(%arg7 : memref<128x64xf32, #tpu.memory_space<vmem>>) offsets(%dma_start3A_14 : memref<128xi32, #tpu.memory_space<vmem>>) semaphore(%arg11 : memref<!tpu.dma_semaphore, #tpu.memory_space<semaphore_mem>>)
    %scan3A = arith.constant 0 : i32
    %scan3A_18 = arith.constant 0 : i32
    %scan3A_19 = arith.constant 99 : i32
    %scan3A_20 = arith.addi %scan3A_18, %scan3A_19 : i32
    %scan3A_21 = arith.constant 1 : i32
    scf.for %scan3A_160 = %scan3A_18 to %scan3A_20 step %scan3A_21  : i32 {
      %mul3A_161 = arith.constant 2 : i32
      %mul3A_162 = arith.muli %scan3A_160, %mul3A_161 : i32
      %add3A_163 = arith.constant 0 : i32
      %add3A_164 = arith.addi %mul3A_162, %add3A_163 : i32
      %dma_wait3A_165 = arith.constant 0 : i32
      %dma_wait3A_166 = arith.constant 0 : i32
      %dma_wait3A_167 = tpu.memref_slice %arg5[%dma_wait3A_165, %dma_wait3A_166] : memref<200x128xi32, #tpu.memory_space<vmem>> -> memref<1x128xi32, #tpu.memory_space<vmem>>
      %dma_wait3A_168 = tpu.memref_squeeze %dma_wait3A_167 : memref<1x128xi32, #tpu.memory_space<vmem>> -> memref<128xi32, #tpu.memory_space<vmem>>
      %dma_wait3A_169 = arith.constant 0 : i32
      %dma_wait3A_170 = arith.constant 0 : i32
      %dma_wait3A_171 = tpu.memref_slice %arg2[%dma_wait3A_169, %dma_wait3A_170] : memref<2000000x64xf32, #tpu.memory_space<hbm>> -> memref<2000000x64xf32, #tpu.memory_space<hbm>>
      tpu.wait_indirect_dma semaphore(%arg10 : memref<!tpu.dma_semaphore, #tpu.memory_space<semaphore_mem>>) src(%dma_wait3A_171 : memref<2000000x64xf32, #tpu.memory_space<hbm>>) dst(%arg6 : memref<128x64xf32, #tpu.memory_space<vmem>>)
      %gt3A = arith.constant 0 : i32
      %gt3A_172 = arith.cmpi sgt, %scan3A_160, %gt3A : i32
      %convert_element_type3A = arith.extui %gt3A_172 : i1 to i32
      %cond3A = arith.constant 0 : i32
      %cond3A_173 = arith.cmpi ne, %convert_element_type3A, %cond3A : i32
      scf.if %cond3A_173 {
        %dma_wait3A_248 = arith.constant 0 : i32
        %dma_wait3A_249 = arith.constant 0 : i32
        %dma_wait3A_250 = arith.constant 0 : i32
        %dma_wait3A_251 = arith.constant 0 : i32
        %dma_wait3A_252 = arith.constant 0 : i32
        %dma_wait3A_253 = tpu.memref_slice %arg8[%dma_wait3A_250, %dma_wait3A_251, %dma_wait3A_252] : memref<8x8x129xf32, #tpu.memory_space<vmem>> -> memref<8x8x128xf32, #tpu.memory_space<vmem>>
        %dma_wait3A_254 = arith.constant 0 : i32
        %dma_wait3A_255 = arith.constant 0 : i32
        %dma_wait3A_256 = arith.constant 0 : i32
        %dma_wait3A_257 = tpu.memref_slice %arg4[%dma_wait3A_248, %dma_wait3A_254, %dma_wait3A_249, %dma_wait3A_255, %dma_wait3A_256] : memref<200x8x32x8x128xf32, #tpu.memory_space<hbm>> -> memref<1x8x1x8x128xf32, #tpu.memory_space<hbm>>
        %dma_wait3A_258 = tpu.memref_squeeze %dma_wait3A_257 : memref<1x8x1x8x128xf32, #tpu.memory_space<hbm>> -> memref<8x8x128xf32, #tpu.memory_space<hbm>>
        %dma_wait3A_259 = arith.constant 0 : i32
        %dma_wait3A_260 = arith.constant 0 : i32
        %dma_wait3A_261 = arith.constant 0 : i32
        %dma_wait3A_262 = tpu.memref_slice %arg4[%dma_wait3A_248, %dma_wait3A_259, %dma_wait3A_249, %dma_wait3A_260, %dma_wait3A_261] : memref<200x8x32x8x128xf32, #tpu.memory_space<hbm>> -> memref<1x8x1x8x128xf32, #tpu.memory_space<hbm>>
        %dma_wait3A_263 = tpu.memref_squeeze %dma_wait3A_262 : memref<1x8x1x8x128xf32, #tpu.memory_space<hbm>> -> memref<8x8x128xf32, #tpu.memory_space<hbm>>
        %dma_wait3A_264 = arith.constant 0 : i32
        %dma_wait3A_265 = arith.constant 0 : i32
        %dma_wait3A_266 = arith.constant 0 : i32
        %dma_wait3A_267 = tpu.memref_slice %arg8[%dma_wait3A_264, %dma_wait3A_265, %dma_wait3A_266] : memref<8x8x129xf32, #tpu.memory_space<vmem>> -> memref<8x8x128xf32, #tpu.memory_space<vmem>>
        tpu.wait_dma2 semaphore(%arg12 : memref<!tpu.dma_semaphore, #tpu.memory_space<semaphore_mem>>) src(%dma_wait3A_267 : memref<8x8x128xf32, #tpu.memory_space<vmem>>) dst(%dma_wait3A_263 : memref<8x8x128xf32, #tpu.memory_space<hbm>>)
      } else {
      }
      %parallel_loop3A_174 = arith.constant 0 : i32
      %parallel_loop3A_175 = arith.constant 128 : i32
      %parallel_loop3A_176 = arith.constant 1 : i32
      scf.for %parallel_loop3A_248 = %parallel_loop3A_174 to %parallel_loop3A_175 step %parallel_loop3A_176  : i32 {
        %parallel_loop3A_249 = vector.broadcast %parallel_loop3A_248 : i32 to vector<16xi32>
        %parallel_loop3A_250 = tpu.iota {dimensions = array<i32: 0>} : vector<16xi32>
        %parallel_loop3A_251 = arith.constant 0 : i32
        %parallel_loop3A_252 = vector.broadcast %parallel_loop3A_251 : i32 to vector<16xi32>
        %parallel_loop3A_253 = arith.addi %parallel_loop3A_250, %parallel_loop3A_252 : vector<16xi32>
        %parallel_loop3A_254 = arith.index_cast %parallel_loop3A_248 : i32 to index
        %parallel_loop3A_255 = arith.constant 0 : index
        %parallel_loop3A_256 = tpu.vector_load %arg6[%parallel_loop3A_254, %parallel_loop3A_255] {strides = array<i32>} : memref<128x64xf32, #tpu.memory_space<vmem>>, vector<16xf32>,
        %parallel_loop3A_257 = arith.constant 8 : i32
        %parallel_loop3A_258 = vector.broadcast %parallel_loop3A_257 : i32 to vector<16xi32>
        %parallel_loop3A_259 = arith.divsi %parallel_loop3A_253, %parallel_loop3A_258 : vector<16xi32>
        %parallel_loop3A_260 = arith.constant 0 : i32
        %parallel_loop3A_261 = vector.broadcast %parallel_loop3A_260 : i32 to vector<16xi32>
        %parallel_loop3A_262 = arith.cmpi sgt, %parallel_loop3A_253, %parallel_loop3A_261 : vector<16xi32>
        %parallel_loop3A_263 = arith.extui %parallel_loop3A_262 : vector<16xi1> to vector<16xi32>
        %parallel_loop3A_264 = arith.constant 0 : i32
        %parallel_loop3A_265 = vector.broadcast %parallel_loop3A_264 : i32 to vector<16xi32>
        %parallel_loop3A_266 = arith.cmpi slt, %parallel_loop3A_253, %parallel_loop3A_265 : vector<16xi32>
        %parallel_loop3A_267 = arith.extui %parallel_loop3A_266 : vector<16xi1> to vector<16xi32>
        %parallel_loop3A_268 = arith.subi %parallel_loop3A_263, %parallel_loop3A_267 : vector<16xi32>
        %parallel_loop3A_269 = arith.constant 0 : i32
        %parallel_loop3A_270 = arith.cmpi sgt, %parallel_loop3A_257, %parallel_loop3A_269 : i32
        %parallel_loop3A_271 = arith.extui %parallel_loop3A_270 : i1 to i32
        %parallel_loop3A_272 = arith.constant 0 : i32
        %parallel_loop3A_273 = arith.cmpi slt, %parallel_loop3A_257, %parallel_loop3A_272 : i32
        %parallel_loop3A_274 = arith.extui %parallel_loop3A_273 : i1 to i32
        %parallel_loop3A_275 = arith.subi %parallel_loop3A_271, %parallel_loop3A_274 : i32
        %parallel_loop3A_276 = vector.broadcast %parallel_loop3A_275 : i32 to vector<16xi32>
        %parallel_loop3A_277 = arith.cmpi ne, %parallel_loop3A_268, %parallel_loop3A_276 : vector<16xi32>
        %parallel_loop3A_278 = vector.broadcast %parallel_loop3A_257 : i32 to vector<16xi32>
        %parallel_loop3A_279 = arith.remsi %parallel_loop3A_253, %parallel_loop3A_278 : vector<16xi32>
        %parallel_loop3A_280 = arith.constant 0 : i32
        %parallel_loop3A_281 = vector.broadcast %parallel_loop3A_280 : i32 to vector<16xi32>
        %parallel_loop3A_282 = arith.cmpi ne, %parallel_loop3A_279, %parallel_loop3A_281 : vector<16xi32>
        %parallel_loop3A_283 = arith.andi %parallel_loop3A_277, %parallel_loop3A_282 : vector<16xi1>
        %parallel_loop3A_284 = arith.constant 1 : i32
        %parallel_loop3A_285 = vector.broadcast %parallel_loop3A_284 : i32 to vector<16xi32>
        %parallel_loop3A_286 = arith.subi %parallel_loop3A_259, %parallel_loop3A_285 : vector<16xi32>
        %parallel_loop3A_287 = arith.select %parallel_loop3A_283, %parallel_loop3A_286, %parallel_loop3A_259 : vector<16xi1>, vector<16xi32>
        %parallel_loop3A_288 = arith.constant 8 : i32
        %parallel_loop3A_289 = arith.constant 0 : i32
        %parallel_loop3A_290 = arith.cmpi eq, %parallel_loop3A_288, %parallel_loop3A_289 : i32
        %parallel_loop3A_291 = arith.constant 1 : i32
        %parallel_loop3A_292 = arith.select %parallel_loop3A_290, %parallel_loop3A_291, %parallel_loop3A_288 : i32
        %parallel_loop3A_293 = vector.broadcast %parallel_loop3A_292 : i32 to vector<16xi32>
        %parallel_loop3A_294 = arith.remsi %parallel_loop3A_253, %parallel_loop3A_293 : vector<16xi32>
        %parallel_loop3A_295 = arith.constant 0 : i32
        %parallel_loop3A_296 = vector.broadcast %parallel_loop3A_295 : i32 to vector<16xi32>
        %parallel_loop3A_297 = arith.cmpi ne, %parallel_loop3A_294, %parallel_loop3A_296 : vector<16xi32>
        %parallel_loop3A_298 = arith.constant 0 : i32
        %parallel_loop3A_299 = vector.broadcast %parallel_loop3A_298 : i32 to vector<16xi32>
        %parallel_loop3A_300 = arith.cmpi slt, %parallel_loop3A_294, %parallel_loop3A_299 : vector<16xi32>
        %parallel_loop3A_301 = arith.constant 0 : i32
        %parallel_loop3A_302 = arith.cmpi slt, %parallel_loop3A_292, %parallel_loop3A_301 : i32
        %parallel_loop3A_303 = vector.broadcast %parallel_loop3A_302 : i1 to vector<16xi1>
        %parallel_loop3A_304 = vector.broadcast %parallel_loop3A_303 : vector<16xi1> to vector<16xi1>
        %parallel_loop3A_305 = arith.xori %parallel_loop3A_300, %parallel_loop3A_304 : vector<16xi1>
        %parallel_loop3A_306 = arith.andi %parallel_loop3A_305, %parallel_loop3A_297 : vector<16xi1>
        %parallel_loop3A_307 = vector.broadcast %parallel_loop3A_292 : i32 to vector<16xi32>
        %parallel_loop3A_308 = arith.addi %parallel_loop3A_294, %parallel_loop3A_307 : vector<16xi32>
        %parallel_loop3A_309 = arith.select %parallel_loop3A_306, %parallel_loop3A_308, %parallel_loop3A_294 : vector<16xi1>, vector<16xi32>
        %parallel_loop3A_310 = arith.constant 8.000000e+00 : f32
        %parallel_loop3A_311 = vector.broadcast %parallel_loop3A_310 : f32 to vector<16xf32>
        %parallel_loop3A_312 = arith.mulf %parallel_loop3A_256, %parallel_loop3A_311 : vector<16xf32>
        tpu.vector_store_idx %arg8[%parallel_loop3A_287, %parallel_loop3A_309, %parallel_loop3A_249], %parallel_loop3A_312 : memref<8x8x129xf32, #tpu.memory_space<vmem>>[vector<16xi32>, vector<16xi32>, vector<16xi32>], vector<16xf32>,
        %parallel_loop3A_313 = tpu.iota {dimensions = array<i32: 0>} : vector<16xi32>
        %parallel_loop3A_314 = arith.constant 16 : i32
        %parallel_loop3A_315 = vector.broadcast %parallel_loop3A_314 : i32 to vector<16xi32>
        %parallel_loop3A_316 = arith.addi %parallel_loop3A_313, %parallel_loop3A_315 : vector<16xi32>
        %parallel_loop3A_317 = arith.index_cast %parallel_loop3A_248 : i32 to index
        %parallel_loop3A_318 = arith.constant 16 : index
        %parallel_loop3A_319 = tpu.vector_load %arg6[%parallel_loop3A_317, %parallel_loop3A_318] {strides = array<i32>} : memref<128x64xf32, #tpu.memory_space<vmem>>, vector<16xf32>,
        %parallel_loop3A_320 = arith.constant 8 : i32
        %parallel_loop3A_321 = vector.broadcast %parallel_loop3A_320 : i32 to vector<16xi32>
        %parallel_loop3A_322 = arith.divsi %parallel_loop3A_316, %parallel_loop3A_321 : vector<16xi32>
        %parallel_loop3A_323 = arith.constant 0 : i32
        %parallel_loop3A_324 = vector.broadcast %parallel_loop3A_323 : i32 to vector<16xi32>
        %parallel_loop3A_325 = arith.cmpi sgt, %parallel_loop3A_316, %parallel_loop3A_324 : vector<16xi32>
        %parallel_loop3A_326 = arith.extui %parallel_loop3A_325 : vector<16xi1> to vector<16xi32>
        %parallel_loop3A_327 = arith.constant 0 : i32
        %parallel_loop3A_328 = vector.broadcast %parallel_loop3A_327 : i32 to vector<16xi32>
        %parallel_loop3A_329 = arith.cmpi slt, %parallel_loop3A_316, %parallel_loop3A_328 : vector<16xi32>
        %parallel_loop3A_330 = arith.extui %parallel_loop3A_329 : vector<16xi1> to vector<16xi32>
        %parallel_loop3A_331 = arith.subi %parallel_loop3A_326, %parallel_loop3A_330 : vector<16xi32>
        %parallel_loop3A_332 = arith.constant 0 : i32
        %parallel_loop3A_333 = arith.cmpi sgt, %parallel_loop3A_320, %parallel_loop3A_332 : i32
        %parallel_loop3A_334 = arith.extui %parallel_loop3A_333 : i1 to i32
        %parallel_loop3A_335 = arith.constant 0 : i32
        %parallel_loop3A_336 = arith.cmpi slt, %parallel_loop3A_320, %parallel_loop3A_335 : i32
        %parallel_loop3A_337 = arith.extui %parallel_loop3A_336 : i1 to i32
        %parallel_loop3A_338 = arith.subi %parallel_loop3A_334, %parallel_loop3A_337 : i32
        %parallel_loop3A_339 = vector.broadcast %parallel_loop3A_338 : i32 to vector<16xi32>
        %parallel_loop3A_340 = arith.cmpi ne, %parallel_loop3A_331, %parallel_loop3A_339 : vector<16xi32>
        %parallel_loop3A_341 = vector.broadcast %parallel_loop3A_320 : i32 to vector<16xi32>
        %parallel_loop3A_342 = arith.remsi %parallel_loop3A_316, %parallel_loop3A_341 : vector<16xi32>
        %parallel_loop3A_343 = arith.constant 0 : i32
        %parallel_loop3A_344 = vector.broadcast %parallel_loop3A_343 : i32 to vector<16xi32>
        %parallel_loop3A_345 = arith.cmpi ne, %parallel_loop3A_342, %parallel_loop3A_344 : vector<16xi32>
        %parallel_loop3A_346 = arith.andi %parallel_loop3A_340, %parallel_loop3A_345 : vector<16xi1>
        %parallel_loop3A_347 = arith.constant 1 : i32
        %parallel_loop3A_348 = vector.broadcast %parallel_loop3A_347 : i32 to vector<16xi32>
        %parallel_loop3A_349 = arith.subi %parallel_loop3A_322, %parallel_loop3A_348 : vector<16xi32>
        %parallel_loop3A_350 = arith.select %parallel_loop3A_346, %parallel_loop3A_349, %parallel_loop3A_322 : vector<16xi1>, vector<16xi32>
        %parallel_loop3A_351 = arith.constant 8 : i32
        %parallel_loop3A_352 = arith.constant 0 : i32
        %parallel_loop3A_353 = arith.cmpi eq, %parallel_loop3A_351, %parallel_loop3A_352 : i32
        %parallel_loop3A_354 = arith.constant 1 : i32
        %parallel_loop3A_355 = arith.select %parallel_loop3A_353, %parallel_loop3A_354, %parallel_loop3A_351 : i32
        %parallel_loop3A_356 = vector.broadcast %parallel_loop3A_355 : i32 to vector<16xi32>
        %parallel_loop3A_357 = arith.remsi %parallel_loop3A_316, %parallel_loop3A_356 : vector<16xi32>
        %parallel_loop3A_358 = arith.constant 0 : i32
        %parallel_loop3A_359 = vector.broadcast %parallel_loop3A_358 : i32 to vector<16xi32>
        %parallel_loop3A_360 = arith.cmpi ne, %parallel_loop3A_357, %parallel_loop3A_359 : vector<16xi32>
        %parallel_loop3A_361 = arith.constant 0 : i32
        %parallel_loop3A_362 = vector.broadcast %parallel_loop3A_361 : i32 to vector<16xi32>
        %parallel_loop3A_363 = arith.cmpi slt, %parallel_loop3A_357, %parallel_loop3A_362 : vector<16xi32>
        %parallel_loop3A_364 = arith.constant 0 : i32
        %parallel_loop3A_365 = arith.cmpi slt, %parallel_loop3A_355, %parallel_loop3A_364 : i32
        %parallel_loop3A_366 = vector.broadcast %parallel_loop3A_365 : i1 to vector<16xi1>
        %parallel_loop3A_367 = vector.broadcast %parallel_loop3A_366 : vector<16xi1> to vector<16xi1>
        %parallel_loop3A_368 = arith.xori %parallel_loop3A_363, %parallel_loop3A_367 : vector<16xi1>
        %parallel_loop3A_369 = arith.andi %parallel_loop3A_368, %parallel_loop3A_360 : vector<16xi1>
        %parallel_loop3A_370 = vector.broadcast %parallel_loop3A_355 : i32 to vector<16xi32>
        %parallel_loop3A_371 = arith.addi %parallel_loop3A_357, %parallel_loop3A_370 : vector<16xi32>
        %parallel_loop3A_372 = arith.select %parallel_loop3A_369, %parallel_loop3A_371, %parallel_loop3A_357 : vector<16xi1>, vector<16xi32>
        %parallel_loop3A_373 = arith.constant 8.000000e+00 : f32
        %parallel_loop3A_374 = vector.broadcast %parallel_loop3A_373 : f32 to vector<16xf32>
        %parallel_loop3A_375 = arith.mulf %parallel_loop3A_319, %parallel_loop3A_374 : vector<16xf32>
        tpu.vector_store_idx %arg8[%parallel_loop3A_350, %parallel_loop3A_372, %parallel_loop3A_249], %parallel_loop3A_375 : memref<8x8x129xf32, #tpu.memory_space<vmem>>[vector<16xi32>, vector<16xi32>, vector<16xi32>], vector<16xf32>,
        %parallel_loop3A_376 = tpu.iota {dimensions = array<i32: 0>} : vector<16xi32>
        %parallel_loop3A_377 = arith.constant 32 : i32
        %parallel_loop3A_378 = vector.broadcast %parallel_loop3A_377 : i32 to vector<16xi32>
        %parallel_loop3A_379 = arith.addi %parallel_loop3A_376, %parallel_loop3A_378 : vector<16xi32>
        %parallel_loop3A_380 = arith.index_cast %parallel_loop3A_248 : i32 to index
        %parallel_loop3A_381 = arith.constant 32 : index
        %parallel_loop3A_382 = tpu.vector_load %arg6[%parallel_loop3A_380, %parallel_loop3A_381] {strides = array<i32>} : memref<128x64xf32, #tpu.memory_space<vmem>>, vector<16xf32>,
        %parallel_loop3A_383 = arith.constant 8 : i32
        %parallel_loop3A_384 = vector.broadcast %parallel_loop3A_383 : i32 to vector<16xi32>
        %parallel_loop3A_385 = arith.divsi %parallel_loop3A_379, %parallel_loop3A_384 : vector<16xi32>
        %parallel_loop3A_386 = arith.constant 0 : i32
        %parallel_loop3A_387 = vector.broadcast %parallel_loop3A_386 : i32 to vector<16xi32>
        %parallel_loop3A_388 = arith.cmpi sgt, %parallel_loop3A_379, %parallel_loop3A_387 : vector<16xi32>
        %parallel_loop3A_389 = arith.extui %parallel_loop3A_388 : vector<16xi1> to vector<16xi32>
        %parallel_loop3A_390 = arith.constant 0 : i32
        %parallel_loop3A_391 = vector.broadcast %parallel_loop3A_390 : i32 to vector<16xi32>
        %parallel_loop3A_392 = arith.cmpi slt, %parallel_loop3A_379, %parallel_loop3A_391 : vector<16xi32>
        %parallel_loop3A_393 = arith.extui %parallel_loop3A_392 : vector<16xi1> to vector<16xi32>
        %parallel_loop3A_394 = arith.subi %parallel_loop3A_389, %parallel_loop3A_393 : vector<16xi32>
        %parallel_loop3A_395 = arith.constant 0 : i32
        %parallel_loop3A_396 = arith.cmpi sgt, %parallel_loop3A_383, %parallel_loop3A_395 : i32
        %parallel_loop3A_397 = arith.extui %parallel_loop3A_396 : i1 to i32
        %parallel_loop3A_398 = arith.constant 0 : i32
        %parallel_loop3A_399 = arith.cmpi slt, %parallel_loop3A_383, %parallel_loop3A_398 : i32
        %parallel_loop3A_400 = arith.extui %parallel_loop3A_399 : i1 to i32
        %parallel_loop3A_401 = arith.subi %parallel_loop3A_397, %parallel_loop3A_400 : i32
        %parallel_loop3A_402 = vector.broadcast %parallel_loop3A_401 : i32 to vector<16xi32>
        %parallel_loop3A_403 = arith.cmpi ne, %parallel_loop3A_394, %parallel_loop3A_402 : vector<16xi32>
        %parallel_loop3A_404 = vector.broadcast %parallel_loop3A_383 : i32 to vector<16xi32>
        %parallel_loop3A_405 = arith.remsi %parallel_loop3A_379, %parallel_loop3A_404 : vector<16xi32>
        %parallel_loop3A_406 = arith.constant 0 : i32
        %parallel_loop3A_407 = vector.broadcast %parallel_loop3A_406 : i32 to vector<16xi32>
        %parallel_loop3A_408 = arith.cmpi ne, %parallel_loop3A_405, %parallel_loop3A_407 : vector<16xi32>
        %parallel_loop3A_409 = arith.andi %parallel_loop3A_403, %parallel_loop3A_408 : vector<16xi1>
        %parallel_loop3A_410 = arith.constant 1 : i32
        %parallel_loop3A_411 = vector.broadcast %parallel_loop3A_410 : i32 to vector<16xi32>
        %parallel_loop3A_412 = arith.subi %parallel_loop3A_385, %parallel_loop3A_411 : vector<16xi32>
        %parallel_loop3A_413 = arith.select %parallel_loop3A_409, %parallel_loop3A_412, %parallel_loop3A_385 : vector<16xi1>, vector<16xi32>
        %parallel_loop3A_414 = arith.constant 8 : i32
        %parallel_loop3A_415 = arith.constant 0 : i32
        %parallel_loop3A_416 = arith.cmpi eq, %parallel_loop3A_414, %parallel_loop3A_415 : i32
        %parallel_loop3A_417 = arith.constant 1 : i32
        %parallel_loop3A_418 = arith.select %parallel_loop3A_416, %parallel_loop3A_417, %parallel_loop3A_414 : i32
        %parallel_loop3A_419 = vector.broadcast %parallel_loop3A_418 : i32 to vector<16xi32>
        %parallel_loop3A_420 = arith.remsi %parallel_loop3A_379, %parallel_loop3A_419 : vector<16xi32>
        %parallel_loop3A_421 = arith.constant 0 : i32
        %parallel_loop3A_422 = vector.broadcast %parallel_loop3A_421 : i32 to vector<16xi32>
        %parallel_loop3A_423 = arith.cmpi ne, %parallel_loop3A_420, %parallel_loop3A_422 : vector<16xi32>
        %parallel_loop3A_424 = arith.constant 0 : i32
        %parallel_loop3A_425 = vector.broadcast %parallel_loop3A_424 : i32 to vector<16xi32>
        %parallel_loop3A_426 = arith.cmpi slt, %parallel_loop3A_420, %parallel_loop3A_425 : vector<16xi32>
        %parallel_loop3A_427 = arith.constant 0 : i32
        %parallel_loop3A_428 = arith.cmpi slt, %parallel_loop3A_418, %parallel_loop3A_427 : i32
        %parallel_loop3A_429 = vector.broadcast %parallel_loop3A_428 : i1 to vector<16xi1>
        %parallel_loop3A_430 = vector.broadcast %parallel_loop3A_429 : vector<16xi1> to vector<16xi1>
        %parallel_loop3A_431 = arith.xori %parallel_loop3A_426, %parallel_loop3A_430 : vector<16xi1>
        %parallel_loop3A_432 = arith.andi %parallel_loop3A_431, %parallel_loop3A_423 : vector<16xi1>
        %parallel_loop3A_433 = vector.broadcast %parallel_loop3A_418 : i32 to vector<16xi32>
        %parallel_loop3A_434 = arith.addi %parallel_loop3A_420, %parallel_loop3A_433 : vector<16xi32>
        %parallel_loop3A_435 = arith.select %parallel_loop3A_432, %parallel_loop3A_434, %parallel_loop3A_420 : vector<16xi1>, vector<16xi32>
        %parallel_loop3A_436 = arith.constant 8.000000e+00 : f32
        %parallel_loop3A_437 = vector.broadcast %parallel_loop3A_436 : f32 to vector<16xf32>
        %parallel_loop3A_438 = arith.mulf %parallel_loop3A_382, %parallel_loop3A_437 : vector<16xf32>
        tpu.vector_store_idx %arg8[%parallel_loop3A_413, %parallel_loop3A_435, %parallel_loop3A_249], %parallel_loop3A_438 : memref<8x8x129xf32, #tpu.memory_space<vmem>>[vector<16xi32>, vector<16xi32>, vector<16xi32>], vector<16xf32>,
        %parallel_loop3A_439 = tpu.iota {dimensions = array<i32: 0>} : vector<16xi32>
        %parallel_loop3A_440 = arith.constant 48 : i32
        %parallel_loop3A_441 = vector.broadcast %parallel_loop3A_440 : i32 to vector<16xi32>
        %parallel_loop3A_442 = arith.addi %parallel_loop3A_439, %parallel_loop3A_441 : vector<16xi32>
        %parallel_loop3A_443 = arith.index_cast %parallel_loop3A_248 : i32 to index
        %parallel_loop3A_444 = arith.constant 48 : index
        %parallel_loop3A_445 = tpu.vector_load %arg6[%parallel_loop3A_443, %parallel_loop3A_444] {strides = array<i32>} : memref<128x64xf32, #tpu.memory_space<vmem>>, vector<16xf32>,
        %parallel_loop3A_446 = arith.constant 8 : i32
        %parallel_loop3A_447 = vector.broadcast %parallel_loop3A_446 : i32 to vector<16xi32>
        %parallel_loop3A_448 = arith.divsi %parallel_loop3A_442, %parallel_loop3A_447 : vector<16xi32>
        %parallel_loop3A_449 = arith.constant 0 : i32
        %parallel_loop3A_450 = vector.broadcast %parallel_loop3A_449 : i32 to vector<16xi32>
        %parallel_loop3A_451 = arith.cmpi sgt, %parallel_loop3A_442, %parallel_loop3A_450 : vector<16xi32>
        %parallel_loop3A_452 = arith.extui %parallel_loop3A_451 : vector<16xi1> to vector<16xi32>
        %parallel_loop3A_453 = arith.constant 0 : i32
        %parallel_loop3A_454 = vector.broadcast %parallel_loop3A_453 : i32 to vector<16xi32>
        %parallel_loop3A_455 = arith.cmpi slt, %parallel_loop3A_442, %parallel_loop3A_454 : vector<16xi32>
        %parallel_loop3A_456 = arith.extui %parallel_loop3A_455 : vector<16xi1> to vector<16xi32>
        %parallel_loop3A_457 = arith.subi %parallel_loop3A_452, %parallel_loop3A_456 : vector<16xi32>
        %parallel_loop3A_458 = arith.constant 0 : i32
        %parallel_loop3A_459 = arith.cmpi sgt, %parallel_loop3A_446, %parallel_loop3A_458 : i32
        %parallel_loop3A_460 = arith.extui %parallel_loop3A_459 : i1 to i32
        %parallel_loop3A_461 = arith.constant 0 : i32
        %parallel_loop3A_462 = arith.cmpi slt, %parallel_loop3A_446, %parallel_loop3A_461 : i32
        %parallel_loop3A_463 = arith.extui %parallel_loop3A_462 : i1 to i32
        %parallel_loop3A_464 = arith.subi %parallel_loop3A_460, %parallel_loop3A_463 : i32
        %parallel_loop3A_465 = vector.broadcast %parallel_loop3A_464 : i32 to vector<16xi32>
        %parallel_loop3A_466 = arith.cmpi ne, %parallel_loop3A_457, %parallel_loop3A_465 : vector<16xi32>
        %parallel_loop3A_467 = vector.broadcast %parallel_loop3A_446 : i32 to vector<16xi32>
        %parallel_loop3A_468 = arith.remsi %parallel_loop3A_442, %parallel_loop3A_467 : vector<16xi32>
        %parallel_loop3A_469 = arith.constant 0 : i32
        %parallel_loop3A_470 = vector.broadcast %parallel_loop3A_469 : i32 to vector<16xi32>
        %parallel_loop3A_471 = arith.cmpi ne, %parallel_loop3A_468, %parallel_loop3A_470 : vector<16xi32>
        %parallel_loop3A_472 = arith.andi %parallel_loop3A_466, %parallel_loop3A_471 : vector<16xi1>
        %parallel_loop3A_473 = arith.constant 1 : i32
        %parallel_loop3A_474 = vector.broadcast %parallel_loop3A_473 : i32 to vector<16xi32>
        %parallel_loop3A_475 = arith.subi %parallel_loop3A_448, %parallel_loop3A_474 : vector<16xi32>
        %parallel_loop3A_476 = arith.select %parallel_loop3A_472, %parallel_loop3A_475, %parallel_loop3A_448 : vector<16xi1>, vector<16xi32>
        %parallel_loop3A_477 = arith.constant 8 : i32
        %parallel_loop3A_478 = arith.constant 0 : i32
        %parallel_loop3A_479 = arith.cmpi eq, %parallel_loop3A_477, %parallel_loop3A_478 : i32
        %parallel_loop3A_480 = arith.constant 1 : i32
        %parallel_loop3A_481 = arith.select %parallel_loop3A_479, %parallel_loop3A_480, %parallel_loop3A_477 : i32
        %parallel_loop3A_482 = vector.broadcast %parallel_loop3A_481 : i32 to vector<16xi32>
        %parallel_loop3A_483 = arith.remsi %parallel_loop3A_442, %parallel_loop3A_482 : vector<16xi32>
        %parallel_loop3A_484 = arith.constant 0 : i32
        %parallel_loop3A_485 = vector.broadcast %parallel_loop3A_484 : i32 to vector<16xi32>
        %parallel_loop3A_486 = arith.cmpi ne, %parallel_loop3A_483, %parallel_loop3A_485 : vector<16xi32>
        %parallel_loop3A_487 = arith.constant 0 : i32
        %parallel_loop3A_488 = vector.broadcast %parallel_loop3A_487 : i32 to vector<16xi32>
        %parallel_loop3A_489 = arith.cmpi slt, %parallel_loop3A_483, %parallel_loop3A_488 : vector<16xi32>
        %parallel_loop3A_490 = arith.constant 0 : i32
        %parallel_loop3A_491 = arith.cmpi slt, %parallel_loop3A_481, %parallel_loop3A_490 : i32
        %parallel_loop3A_492 = vector.broadcast %parallel_loop3A_491 : i1 to vector<16xi1>
        %parallel_loop3A_493 = vector.broadcast %parallel_loop3A_492 : vector<16xi1> to vector<16xi1>
        %parallel_loop3A_494 = arith.xori %parallel_loop3A_489, %parallel_loop3A_493 : vector<16xi1>
        %parallel_loop3A_495 = arith.andi %parallel_loop3A_494, %parallel_loop3A_486 : vector<16xi1>
        %parallel_loop3A_496 = vector.broadcast %parallel_loop3A_481 : i32 to vector<16xi32>
        %parallel_loop3A_497 = arith.addi %parallel_loop3A_483, %parallel_loop3A_496 : vector<16xi32>
        %parallel_loop3A_498 = arith.select %parallel_loop3A_495, %parallel_loop3A_497, %parallel_loop3A_483 : vector<16xi1>, vector<16xi32>
        %parallel_loop3A_499 = arith.constant 8.000000e+00 : f32
        %parallel_loop3A_500 = vector.broadcast %parallel_loop3A_499 : f32 to vector<16xf32>
        %parallel_loop3A_501 = arith.mulf %parallel_loop3A_445, %parallel_loop3A_500 : vector<16xf32>
        tpu.vector_store_idx %arg8[%parallel_loop3A_476, %parallel_loop3A_498, %parallel_loop3A_249], %parallel_loop3A_501 : memref<8x8x129xf32, #tpu.memory_space<vmem>>[vector<16xi32>, vector<16xi32>, vector<16xi32>], vector<16xf32>,
      } {sc.loop_unroll_factor = 8 : i64, sc.parallel_access}
      %add3A_177 = arith.constant 2 : i32
      %add3A_178 = arith.addi %add3A_164, %add3A_177 : i32
      %dma_start3A_179 = arith.constant 0 : i32
      %dma_start3A_180 = tpu.memref_slice %arg5[%add3A_178, %dma_start3A_179] : memref<200x128xi32, #tpu.memory_space<vmem>> -> memref<1x128xi32, #tpu.memory_space<vmem>>
      %dma_start3A_181 = tpu.memref_squeeze %dma_start3A_180 : memref<1x128xi32, #tpu.memory_space<vmem>> -> memref<128xi32, #tpu.memory_space<vmem>>
      %dma_start3A_182 = arith.constant 0 : i32
      %dma_start3A_183 = arith.constant 0 : i32
      %dma_start3A_184 = tpu.memref_slice %arg2[%dma_start3A_182, %dma_start3A_183] : memref<2000000x64xf32, #tpu.memory_space<hbm>> -> memref<2000000x64xf32, #tpu.memory_space<hbm>>
      tpu.enqueue_indirect_dma source(%dma_start3A_184 : memref<2000000x64xf32, #tpu.memory_space<hbm>>) target(%arg6 : memref<128x64xf32, #tpu.memory_space<vmem>>) offsets(%dma_start3A_181 : memref<128xi32, #tpu.memory_space<vmem>>) semaphore(%arg10 : memref<!tpu.dma_semaphore, #tpu.memory_space<semaphore_mem>>)
      %dma_start3A_185 = arith.constant 0 : i32
      %dma_start3A_186 = arith.constant 0 : i32
      %dma_start3A_187 = arith.constant 0 : i32
      %dma_start3A_188 = tpu.memref_slice %arg8[%dma_start3A_185, %dma_start3A_186, %dma_start3A_187] : memref<8x8x129xf32, #tpu.memory_space<vmem>> -> memref<8x8x128xf32, #tpu.memory_space<vmem>>
      %dma_start3A_189 = arith.constant 0 : i32
      %dma_start3A_190 = arith.constant 0 : i32
      %dma_start3A_191 = arith.constant 0 : i32
      %dma_start3A_192 = tpu.memref_slice %arg4[%add3A_164, %dma_start3A_189, %add3A, %dma_start3A_190, %dma_start3A_191] : memref<200x8x32x8x128xf32, #tpu.memory_space<hbm>> -> memref<1x8x1x8x128xf32, #tpu.memory_space<hbm>>
      %dma_start3A_193 = tpu.memref_squeeze %dma_start3A_192 : memref<1x8x1x8x128xf32, #tpu.memory_space<hbm>> -> memref<8x8x128xf32, #tpu.memory_space<hbm>>
      %dma_start3A_194 = arith.constant 0 : i32
      %dma_start3A_195 = arith.constant 0 : i32
      %dma_start3A_196 = arith.constant 0 : i32
      %dma_start3A_197 = tpu.memref_slice %arg4[%add3A_164, %dma_start3A_194, %add3A, %dma_start3A_195, %dma_start3A_196] : memref<200x8x32x8x128xf32, #tpu.memory_space<hbm>> -> memref<1x8x1x8x128xf32, #tpu.memory_space<hbm>>
      %dma_start3A_198 = tpu.memref_squeeze %dma_start3A_197 : memref<1x8x1x8x128xf32, #tpu.memory_space<hbm>> -> memref<8x8x128xf32, #tpu.memory_space<hbm>>
      %dma_start3A_199 = arith.constant 0 : i32
      %dma_start3A_200 = arith.constant 0 : i32
      %dma_start3A_201 = arith.constant 0 : i32
      %dma_start3A_202 = tpu.memref_slice %arg8[%dma_start3A_199, %dma_start3A_200, %dma_start3A_201] : memref<8x8x129xf32, #tpu.memory_space<vmem>> -> memref<8x8x128xf32, #tpu.memory_space<vmem>>
      tpu.enqueue_dma source(%dma_start3A_202 : memref<8x8x128xf32, #tpu.memory_space<vmem>>) target(%dma_start3A_198 : memref<8x8x128xf32, #tpu.memory_space<hbm>>) target_semaphore(%arg12 : memref<!tpu.dma_semaphore, #tpu.memory_space<semaphore_mem>>)
      %mul3A_203 = arith.constant 2 : i32
      %mul3A_204 = arith.muli %scan3A_160, %mul3A_203 : i32
      %add3A_205 = arith.constant 1 : i32
      %add3A_206 = arith.addi %mul3A_204, %add3A_205 : i32
      %dma_wait3A_207 = arith.constant 0 : i32
      %dma_wait3A_208 = arith.constant 0 : i32
      %dma_wait3A_209 = tpu.memref_slice %arg5[%dma_wait3A_207, %dma_wait3A_208] : memref<200x128xi32, #tpu.memory_space<vmem>> -> memref<1x128xi32, #tpu.memory_space<vmem>>
      %dma_wait3A_210 = tpu.memref_squeeze %dma_wait3A_209 : memref<1x128xi32, #tpu.memory_space<vmem>> -> memref<128xi32, #tpu.memory_space<vmem>>
      %dma_wait3A_211 = arith.constant 0 : i32
      %dma_wait3A_212 = arith.constant 0 : i32
      %dma_wait3A_213 = tpu.memref_slice %arg2[%dma_wait3A_211, %dma_wait3A_212] : memref<2000000x64xf32, #tpu.memory_space<hbm>> -> memref<2000000x64xf32, #tpu.memory_space<hbm>>
      tpu.wait_indirect_dma semaphore(%arg11 : memref<!tpu.dma_semaphore, #tpu.memory_space<semaphore_mem>>) src(%dma_wait3A_213 : memref<2000000x64xf32, #tpu.memory_space<hbm>>) dst(%arg7 : memref<128x64xf32, #tpu.memory_space<vmem>>)
      %gt3A_214 = arith.constant 0 : i32
      %gt3A_215 = arith.cmpi sgt, %scan3A_160, %gt3A_214 : i32
      %convert_element_type3A_216 = arith.extui %gt3A_215 : i1 to i32
      %cond3A_217 = arith.constant 0 : i32
      %cond3A_218 = arith.cmpi ne, %convert_element_type3A_216, %cond3A_217 : i32
      scf.if %cond3A_218 {
        %dma_wait3A_248 = arith.constant 0 : i32
        %dma_wait3A_249 = arith.constant 0 : i32
        %dma_wait3A_250 = arith.constant 0 : i32
        %dma_wait3A_251 = arith.constant 0 : i32
        %dma_wait3A_252 = arith.constant 0 : i32
        %dma_wait3A_253 = tpu.memref_slice %arg9[%dma_wait3A_250, %dma_wait3A_251, %dma_wait3A_252] : memref<8x8x129xf32, #tpu.memory_space<vmem>> -> memref<8x8x128xf32, #tpu.memory_space<vmem>>
        %dma_wait3A_254 = arith.constant 0 : i32
        %dma_wait3A_255 = arith.constant 0 : i32
        %dma_wait3A_256 = arith.constant 0 : i32
        %dma_wait3A_257 = tpu.memref_slice %arg4[%dma_wait3A_248, %dma_wait3A_254, %dma_wait3A_249, %dma_wait3A_255, %dma_wait3A_256] : memref<200x8x32x8x128xf32, #tpu.memory_space<hbm>> -> memref<1x8x1x8x128xf32, #tpu.memory_space<hbm>>
        %dma_wait3A_258 = tpu.memref_squeeze %dma_wait3A_257 : memref<1x8x1x8x128xf32, #tpu.memory_space<hbm>> -> memref<8x8x128xf32, #tpu.memory_space<hbm>>
        %dma_wait3A_259 = arith.constant 0 : i32
        %dma_wait3A_260 = arith.constant 0 : i32
        %dma_wait3A_261 = arith.constant 0 : i32
        %dma_wait3A_262 = tpu.memref_slice %arg4[%dma_wait3A_248, %dma_wait3A_259, %dma_wait3A_249, %dma_wait3A_260, %dma_wait3A_261] : memref<200x8x32x8x128xf32, #tpu.memory_space<hbm>> -> memref<1x8x1x8x128xf32, #tpu.memory_space<hbm>>
        %dma_wait3A_263 = tpu.memref_squeeze %dma_wait3A_262 : memref<1x8x1x8x128xf32, #tpu.memory_space<hbm>> -> memref<8x8x128xf32, #tpu.memory_space<hbm>>
        %dma_wait3A_264 = arith.constant 0 : i32
        %dma_wait3A_265 = arith.constant 0 : i32
        %dma_wait3A_266 = arith.constant 0 : i32
        %dma_wait3A_267 = tpu.memref_slice %arg9[%dma_wait3A_264, %dma_wait3A_265, %dma_wait3A_266] : memref<8x8x129xf32, #tpu.memory_space<vmem>> -> memref<8x8x128xf32, #tpu.memory_space<vmem>>
        tpu.wait_dma2 semaphore(%arg13 : memref<!tpu.dma_semaphore, #tpu.memory_space<semaphore_mem>>) src(%dma_wait3A_267 : memref<8x8x128xf32, #tpu.memory_space<vmem>>) dst(%dma_wait3A_263 : memref<8x8x128xf32, #tpu.memory_space<hbm>>)
      } else {
      }
      %parallel_loop3A_219 = arith.constant 0 : i32
      %parallel_loop3A_220 = arith.constant 128 : i32
      %parallel_loop3A_221 = arith.constant 1 : i32
      scf.for %parallel_loop3A_248 = %parallel_loop3A_219 to %parallel_loop3A_220 step %parallel_loop3A_221  : i32 {
        %parallel_loop3A_249 = vector.broadcast %parallel_loop3A_248 : i32 to vector<16xi32>
        %parallel_loop3A_250 = tpu.iota {dimensions = array<i32: 0>} : vector<16xi32>
        %parallel_loop3A_251 = arith.constant 0 : i32
        %parallel_loop3A_252 = vector.broadcast %parallel_loop3A_251 : i32 to vector<16xi32>
        %parallel_loop3A_253 = arith.addi %parallel_loop3A_250, %parallel_loop3A_252 : vector<16xi32>
        %parallel_loop3A_254 = arith.index_cast %parallel_loop3A_248 : i32 to index
        %parallel_loop3A_255 = arith.constant 0 : index
        %parallel_loop3A_256 = tpu.vector_load %arg7[%parallel_loop3A_254, %parallel_loop3A_255] {strides = array<i32>} : memref<128x64xf32, #tpu.memory_space<vmem>>, vector<16xf32>,
        %parallel_loop3A_257 = arith.constant 8 : i32
        %parallel_loop3A_258 = vector.broadcast %parallel_loop3A_257 : i32 to vector<16xi32>
        %parallel_loop3A_259 = arith.divsi %parallel_loop3A_253, %parallel_loop3A_258 : vector<16xi32>
        %parallel_loop3A_260 = arith.constant 0 : i32
        %parallel_loop3A_261 = vector.broadcast %parallel_loop3A_260 : i32 to vector<16xi32>
        %parallel_loop3A_262 = arith.cmpi sgt, %parallel_loop3A_253, %parallel_loop3A_261 : vector<16xi32>
        %parallel_loop3A_263 = arith.extui %parallel_loop3A_262 : vector<16xi1> to vector<16xi32>
        %parallel_loop3A_264 = arith.constant 0 : i32
        %parallel_loop3A_265 = vector.broadcast %parallel_loop3A_264 : i32 to vector<16xi32>
        %parallel_loop3A_266 = arith.cmpi slt, %parallel_loop3A_253, %parallel_loop3A_265 : vector<16xi32>
        %parallel_loop3A_267 = arith.extui %parallel_loop3A_266 : vector<16xi1> to vector<16xi32>
        %parallel_loop3A_268 = arith.subi %parallel_loop3A_263, %parallel_loop3A_267 : vector<16xi32>
        %parallel_loop3A_269 = arith.constant 0 : i32
        %parallel_loop3A_270 = arith.cmpi sgt, %parallel_loop3A_257, %parallel_loop3A_269 : i32
        %parallel_loop3A_271 = arith.extui %parallel_loop3A_270 : i1 to i32
        %parallel_loop3A_272 = arith.constant 0 : i32
        %parallel_loop3A_273 = arith.cmpi slt, %parallel_loop3A_257, %parallel_loop3A_272 : i32
        %parallel_loop3A_274 = arith.extui %parallel_loop3A_273 : i1 to i32
        %parallel_loop3A_275 = arith.subi %parallel_loop3A_271, %parallel_loop3A_274 : i32
        %parallel_loop3A_276 = vector.broadcast %parallel_loop3A_275 : i32 to vector<16xi32>
        %parallel_loop3A_277 = arith.cmpi ne, %parallel_loop3A_268, %parallel_loop3A_276 : vector<16xi32>
        %parallel_loop3A_278 = vector.broadcast %parallel_loop3A_257 : i32 to vector<16xi32>
        %parallel_loop3A_279 = arith.remsi %parallel_loop3A_253, %parallel_loop3A_278 : vector<16xi32>
        %parallel_loop3A_280 = arith.constant 0 : i32
        %parallel_loop3A_281 = vector.broadcast %parallel_loop3A_280 : i32 to vector<16xi32>
        %parallel_loop3A_282 = arith.cmpi ne, %parallel_loop3A_279, %parallel_loop3A_281 : vector<16xi32>
        %parallel_loop3A_283 = arith.andi %parallel_loop3A_277, %parallel_loop3A_282 : vector<16xi1>
        %parallel_loop3A_284 = arith.constant 1 : i32
        %parallel_loop3A_285 = vector.broadcast %parallel_loop3A_284 : i32 to vector<16xi32>
        %parallel_loop3A_286 = arith.subi %parallel_loop3A_259, %parallel_loop3A_285 : vector<16xi32>
        %parallel_loop3A_287 = arith.select %parallel_loop3A_283, %parallel_loop3A_286, %parallel_loop3A_259 : vector<16xi1>, vector<16xi32>
        %parallel_loop3A_288 = arith.constant 8 : i32
        %parallel_loop3A_289 = arith.constant 0 : i32
        %parallel_loop3A_290 = arith.cmpi eq, %parallel_loop3A_288, %parallel_loop3A_289 : i32
        %parallel_loop3A_291 = arith.constant 1 : i32
        %parallel_loop3A_292 = arith.select %parallel_loop3A_290, %parallel_loop3A_291, %parallel_loop3A_288 : i32
        %parallel_loop3A_293 = vector.broadcast %parallel_loop3A_292 : i32 to vector<16xi32>
        %parallel_loop3A_294 = arith.remsi %parallel_loop3A_253, %parallel_loop3A_293 : vector<16xi32>
        %parallel_loop3A_295 = arith.constant 0 : i32
        %parallel_loop3A_296 = vector.broadcast %parallel_loop3A_295 : i32 to vector<16xi32>
        %parallel_loop3A_297 = arith.cmpi ne, %parallel_loop3A_294, %parallel_loop3A_296 : vector<16xi32>
        %parallel_loop3A_298 = arith.constant 0 : i32
        %parallel_loop3A_299 = vector.broadcast %parallel_loop3A_298 : i32 to vector<16xi32>
        %parallel_loop3A_300 = arith.cmpi slt, %parallel_loop3A_294, %parallel_loop3A_299 : vector<16xi32>
        %parallel_loop3A_301 = arith.constant 0 : i32
        %parallel_loop3A_302 = arith.cmpi slt, %parallel_loop3A_292, %parallel_loop3A_301 : i32
        %parallel_loop3A_303 = vector.broadcast %parallel_loop3A_302 : i1 to vector<16xi1>
        %parallel_loop3A_304 = vector.broadcast %parallel_loop3A_303 : vector<16xi1> to vector<16xi1>
        %parallel_loop3A_305 = arith.xori %parallel_loop3A_300, %parallel_loop3A_304 : vector<16xi1>
        %parallel_loop3A_306 = arith.andi %parallel_loop3A_305, %parallel_loop3A_297 : vector<16xi1>
        %parallel_loop3A_307 = vector.broadcast %parallel_loop3A_292 : i32 to vector<16xi32>
        %parallel_loop3A_308 = arith.addi %parallel_loop3A_294, %parallel_loop3A_307 : vector<16xi32>
        %parallel_loop3A_309 = arith.select %parallel_loop3A_306, %parallel_loop3A_308, %parallel_loop3A_294 : vector<16xi1>, vector<16xi32>
        %parallel_loop3A_310 = arith.constant 8.000000e+00 : f32
        %parallel_loop3A_311 = vector.broadcast %parallel_loop3A_310 : f32 to vector<16xf32>
        %parallel_loop3A_312 = arith.mulf %parallel_loop3A_256, %parallel_loop3A_311 : vector<16xf32>
        tpu.vector_store_idx %arg9[%parallel_loop3A_287, %parallel_loop3A_309, %parallel_loop3A_249], %parallel_loop3A_312 : memref<8x8x129xf32, #tpu.memory_space<vmem>>[vector<16xi32>, vector<16xi32>, vector<16xi32>], vector<16xf32>,
        %parallel_loop3A_313 = tpu.iota {dimensions = array<i32: 0>} : vector<16xi32>
        %parallel_loop3A_314 = arith.constant 16 : i32
        %parallel_loop3A_315 = vector.broadcast %parallel_loop3A_314 : i32 to vector<16xi32>
        %parallel_loop3A_316 = arith.addi %parallel_loop3A_313, %parallel_loop3A_315 : vector<16xi32>
        %parallel_loop3A_317 = arith.index_cast %parallel_loop3A_248 : i32 to index
        %parallel_loop3A_318 = arith.constant 16 : index
        %parallel_loop3A_319 = tpu.vector_load %arg7[%parallel_loop3A_317, %parallel_loop3A_318] {strides = array<i32>} : memref<128x64xf32, #tpu.memory_space<vmem>>, vector<16xf32>,
        %parallel_loop3A_320 = arith.constant 8 : i32
        %parallel_loop3A_321 = vector.broadcast %parallel_loop3A_320 : i32 to vector<16xi32>
        %parallel_loop3A_322 = arith.divsi %parallel_loop3A_316, %parallel_loop3A_321 : vector<16xi32>
        %parallel_loop3A_323 = arith.constant 0 : i32
        %parallel_loop3A_324 = vector.broadcast %parallel_loop3A_323 : i32 to vector<16xi32>
        %parallel_loop3A_325 = arith.cmpi sgt, %parallel_loop3A_316, %parallel_loop3A_324 : vector<16xi32>
        %parallel_loop3A_326 = arith.extui %parallel_loop3A_325 : vector<16xi1> to vector<16xi32>
        %parallel_loop3A_327 = arith.constant 0 : i32
        %parallel_loop3A_328 = vector.broadcast %parallel_loop3A_327 : i32 to vector<16xi32>
        %parallel_loop3A_329 = arith.cmpi slt, %parallel_loop3A_316, %parallel_loop3A_328 : vector<16xi32>
        %parallel_loop3A_330 = arith.extui %parallel_loop3A_329 : vector<16xi1> to vector<16xi32>
        %parallel_loop3A_331 = arith.subi %parallel_loop3A_326, %parallel_loop3A_330 : vector<16xi32>
        %parallel_loop3A_332 = arith.constant 0 : i32
        %parallel_loop3A_333 = arith.cmpi sgt, %parallel_loop3A_320, %parallel_loop3A_332 : i32
        %parallel_loop3A_334 = arith.extui %parallel_loop3A_333 : i1 to i32
        %parallel_loop3A_335 = arith.constant 0 : i32
        %parallel_loop3A_336 = arith.cmpi slt, %parallel_loop3A_320, %parallel_loop3A_335 : i32
        %parallel_loop3A_337 = arith.extui %parallel_loop3A_336 : i1 to i32
        %parallel_loop3A_338 = arith.subi %parallel_loop3A_334, %parallel_loop3A_337 : i32
        %parallel_loop3A_339 = vector.broadcast %parallel_loop3A_338 : i32 to vector<16xi32>
        %parallel_loop3A_340 = arith.cmpi ne, %parallel_loop3A_331, %parallel_loop3A_339 : vector<16xi32>
        %parallel_loop3A_341 = vector.broadcast %parallel_loop3A_320 : i32 to vector<16xi32>
        %parallel_loop3A_342 = arith.remsi %parallel_loop3A_316, %parallel_loop3A_341 : vector<16xi32>
        %parallel_loop3A_343 = arith.constant 0 : i32
        %parallel_loop3A_344 = vector.broadcast %parallel_loop3A_343 : i32 to vector<16xi32>
        %parallel_loop3A_345 = arith.cmpi ne, %parallel_loop3A_342, %parallel_loop3A_344 : vector<16xi32>
        %parallel_loop3A_346 = arith.andi %parallel_loop3A_340, %parallel_loop3A_345 : vector<16xi1>
        %parallel_loop3A_347 = arith.constant 1 : i32
        %parallel_loop3A_348 = vector.broadcast %parallel_loop3A_347 : i32 to vector<16xi32>
        %parallel_loop3A_349 = arith.subi %parallel_loop3A_322, %parallel_loop3A_348 : vector<16xi32>
        %parallel_loop3A_350 = arith.select %parallel_loop3A_346, %parallel_loop3A_349, %parallel_loop3A_322 : vector<16xi1>, vector<16xi32>
        %parallel_loop3A_351 = arith.constant 8 : i32
        %parallel_loop3A_352 = arith.constant 0 : i32
        %parallel_loop3A_353 = arith.cmpi eq, %parallel_loop3A_351, %parallel_loop3A_352 : i32
        %parallel_loop3A_354 = arith.constant 1 : i32
        %parallel_loop3A_355 = arith.select %parallel_loop3A_353, %parallel_loop3A_354, %parallel_loop3A_351 : i32
        %parallel_loop3A_356 = vector.broadcast %parallel_loop3A_355 : i32 to vector<16xi32>
        %parallel_loop3A_357 = arith.remsi %parallel_loop3A_316, %parallel_loop3A_356 : vector<16xi32>
        %parallel_loop3A_358 = arith.constant 0 : i32
        %parallel_loop3A_359 = vector.broadcast %parallel_loop3A_358 : i32 to vector<16xi32>
        %parallel_loop3A_360 = arith.cmpi ne, %parallel_loop3A_357, %parallel_loop3A_359 : vector<16xi32>
        %parallel_loop3A_361 = arith.constant 0 : i32
        %parallel_loop3A_362 = vector.broadcast %parallel_loop3A_361 : i32 to vector<16xi32>
        %parallel_loop3A_363 = arith.cmpi slt, %parallel_loop3A_357, %parallel_loop3A_362 : vector<16xi32>
        %parallel_loop3A_364 = arith.constant 0 : i32
        %parallel_loop3A_365 = arith.cmpi slt, %parallel_loop3A_355, %parallel_loop3A_364 : i32
        %parallel_loop3A_366 = vector.broadcast %parallel_loop3A_365 : i1 to vector<16xi1>
        %parallel_loop3A_367 = vector.broadcast %parallel_loop3A_366 : vector<16xi1> to vector<16xi1>
        %parallel_loop3A_368 = arith.xori %parallel_loop3A_363, %parallel_loop3A_367 : vector<16xi1>
        %parallel_loop3A_369 = arith.andi %parallel_loop3A_368, %parallel_loop3A_360 : vector<16xi1>
        %parallel_loop3A_370 = vector.broadcast %parallel_loop3A_355 : i32 to vector<16xi32>
        %parallel_loop3A_371 = arith.addi %parallel_loop3A_357, %parallel_loop3A_370 : vector<16xi32>
        %parallel_loop3A_372 = arith.select %parallel_loop3A_369, %parallel_loop3A_371, %parallel_loop3A_357 : vector<16xi1>, vector<16xi32>
        %parallel_loop3A_373 = arith.constant 8.000000e+00 : f32
        %parallel_loop3A_374 = vector.broadcast %parallel_loop3A_373 : f32 to vector<16xf32>
        %parallel_loop3A_375 = arith.mulf %parallel_loop3A_319, %parallel_loop3A_374 : vector<16xf32>
        tpu.vector_store_idx %arg9[%parallel_loop3A_350, %parallel_loop3A_372, %parallel_loop3A_249], %parallel_loop3A_375 : memref<8x8x129xf32, #tpu.memory_space<vmem>>[vector<16xi32>, vector<16xi32>, vector<16xi32>], vector<16xf32>,
        %parallel_loop3A_376 = tpu.iota {dimensions = array<i32: 0>} : vector<16xi32>
        %parallel_loop3A_377 = arith.constant 32 : i32
        %parallel_loop3A_378 = vector.broadcast %parallel_loop3A_377 : i32 to vector<16xi32>
        %parallel_loop3A_379 = arith.addi %parallel_loop3A_376, %parallel_loop3A_378 : vector<16xi32>
        %parallel_loop3A_380 = arith.index_cast %parallel_loop3A_248 : i32 to index
        %parallel_loop3A_381 = arith.constant 32 : index
        %parallel_loop3A_382 = tpu.vector_load %arg7[%parallel_loop3A_380, %parallel_loop3A_381] {strides = array<i32>} : memref<128x64xf32, #tpu.memory_space<vmem>>, vector<16xf32>,
        %parallel_loop3A_383 = arith.constant 8 : i32
        %parallel_loop3A_384 = vector.broadcast %parallel_loop3A_383 : i32 to vector<16xi32>
        %parallel_loop3A_385 = arith.divsi %parallel_loop3A_379, %parallel_loop3A_384 : vector<16xi32>
        %parallel_loop3A_386 = arith.constant 0 : i32
        %parallel_loop3A_387 = vector.broadcast %parallel_loop3A_386 : i32 to vector<16xi32>
        %parallel_loop3A_388 = arith.cmpi sgt, %parallel_loop3A_379, %parallel_loop3A_387 : vector<16xi32>
        %parallel_loop3A_389 = arith.extui %parallel_loop3A_388 : vector<16xi1> to vector<16xi32>
        %parallel_loop3A_390 = arith.constant 0 : i32
        %parallel_loop3A_391 = vector.broadcast %parallel_loop3A_390 : i32 to vector<16xi32>
        %parallel_loop3A_392 = arith.cmpi slt, %parallel_loop3A_379, %parallel_loop3A_391 : vector<16xi32>
        %parallel_loop3A_393 = arith.extui %parallel_loop3A_392 : vector<16xi1> to vector<16xi32>
        %parallel_loop3A_394 = arith.subi %parallel_loop3A_389, %parallel_loop3A_393 : vector<16xi32>
        %parallel_loop3A_395 = arith.constant 0 : i32
        %parallel_loop3A_396 = arith.cmpi sgt, %parallel_loop3A_383, %parallel_loop3A_395 : i32
        %parallel_loop3A_397 = arith.extui %parallel_loop3A_396 : i1 to i32
        %parallel_loop3A_398 = arith.constant 0 : i32
        %parallel_loop3A_399 = arith.cmpi slt, %parallel_loop3A_383, %parallel_loop3A_398 : i32
        %parallel_loop3A_400 = arith.extui %parallel_loop3A_399 : i1 to i32
        %parallel_loop3A_401 = arith.subi %parallel_loop3A_397, %parallel_loop3A_400 : i32
        %parallel_loop3A_402 = vector.broadcast %parallel_loop3A_401 : i32 to vector<16xi32>
        %parallel_loop3A_403 = arith.cmpi ne, %parallel_loop3A_394, %parallel_loop3A_402 : vector<16xi32>
        %parallel_loop3A_404 = vector.broadcast %parallel_loop3A_383 : i32 to vector<16xi32>
        %parallel_loop3A_405 = arith.remsi %parallel_loop3A_379, %parallel_loop3A_404 : vector<16xi32>
        %parallel_loop3A_406 = arith.constant 0 : i32
        %parallel_loop3A_407 = vector.broadcast %parallel_loop3A_406 : i32 to vector<16xi32>
        %parallel_loop3A_408 = arith.cmpi ne, %parallel_loop3A_405, %parallel_loop3A_407 : vector<16xi32>
        %parallel_loop3A_409 = arith.andi %parallel_loop3A_403, %parallel_loop3A_408 : vector<16xi1>
        %parallel_loop3A_410 = arith.constant 1 : i32
        %parallel_loop3A_411 = vector.broadcast %parallel_loop3A_410 : i32 to vector<16xi32>
        %parallel_loop3A_412 = arith.subi %parallel_loop3A_385, %parallel_loop3A_411 : vector<16xi32>
        %parallel_loop3A_413 = arith.select %parallel_loop3A_409, %parallel_loop3A_412, %parallel_loop3A_385 : vector<16xi1>, vector<16xi32>
        %parallel_loop3A_414 = arith.constant 8 : i32
        %parallel_loop3A_415 = arith.constant 0 : i32
        %parallel_loop3A_416 = arith.cmpi eq, %parallel_loop3A_414, %parallel_loop3A_415 : i32
        %parallel_loop3A_417 = arith.constant 1 : i32
        %parallel_loop3A_418 = arith.select %parallel_loop3A_416, %parallel_loop3A_417, %parallel_loop3A_414 : i32
        %parallel_loop3A_419 = vector.broadcast %parallel_loop3A_418 : i32 to vector<16xi32>
        %parallel_loop3A_420 = arith.remsi %parallel_loop3A_379, %parallel_loop3A_419 : vector<16xi32>
        %parallel_loop3A_421 = arith.constant 0 : i32
        %parallel_loop3A_422 = vector.broadcast %parallel_loop3A_421 : i32 to vector<16xi32>
        %parallel_loop3A_423 = arith.cmpi ne, %parallel_loop3A_420, %parallel_loop3A_422 : vector<16xi32>
        %parallel_loop3A_424 = arith.constant 0 : i32
        %parallel_loop3A_425 = vector.broadcast %parallel_loop3A_424 : i32 to vector<16xi32>
        %parallel_loop3A_426 = arith.cmpi slt, %parallel_loop3A_420, %parallel_loop3A_425 : vector<16xi32>
        %parallel_loop3A_427 = arith.constant 0 : i32
        %parallel_loop3A_428 = arith.cmpi slt, %parallel_loop3A_418, %parallel_loop3A_427 : i32
        %parallel_loop3A_429 = vector.broadcast %parallel_loop3A_428 : i1 to vector<16xi1>
        %parallel_loop3A_430 = vector.broadcast %parallel_loop3A_429 : vector<16xi1> to vector<16xi1>
        %parallel_loop3A_431 = arith.xori %parallel_loop3A_426, %parallel_loop3A_430 : vector<16xi1>
        %parallel_loop3A_432 = arith.andi %parallel_loop3A_431, %parallel_loop3A_423 : vector<16xi1>
        %parallel_loop3A_433 = vector.broadcast %parallel_loop3A_418 : i32 to vector<16xi32>
        %parallel_loop3A_434 = arith.addi %parallel_loop3A_420, %parallel_loop3A_433 : vector<16xi32>
        %parallel_loop3A_435 = arith.select %parallel_loop3A_432, %parallel_loop3A_434, %parallel_loop3A_420 : vector<16xi1>, vector<16xi32>
        %parallel_loop3A_436 = arith.constant 8.000000e+00 : f32
        %parallel_loop3A_437 = vector.broadcast %parallel_loop3A_436 : f32 to vector<16xf32>
        %parallel_loop3A_438 = arith.mulf %parallel_loop3A_382, %parallel_loop3A_437 : vector<16xf32>
        tpu.vector_store_idx %arg9[%parallel_loop3A_413, %parallel_loop3A_435, %parallel_loop3A_249], %parallel_loop3A_438 : memref<8x8x129xf32, #tpu.memory_space<vmem>>[vector<16xi32>, vector<16xi32>, vector<16xi32>], vector<16xf32>,
        %parallel_loop3A_439 = tpu.iota {dimensions = array<i32: 0>} : vector<16xi32>
        %parallel_loop3A_440 = arith.constant 48 : i32
        %parallel_loop3A_441 = vector.broadcast %parallel_loop3A_440 : i32 to vector<16xi32>
        %parallel_loop3A_442 = arith.addi %parallel_loop3A_439, %parallel_loop3A_441 : vector<16xi32>
        %parallel_loop3A_443 = arith.index_cast %parallel_loop3A_248 : i32 to index
        %parallel_loop3A_444 = arith.constant 48 : index
        %parallel_loop3A_445 = tpu.vector_load %arg7[%parallel_loop3A_443, %parallel_loop3A_444] {strides = array<i32>} : memref<128x64xf32, #tpu.memory_space<vmem>>, vector<16xf32>,
        %parallel_loop3A_446 = arith.constant 8 : i32
        %parallel_loop3A_447 = vector.broadcast %parallel_loop3A_446 : i32 to vector<16xi32>
        %parallel_loop3A_448 = arith.divsi %parallel_loop3A_442, %parallel_loop3A_447 : vector<16xi32>
        %parallel_loop3A_449 = arith.constant 0 : i32
        %parallel_loop3A_450 = vector.broadcast %parallel_loop3A_449 : i32 to vector<16xi32>
        %parallel_loop3A_451 = arith.cmpi sgt, %parallel_loop3A_442, %parallel_loop3A_450 : vector<16xi32>
        %parallel_loop3A_452 = arith.extui %parallel_loop3A_451 : vector<16xi1> to vector<16xi32>
        %parallel_loop3A_453 = arith.constant 0 : i32
        %parallel_loop3A_454 = vector.broadcast %parallel_loop3A_453 : i32 to vector<16xi32>
        %parallel_loop3A_455 = arith.cmpi slt, %parallel_loop3A_442, %parallel_loop3A_454 : vector<16xi32>
        %parallel_loop3A_456 = arith.extui %parallel_loop3A_455 : vector<16xi1> to vector<16xi32>
        %parallel_loop3A_457 = arith.subi %parallel_loop3A_452, %parallel_loop3A_456 : vector<16xi32>
        %parallel_loop3A_458 = arith.constant 0 : i32
        %parallel_loop3A_459 = arith.cmpi sgt, %parallel_loop3A_446, %parallel_loop3A_458 : i32
        %parallel_loop3A_460 = arith.extui %parallel_loop3A_459 : i1 to i32
        %parallel_loop3A_461 = arith.constant 0 : i32
        %parallel_loop3A_462 = arith.cmpi slt, %parallel_loop3A_446, %parallel_loop3A_461 : i32
        %parallel_loop3A_463 = arith.extui %parallel_loop3A_462 : i1 to i32
        %parallel_loop3A_464 = arith.subi %parallel_loop3A_460, %parallel_loop3A_463 : i32
        %parallel_loop3A_465 = vector.broadcast %parallel_loop3A_464 : i32 to vector<16xi32>
        %parallel_loop3A_466 = arith.cmpi ne, %parallel_loop3A_457, %parallel_loop3A_465 : vector<16xi32>
        %parallel_loop3A_467 = vector.broadcast %parallel_loop3A_446 : i32 to vector<16xi32>
        %parallel_loop3A_468 = arith.remsi %parallel_loop3A_442, %parallel_loop3A_467 : vector<16xi32>
        %parallel_loop3A_469 = arith.constant 0 : i32
        %parallel_loop3A_470 = vector.broadcast %parallel_loop3A_469 : i32 to vector<16xi32>
        %parallel_loop3A_471 = arith.cmpi ne, %parallel_loop3A_468, %parallel_loop3A_470 : vector<16xi32>
        %parallel_loop3A_472 = arith.andi %parallel_loop3A_466, %parallel_loop3A_471 : vector<16xi1>
        %parallel_loop3A_473 = arith.constant 1 : i32
        %parallel_loop3A_474 = vector.broadcast %parallel_loop3A_473 : i32 to vector<16xi32>
        %parallel_loop3A_475 = arith.subi %parallel_loop3A_448, %parallel_loop3A_474 : vector<16xi32>
        %parallel_loop3A_476 = arith.select %parallel_loop3A_472, %parallel_loop3A_475, %parallel_loop3A_448 : vector<16xi1>, vector<16xi32>
        %parallel_loop3A_477 = arith.constant 8 : i32
        %parallel_loop3A_478 = arith.constant 0 : i32
        %parallel_loop3A_479 = arith.cmpi eq, %parallel_loop3A_477, %parallel_loop3A_478 : i32
        %parallel_loop3A_480 = arith.constant 1 : i32
        %parallel_loop3A_481 = arith.select %parallel_loop3A_479, %parallel_loop3A_480, %parallel_loop3A_477 : i32
        %parallel_loop3A_482 = vector.broadcast %parallel_loop3A_481 : i32 to vector<16xi32>
        %parallel_loop3A_483 = arith.remsi %parallel_loop3A_442, %parallel_loop3A_482 : vector<16xi32>
        %parallel_loop3A_484 = arith.constant 0 : i32
        %parallel_loop3A_485 = vector.broadcast %parallel_loop3A_484 : i32 to vector<16xi32>
        %parallel_loop3A_486 = arith.cmpi ne, %parallel_loop3A_483, %parallel_loop3A_485 : vector<16xi32>
        %parallel_loop3A_487 = arith.constant 0 : i32
        %parallel_loop3A_488 = vector.broadcast %parallel_loop3A_487 : i32 to vector<16xi32>
        %parallel_loop3A_489 = arith.cmpi slt, %parallel_loop3A_483, %parallel_loop3A_488 : vector<16xi32>
        %parallel_loop3A_490 = arith.constant 0 : i32
        %parallel_loop3A_491 = arith.cmpi slt, %parallel_loop3A_481, %parallel_loop3A_490 : i32
        %parallel_loop3A_492 = vector.broadcast %parallel_loop3A_491 : i1 to vector<16xi1>
        %parallel_loop3A_493 = vector.broadcast %parallel_loop3A_492 : vector<16xi1> to vector<16xi1>
        %parallel_loop3A_494 = arith.xori %parallel_loop3A_489, %parallel_loop3A_493 : vector<16xi1>
        %parallel_loop3A_495 = arith.andi %parallel_loop3A_494, %parallel_loop3A_486 : vector<16xi1>
        %parallel_loop3A_496 = vector.broadcast %parallel_loop3A_481 : i32 to vector<16xi32>
        %parallel_loop3A_497 = arith.addi %parallel_loop3A_483, %parallel_loop3A_496 : vector<16xi32>
        %parallel_loop3A_498 = arith.select %parallel_loop3A_495, %parallel_loop3A_497, %parallel_loop3A_483 : vector<16xi1>, vector<16xi32>
        %parallel_loop3A_499 = arith.constant 8.000000e+00 : f32
        %parallel_loop3A_500 = vector.broadcast %parallel_loop3A_499 : f32 to vector<16xf32>
        %parallel_loop3A_501 = arith.mulf %parallel_loop3A_445, %parallel_loop3A_500 : vector<16xf32>
        tpu.vector_store_idx %arg9[%parallel_loop3A_476, %parallel_loop3A_498, %parallel_loop3A_249], %parallel_loop3A_501 : memref<8x8x129xf32, #tpu.memory_space<vmem>>[vector<16xi32>, vector<16xi32>, vector<16xi32>], vector<16xf32>,
      } {sc.loop_unroll_factor = 8 : i64, sc.parallel_access}
      %add3A_222 = arith.constant 2 : i32
      %add3A_223 = arith.addi %add3A_206, %add3A_222 : i32
      %dma_start3A_224 = arith.constant 0 : i32
      %dma_start3A_225 = tpu.memref_slice %arg5[%add3A_223, %dma_start3A_224] : memref<200x128xi32, #tpu.memory_space<vmem>> -> memref<1x128xi32, #tpu.memory_space<vmem>>
      %dma_start3A_226 = tpu.memref_squeeze %dma_start3A_225 : memref<1x128xi32, #tpu.memory_space<vmem>> -> memref<128xi32, #tpu.memory_space<vmem>>
      %dma_start3A_227 = arith.constant 0 : i32
      %dma_start3A_228 = arith.constant 0 : i32
      %dma_start3A_229 = tpu.memref_slice %arg2[%dma_start3A_227, %dma_start3A_228] : memref<2000000x64xf32, #tpu.memory_space<hbm>> -> memref<2000000x64xf32, #tpu.memory_space<hbm>>
      tpu.enqueue_indirect_dma source(%dma_start3A_229 : memref<2000000x64xf32, #tpu.memory_space<hbm>>) target(%arg7 : memref<128x64xf32, #tpu.memory_space<vmem>>) offsets(%dma_start3A_226 : memref<128xi32, #tpu.memory_space<vmem>>) semaphore(%arg11 : memref<!tpu.dma_semaphore, #tpu.memory_space<semaphore_mem>>)
      %dma_start3A_230 = arith.constant 0 : i32
      %dma_start3A_231 = arith.constant 0 : i32
      %dma_start3A_232 = arith.constant 0 : i32
      %dma_start3A_233 = tpu.memref_slice %arg9[%dma_start3A_230, %dma_start3A_231, %dma_start3A_232] : memref<8x8x129xf32, #tpu.memory_space<vmem>> -> memref<8x8x128xf32, #tpu.memory_space<vmem>>
      %dma_start3A_234 = arith.constant 0 : i32
      %dma_start3A_235 = arith.constant 0 : i32
      %dma_start3A_236 = arith.constant 0 : i32
      %dma_start3A_237 = tpu.memref_slice %arg4[%add3A_206, %dma_start3A_234, %add3A, %dma_start3A_235, %dma_start3A_236] : memref<200x8x32x8x128xf32, #tpu.memory_space<hbm>> -> memref<1x8x1x8x128xf32, #tpu.memory_space<hbm>>
      %dma_start3A_238 = tpu.memref_squeeze %dma_start3A_237 : memref<1x8x1x8x128xf32, #tpu.memory_space<hbm>> -> memref<8x8x128xf32, #tpu.memory_space<hbm>>
      %dma_start3A_239 = arith.constant 0 : i32
      %dma_start3A_240 = arith.constant 0 : i32
      %dma_start3A_241 = arith.constant 0 : i32
      %dma_start3A_242 = tpu.memref_slice %arg4[%add3A_206, %dma_start3A_239, %add3A, %dma_start3A_240, %dma_start3A_241] : memref<200x8x32x8x128xf32, #tpu.memory_space<hbm>> -> memref<1x8x1x8x128xf32, #tpu.memory_space<hbm>>
      %dma_start3A_243 = tpu.memref_squeeze %dma_start3A_242 : memref<1x8x1x8x128xf32, #tpu.memory_space<hbm>> -> memref<8x8x128xf32, #tpu.memory_space<hbm>>
      %dma_start3A_244 = arith.constant 0 : i32
      %dma_start3A_245 = arith.constant 0 : i32
      %dma_start3A_246 = arith.constant 0 : i32
      %dma_start3A_247 = tpu.memref_slice %arg9[%dma_start3A_244, %dma_start3A_245, %dma_start3A_246] : memref<8x8x129xf32, #tpu.memory_space<vmem>> -> memref<8x8x128xf32, #tpu.memory_space<vmem>>
      tpu.enqueue_dma source(%dma_start3A_247 : memref<8x8x128xf32, #tpu.memory_space<vmem>>) target(%dma_start3A_243 : memref<8x8x128xf32, #tpu.memory_space<hbm>>) target_semaphore(%arg13 : memref<!tpu.dma_semaphore, #tpu.memory_space<semaphore_mem>>)
    }
    %scan3A_22 = arith.constant 99 : i32
    %dma_wait3A = arith.constant 0 : i32
    %dma_wait3A_23 = arith.constant 0 : i32
    %dma_wait3A_24 = tpu.memref_slice %arg5[%dma_wait3A, %dma_wait3A_23] : memref<200x128xi32, #tpu.memory_space<vmem>> -> memref<1x128xi32, #tpu.memory_space<vmem>>
    %dma_wait3A_25 = tpu.memref_squeeze %dma_wait3A_24 : memref<1x128xi32, #tpu.memory_space<vmem>> -> memref<128xi32, #tpu.memory_space<vmem>>
    %dma_wait3A_26 = arith.constant 0 : i32
    %dma_wait3A_27 = arith.constant 0 : i32
    %dma_wait3A_28 = tpu.memref_slice %arg2[%dma_wait3A_26, %dma_wait3A_27] : memref<2000000x64xf32, #tpu.memory_space<hbm>> -> memref<2000000x64xf32, #tpu.memory_space<hbm>>
    tpu.wait_indirect_dma semaphore(%arg10 : memref<!tpu.dma_semaphore, #tpu.memory_space<semaphore_mem>>) src(%dma_wait3A_28 : memref<2000000x64xf32, #tpu.memory_space<hbm>>) dst(%arg6 : memref<128x64xf32, #tpu.memory_space<vmem>>)
    %dma_wait3A_29 = arith.constant 0 : i32
    %dma_wait3A_30 = arith.constant 0 : i32
    %dma_wait3A_31 = arith.constant 0 : i32
    %dma_wait3A_32 = arith.constant 0 : i32
    %dma_wait3A_33 = arith.constant 0 : i32
    %dma_wait3A_34 = tpu.memref_slice %arg8[%dma_wait3A_31, %dma_wait3A_32, %dma_wait3A_33] : memref<8x8x129xf32, #tpu.memory_space<vmem>> -> memref<8x8x128xf32, #tpu.memory_space<vmem>>
    %dma_wait3A_35 = arith.constant 0 : i32
    %dma_wait3A_36 = arith.constant 0 : i32
    %dma_wait3A_37 = arith.constant 0 : i32
    %dma_wait3A_38 = tpu.memref_slice %arg4[%dma_wait3A_29, %dma_wait3A_35, %dma_wait3A_30, %dma_wait3A_36, %dma_wait3A_37] : memref<200x8x32x8x128xf32, #tpu.memory_space<hbm>> -> memref<1x8x1x8x128xf32, #tpu.memory_space<hbm>>
    %dma_wait3A_39 = tpu.memref_squeeze %dma_wait3A_38 : memref<1x8x1x8x128xf32, #tpu.memory_space<hbm>> -> memref<8x8x128xf32, #tpu.memory_space<hbm>>
    %dma_wait3A_40 = arith.constant 0 : i32
    %dma_wait3A_41 = arith.constant 0 : i32
    %dma_wait3A_42 = arith.constant 0 : i32
    %dma_wait3A_43 = tpu.memref_slice %arg4[%dma_wait3A_29, %dma_wait3A_40, %dma_wait3A_30, %dma_wait3A_41, %dma_wait3A_42] : memref<200x8x32x8x128xf32, #tpu.memory_space<hbm>> -> memref<1x8x1x8x128xf32, #tpu.memory_space<hbm>>
    %dma_wait3A_44 = tpu.memref_squeeze %dma_wait3A_43 : memref<1x8x1x8x128xf32, #tpu.memory_space<hbm>> -> memref<8x8x128xf32, #tpu.memory_space<hbm>>
    %dma_wait3A_45 = arith.constant 0 : i32
    %dma_wait3A_46 = arith.constant 0 : i32
    %dma_wait3A_47 = arith.constant 0 : i32
    %dma_wait3A_48 = tpu.memref_slice %arg8[%dma_wait3A_45, %dma_wait3A_46, %dma_wait3A_47] : memref<8x8x129xf32, #tpu.memory_space<vmem>> -> memref<8x8x128xf32, #tpu.memory_space<vmem>>
    tpu.wait_dma2 semaphore(%arg12 : memref<!tpu.dma_semaphore, #tpu.memory_space<semaphore_mem>>) src(%dma_wait3A_48 : memref<8x8x128xf32, #tpu.memory_space<vmem>>) dst(%dma_wait3A_44 : memref<8x8x128xf32, #tpu.memory_space<hbm>>)
    %parallel_loop3A_49 = arith.constant 0 : i32
    %parallel_loop3A_50 = arith.constant 128 : i32
    %parallel_loop3A_51 = arith.constant 1 : i32
    scf.for %parallel_loop3A_160 = %parallel_loop3A_49 to %parallel_loop3A_50 step %parallel_loop3A_51  : i32 {
      %parallel_loop3A_161 = vector.broadcast %parallel_loop3A_160 : i32 to vector<16xi32>
      %parallel_loop3A_162 = tpu.iota {dimensions = array<i32: 0>} : vector<16xi32>
      %parallel_loop3A_163 = arith.constant 0 : i32
      %parallel_loop3A_164 = vector.broadcast %parallel_loop3A_163 : i32 to vector<16xi32>
      %parallel_loop3A_165 = arith.addi %parallel_loop3A_162, %parallel_loop3A_164 : vector<16xi32>
      %parallel_loop3A_166 = arith.index_cast %parallel_loop3A_160 : i32 to index
      %parallel_loop3A_167 = arith.constant 0 : index
      %parallel_loop3A_168 = tpu.vector_load %arg6[%parallel_loop3A_166, %parallel_loop3A_167] {strides = array<i32>} : memref<128x64xf32, #tpu.memory_space<vmem>>, vector<16xf32>,
      %parallel_loop3A_169 = arith.constant 8 : i32
      %parallel_loop3A_170 = vector.broadcast %parallel_loop3A_169 : i32 to vector<16xi32>
      %parallel_loop3A_171 = arith.divsi %parallel_loop3A_165, %parallel_loop3A_170 : vector<16xi32>
      %parallel_loop3A_172 = arith.constant 0 : i32
      %parallel_loop3A_173 = vector.broadcast %parallel_loop3A_172 : i32 to vector<16xi32>
      %parallel_loop3A_174 = arith.cmpi sgt, %parallel_loop3A_165, %parallel_loop3A_173 : vector<16xi32>
      %parallel_loop3A_175 = arith.extui %parallel_loop3A_174 : vector<16xi1> to vector<16xi32>
      %parallel_loop3A_176 = arith.constant 0 : i32
      %parallel_loop3A_177 = vector.broadcast %parallel_loop3A_176 : i32 to vector<16xi32>
      %parallel_loop3A_178 = arith.cmpi slt, %parallel_loop3A_165, %parallel_loop3A_177 : vector<16xi32>
      %parallel_loop3A_179 = arith.extui %parallel_loop3A_178 : vector<16xi1> to vector<16xi32>
      %parallel_loop3A_180 = arith.subi %parallel_loop3A_175, %parallel_loop3A_179 : vector<16xi32>
      %parallel_loop3A_181 = arith.constant 0 : i32
      %parallel_loop3A_182 = arith.cmpi sgt, %parallel_loop3A_169, %parallel_loop3A_181 : i32
      %parallel_loop3A_183 = arith.extui %parallel_loop3A_182 : i1 to i32
      %parallel_loop3A_184 = arith.constant 0 : i32
      %parallel_loop3A_185 = arith.cmpi slt, %parallel_loop3A_169, %parallel_loop3A_184 : i32
      %parallel_loop3A_186 = arith.extui %parallel_loop3A_185 : i1 to i32
      %parallel_loop3A_187 = arith.subi %parallel_loop3A_183, %parallel_loop3A_186 : i32
      %parallel_loop3A_188 = vector.broadcast %parallel_loop3A_187 : i32 to vector<16xi32>
      %parallel_loop3A_189 = arith.cmpi ne, %parallel_loop3A_180, %parallel_loop3A_188 : vector<16xi32>
      %parallel_loop3A_190 = vector.broadcast %parallel_loop3A_169 : i32 to vector<16xi32>
      %parallel_loop3A_191 = arith.remsi %parallel_loop3A_165, %parallel_loop3A_190 : vector<16xi32>
      %parallel_loop3A_192 = arith.constant 0 : i32
      %parallel_loop3A_193 = vector.broadcast %parallel_loop3A_192 : i32 to vector<16xi32>
      %parallel_loop3A_194 = arith.cmpi ne, %parallel_loop3A_191, %parallel_loop3A_193 : vector<16xi32>
      %parallel_loop3A_195 = arith.andi %parallel_loop3A_189, %parallel_loop3A_194 : vector<16xi1>
      %parallel_loop3A_196 = arith.constant 1 : i32
      %parallel_loop3A_197 = vector.broadcast %parallel_loop3A_196 : i32 to vector<16xi32>
      %parallel_loop3A_198 = arith.subi %parallel_loop3A_171, %parallel_loop3A_197 : vector<16xi32>
      %parallel_loop3A_199 = arith.select %parallel_loop3A_195, %parallel_loop3A_198, %parallel_loop3A_171 : vector<16xi1>, vector<16xi32>
      %parallel_loop3A_200 = arith.constant 8 : i32
      %parallel_loop3A_201 = arith.constant 0 : i32
      %parallel_loop3A_202 = arith.cmpi eq, %parallel_loop3A_200, %parallel_loop3A_201 : i32
      %parallel_loop3A_203 = arith.constant 1 : i32
      %parallel_loop3A_204 = arith.select %parallel_loop3A_202, %parallel_loop3A_203, %parallel_loop3A_200 : i32
      %parallel_loop3A_205 = vector.broadcast %parallel_loop3A_204 : i32 to vector<16xi32>
      %parallel_loop3A_206 = arith.remsi %parallel_loop3A_165, %parallel_loop3A_205 : vector<16xi32>
      %parallel_loop3A_207 = arith.constant 0 : i32
      %parallel_loop3A_208 = vector.broadcast %parallel_loop3A_207 : i32 to vector<16xi32>
      %parallel_loop3A_209 = arith.cmpi ne, %parallel_loop3A_206, %parallel_loop3A_208 : vector<16xi32>
      %parallel_loop3A_210 = arith.constant 0 : i32
      %parallel_loop3A_211 = vector.broadcast %parallel_loop3A_210 : i32 to vector<16xi32>
      %parallel_loop3A_212 = arith.cmpi slt, %parallel_loop3A_206, %parallel_loop3A_211 : vector<16xi32>
      %parallel_loop3A_213 = arith.constant 0 : i32
      %parallel_loop3A_214 = arith.cmpi slt, %parallel_loop3A_204, %parallel_loop3A_213 : i32
      %parallel_loop3A_215 = vector.broadcast %parallel_loop3A_214 : i1 to vector<16xi1>
      %parallel_loop3A_216 = vector.broadcast %parallel_loop3A_215 : vector<16xi1> to vector<16xi1>
      %parallel_loop3A_217 = arith.xori %parallel_loop3A_212, %parallel_loop3A_216 : vector<16xi1>
      %parallel_loop3A_218 = arith.andi %parallel_loop3A_217, %parallel_loop3A_209 : vector<16xi1>
      %parallel_loop3A_219 = vector.broadcast %parallel_loop3A_204 : i32 to vector<16xi32>
      %parallel_loop3A_220 = arith.addi %parallel_loop3A_206, %parallel_loop3A_219 : vector<16xi32>
      %parallel_loop3A_221 = arith.select %parallel_loop3A_218, %parallel_loop3A_220, %parallel_loop3A_206 : vector<16xi1>, vector<16xi32>
      %parallel_loop3A_222 = arith.constant 8.000000e+00 : f32
      %parallel_loop3A_223 = vector.broadcast %parallel_loop3A_222 : f32 to vector<16xf32>
      %parallel_loop3A_224 = arith.mulf %parallel_loop3A_168, %parallel_loop3A_223 : vector<16xf32>
      tpu.vector_store_idx %arg8[%parallel_loop3A_199, %parallel_loop3A_221, %parallel_loop3A_161], %parallel_loop3A_224 : memref<8x8x129xf32, #tpu.memory_space<vmem>>[vector<16xi32>, vector<16xi32>, vector<16xi32>], vector<16xf32>,
      %parallel_loop3A_225 = tpu.iota {dimensions = array<i32: 0>} : vector<16xi32>
      %parallel_loop3A_226 = arith.constant 16 : i32
      %parallel_loop3A_227 = vector.broadcast %parallel_loop3A_226 : i32 to vector<16xi32>
      %parallel_loop3A_228 = arith.addi %parallel_loop3A_225, %parallel_loop3A_227 : vector<16xi32>
      %parallel_loop3A_229 = arith.index_cast %parallel_loop3A_160 : i32 to index
      %parallel_loop3A_230 = arith.constant 16 : index
      %parallel_loop3A_231 = tpu.vector_load %arg6[%parallel_loop3A_229, %parallel_loop3A_230] {strides = array<i32>} : memref<128x64xf32, #tpu.memory_space<vmem>>, vector<16xf32>,
      %parallel_loop3A_232 = arith.constant 8 : i32
      %parallel_loop3A_233 = vector.broadcast %parallel_loop3A_232 : i32 to vector<16xi32>
      %parallel_loop3A_234 = arith.divsi %parallel_loop3A_228, %parallel_loop3A_233 : vector<16xi32>
      %parallel_loop3A_235 = arith.constant 0 : i32
      %parallel_loop3A_236 = vector.broadcast %parallel_loop3A_235 : i32 to vector<16xi32>
      %parallel_loop3A_237 = arith.cmpi sgt, %parallel_loop3A_228, %parallel_loop3A_236 : vector<16xi32>
      %parallel_loop3A_238 = arith.extui %parallel_loop3A_237 : vector<16xi1> to vector<16xi32>
      %parallel_loop3A_239 = arith.constant 0 : i32
      %parallel_loop3A_240 = vector.broadcast %parallel_loop3A_239 : i32 to vector<16xi32>
      %parallel_loop3A_241 = arith.cmpi slt, %parallel_loop3A_228, %parallel_loop3A_240 : vector<16xi32>
      %parallel_loop3A_242 = arith.extui %parallel_loop3A_241 : vector<16xi1> to vector<16xi32>
      %parallel_loop3A_243 = arith.subi %parallel_loop3A_238, %parallel_loop3A_242 : vector<16xi32>
      %parallel_loop3A_244 = arith.constant 0 : i32
      %parallel_loop3A_245 = arith.cmpi sgt, %parallel_loop3A_232, %parallel_loop3A_244 : i32
      %parallel_loop3A_246 = arith.extui %parallel_loop3A_245 : i1 to i32
      %parallel_loop3A_247 = arith.constant 0 : i32
      %parallel_loop3A_248 = arith.cmpi slt, %parallel_loop3A_232, %parallel_loop3A_247 : i32
      %parallel_loop3A_249 = arith.extui %parallel_loop3A_248 : i1 to i32
      %parallel_loop3A_250 = arith.subi %parallel_loop3A_246, %parallel_loop3A_249 : i32
      %parallel_loop3A_251 = vector.broadcast %parallel_loop3A_250 : i32 to vector<16xi32>
      %parallel_loop3A_252 = arith.cmpi ne, %parallel_loop3A_243, %parallel_loop3A_251 : vector<16xi32>
      %parallel_loop3A_253 = vector.broadcast %parallel_loop3A_232 : i32 to vector<16xi32>
      %parallel_loop3A_254 = arith.remsi %parallel_loop3A_228, %parallel_loop3A_253 : vector<16xi32>
      %parallel_loop3A_255 = arith.constant 0 : i32
      %parallel_loop3A_256 = vector.broadcast %parallel_loop3A_255 : i32 to vector<16xi32>
      %parallel_loop3A_257 = arith.cmpi ne, %parallel_loop3A_254, %parallel_loop3A_256 : vector<16xi32>
      %parallel_loop3A_258 = arith.andi %parallel_loop3A_252, %parallel_loop3A_257 : vector<16xi1>
      %parallel_loop3A_259 = arith.constant 1 : i32
      %parallel_loop3A_260 = vector.broadcast %parallel_loop3A_259 : i32 to vector<16xi32>
      %parallel_loop3A_261 = arith.subi %parallel_loop3A_234, %parallel_loop3A_260 : vector<16xi32>
      %parallel_loop3A_262 = arith.select %parallel_loop3A_258, %parallel_loop3A_261, %parallel_loop3A_234 : vector<16xi1>, vector<16xi32>
      %parallel_loop3A_263 = arith.constant 8 : i32
      %parallel_loop3A_264 = arith.constant 0 : i32
      %parallel_loop3A_265 = arith.cmpi eq, %parallel_loop3A_263, %parallel_loop3A_264 : i32
      %parallel_loop3A_266 = arith.constant 1 : i32
      %parallel_loop3A_267 = arith.select %parallel_loop3A_265, %parallel_loop3A_266, %parallel_loop3A_263 : i32
      %parallel_loop3A_268 = vector.broadcast %parallel_loop3A_267 : i32 to vector<16xi32>
      %parallel_loop3A_269 = arith.remsi %parallel_loop3A_228, %parallel_loop3A_268 : vector<16xi32>
      %parallel_loop3A_270 = arith.constant 0 : i32
      %parallel_loop3A_271 = vector.broadcast %parallel_loop3A_270 : i32 to vector<16xi32>
      %parallel_loop3A_272 = arith.cmpi ne, %parallel_loop3A_269, %parallel_loop3A_271 : vector<16xi32>
      %parallel_loop3A_273 = arith.constant 0 : i32
      %parallel_loop3A_274 = vector.broadcast %parallel_loop3A_273 : i32 to vector<16xi32>
      %parallel_loop3A_275 = arith.cmpi slt, %parallel_loop3A_269, %parallel_loop3A_274 : vector<16xi32>
      %parallel_loop3A_276 = arith.constant 0 : i32
      %parallel_loop3A_277 = arith.cmpi slt, %parallel_loop3A_267, %parallel_loop3A_276 : i32
      %parallel_loop3A_278 = vector.broadcast %parallel_loop3A_277 : i1 to vector<16xi1>
      %parallel_loop3A_279 = vector.broadcast %parallel_loop3A_278 : vector<16xi1> to vector<16xi1>
      %parallel_loop3A_280 = arith.xori %parallel_loop3A_275, %parallel_loop3A_279 : vector<16xi1>
      %parallel_loop3A_281 = arith.andi %parallel_loop3A_280, %parallel_loop3A_272 : vector<16xi1>
      %parallel_loop3A_282 = vector.broadcast %parallel_loop3A_267 : i32 to vector<16xi32>
      %parallel_loop3A_283 = arith.addi %parallel_loop3A_269, %parallel_loop3A_282 : vector<16xi32>
      %parallel_loop3A_284 = arith.select %parallel_loop3A_281, %parallel_loop3A_283, %parallel_loop3A_269 : vector<16xi1>, vector<16xi32>
      %parallel_loop3A_285 = arith.constant 8.000000e+00 : f32
      %parallel_loop3A_286 = vector.broadcast %parallel_loop3A_285 : f32 to vector<16xf32>
      %parallel_loop3A_287 = arith.mulf %parallel_loop3A_231, %parallel_loop3A_286 : vector<16xf32>
      tpu.vector_store_idx %arg8[%parallel_loop3A_262, %parallel_loop3A_284, %parallel_loop3A_161], %parallel_loop3A_287 : memref<8x8x129xf32, #tpu.memory_space<vmem>>[vector<16xi32>, vector<16xi32>, vector<16xi32>], vector<16xf32>,
      %parallel_loop3A_288 = tpu.iota {dimensions = array<i32: 0>} : vector<16xi32>
      %parallel_loop3A_289 = arith.constant 32 : i32
      %parallel_loop3A_290 = vector.broadcast %parallel_loop3A_289 : i32 to vector<16xi32>
      %parallel_loop3A_291 = arith.addi %parallel_loop3A_288, %parallel_loop3A_290 : vector<16xi32>
      %parallel_loop3A_292 = arith.index_cast %parallel_loop3A_160 : i32 to index
      %parallel_loop3A_293 = arith.constant 32 : index
      %parallel_loop3A_294 = tpu.vector_load %arg6[%parallel_loop3A_292, %parallel_loop3A_293] {strides = array<i32>} : memref<128x64xf32, #tpu.memory_space<vmem>>, vector<16xf32>,
      %parallel_loop3A_295 = arith.constant 8 : i32
      %parallel_loop3A_296 = vector.broadcast %parallel_loop3A_295 : i32 to vector<16xi32>
      %parallel_loop3A_297 = arith.divsi %parallel_loop3A_291, %parallel_loop3A_296 : vector<16xi32>
      %parallel_loop3A_298 = arith.constant 0 : i32
      %parallel_loop3A_299 = vector.broadcast %parallel_loop3A_298 : i32 to vector<16xi32>
      %parallel_loop3A_300 = arith.cmpi sgt, %parallel_loop3A_291, %parallel_loop3A_299 : vector<16xi32>
      %parallel_loop3A_301 = arith.extui %parallel_loop3A_300 : vector<16xi1> to vector<16xi32>
      %parallel_loop3A_302 = arith.constant 0 : i32
      %parallel_loop3A_303 = vector.broadcast %parallel_loop3A_302 : i32 to vector<16xi32>
      %parallel_loop3A_304 = arith.cmpi slt, %parallel_loop3A_291, %parallel_loop3A_303 : vector<16xi32>
      %parallel_loop3A_305 = arith.extui %parallel_loop3A_304 : vector<16xi1> to vector<16xi32>
      %parallel_loop3A_306 = arith.subi %parallel_loop3A_301, %parallel_loop3A_305 : vector<16xi32>
      %parallel_loop3A_307 = arith.constant 0 : i32
      %parallel_loop3A_308 = arith.cmpi sgt, %parallel_loop3A_295, %parallel_loop3A_307 : i32
      %parallel_loop3A_309 = arith.extui %parallel_loop3A_308 : i1 to i32
      %parallel_loop3A_310 = arith.constant 0 : i32
      %parallel_loop3A_311 = arith.cmpi slt, %parallel_loop3A_295, %parallel_loop3A_310 : i32
      %parallel_loop3A_312 = arith.extui %parallel_loop3A_311 : i1 to i32
      %parallel_loop3A_313 = arith.subi %parallel_loop3A_309, %parallel_loop3A_312 : i32
      %parallel_loop3A_314 = vector.broadcast %parallel_loop3A_313 : i32 to vector<16xi32>
      %parallel_loop3A_315 = arith.cmpi ne, %parallel_loop3A_306, %parallel_loop3A_314 : vector<16xi32>
      %parallel_loop3A_316 = vector.broadcast %parallel_loop3A_295 : i32 to vector<16xi32>
      %parallel_loop3A_317 = arith.remsi %parallel_loop3A_291, %parallel_loop3A_316 : vector<16xi32>
      %parallel_loop3A_318 = arith.constant 0 : i32
      %parallel_loop3A_319 = vector.broadcast %parallel_loop3A_318 : i32 to vector<16xi32>
      %parallel_loop3A_320 = arith.cmpi ne, %parallel_loop3A_317, %parallel_loop3A_319 : vector<16xi32>
      %parallel_loop3A_321 = arith.andi %parallel_loop3A_315, %parallel_loop3A_320 : vector<16xi1>
      %parallel_loop3A_322 = arith.constant 1 : i32
      %parallel_loop3A_323 = vector.broadcast %parallel_loop3A_322 : i32 to vector<16xi32>
      %parallel_loop3A_324 = arith.subi %parallel_loop3A_297, %parallel_loop3A_323 : vector<16xi32>
      %parallel_loop3A_325 = arith.select %parallel_loop3A_321, %parallel_loop3A_324, %parallel_loop3A_297 : vector<16xi1>, vector<16xi32>
      %parallel_loop3A_326 = arith.constant 8 : i32
      %parallel_loop3A_327 = arith.constant 0 : i32
      %parallel_loop3A_328 = arith.cmpi eq, %parallel_loop3A_326, %parallel_loop3A_327 : i32
      %parallel_loop3A_329 = arith.constant 1 : i32
      %parallel_loop3A_330 = arith.select %parallel_loop3A_328, %parallel_loop3A_329, %parallel_loop3A_326 : i32
      %parallel_loop3A_331 = vector.broadcast %parallel_loop3A_330 : i32 to vector<16xi32>
      %parallel_loop3A_332 = arith.remsi %parallel_loop3A_291, %parallel_loop3A_331 : vector<16xi32>
      %parallel_loop3A_333 = arith.constant 0 : i32
      %parallel_loop3A_334 = vector.broadcast %parallel_loop3A_333 : i32 to vector<16xi32>
      %parallel_loop3A_335 = arith.cmpi ne, %parallel_loop3A_332, %parallel_loop3A_334 : vector<16xi32>
      %parallel_loop3A_336 = arith.constant 0 : i32
      %parallel_loop3A_337 = vector.broadcast %parallel_loop3A_336 : i32 to vector<16xi32>
      %parallel_loop3A_338 = arith.cmpi slt, %parallel_loop3A_332, %parallel_loop3A_337 : vector<16xi32>
      %parallel_loop3A_339 = arith.constant 0 : i32
      %parallel_loop3A_340 = arith.cmpi slt, %parallel_loop3A_330, %parallel_loop3A_339 : i32
      %parallel_loop3A_341 = vector.broadcast %parallel_loop3A_340 : i1 to vector<16xi1>
      %parallel_loop3A_342 = vector.broadcast %parallel_loop3A_341 : vector<16xi1> to vector<16xi1>
      %parallel_loop3A_343 = arith.xori %parallel_loop3A_338, %parallel_loop3A_342 : vector<16xi1>
      %parallel_loop3A_344 = arith.andi %parallel_loop3A_343, %parallel_loop3A_335 : vector<16xi1>
      %parallel_loop3A_345 = vector.broadcast %parallel_loop3A_330 : i32 to vector<16xi32>
      %parallel_loop3A_346 = arith.addi %parallel_loop3A_332, %parallel_loop3A_345 : vector<16xi32>
      %parallel_loop3A_347 = arith.select %parallel_loop3A_344, %parallel_loop3A_346, %parallel_loop3A_332 : vector<16xi1>, vector<16xi32>
      %parallel_loop3A_348 = arith.constant 8.000000e+00 : f32
      %parallel_loop3A_349 = vector.broadcast %parallel_loop3A_348 : f32 to vector<16xf32>
      %parallel_loop3A_350 = arith.mulf %parallel_loop3A_294, %parallel_loop3A_349 : vector<16xf32>
      tpu.vector_store_idx %arg8[%parallel_loop3A_325, %parallel_loop3A_347, %parallel_loop3A_161], %parallel_loop3A_350 : memref<8x8x129xf32, #tpu.memory_space<vmem>>[vector<16xi32>, vector<16xi32>, vector<16xi32>], vector<16xf32>,
      %parallel_loop3A_351 = tpu.iota {dimensions = array<i32: 0>} : vector<16xi32>
      %parallel_loop3A_352 = arith.constant 48 : i32
      %parallel_loop3A_353 = vector.broadcast %parallel_loop3A_352 : i32 to vector<16xi32>
      %parallel_loop3A_354 = arith.addi %parallel_loop3A_351, %parallel_loop3A_353 : vector<16xi32>
      %parallel_loop3A_355 = arith.index_cast %parallel_loop3A_160 : i32 to index
      %parallel_loop3A_356 = arith.constant 48 : index
      %parallel_loop3A_357 = tpu.vector_load %arg6[%parallel_loop3A_355, %parallel_loop3A_356] {strides = array<i32>} : memref<128x64xf32, #tpu.memory_space<vmem>>, vector<16xf32>,
      %parallel_loop3A_358 = arith.constant 8 : i32
      %parallel_loop3A_359 = vector.broadcast %parallel_loop3A_358 : i32 to vector<16xi32>
      %parallel_loop3A_360 = arith.divsi %parallel_loop3A_354, %parallel_loop3A_359 : vector<16xi32>
      %parallel_loop3A_361 = arith.constant 0 : i32
      %parallel_loop3A_362 = vector.broadcast %parallel_loop3A_361 : i32 to vector<16xi32>
      %parallel_loop3A_363 = arith.cmpi sgt, %parallel_loop3A_354, %parallel_loop3A_362 : vector<16xi32>
      %parallel_loop3A_364 = arith.extui %parallel_loop3A_363 : vector<16xi1> to vector<16xi32>
      %parallel_loop3A_365 = arith.constant 0 : i32
      %parallel_loop3A_366 = vector.broadcast %parallel_loop3A_365 : i32 to vector<16xi32>
      %parallel_loop3A_367 = arith.cmpi slt, %parallel_loop3A_354, %parallel_loop3A_366 : vector<16xi32>
      %parallel_loop3A_368 = arith.extui %parallel_loop3A_367 : vector<16xi1> to vector<16xi32>
      %parallel_loop3A_369 = arith.subi %parallel_loop3A_364, %parallel_loop3A_368 : vector<16xi32>
      %parallel_loop3A_370 = arith.constant 0 : i32
      %parallel_loop3A_371 = arith.cmpi sgt, %parallel_loop3A_358, %parallel_loop3A_370 : i32
      %parallel_loop3A_372 = arith.extui %parallel_loop3A_371 : i1 to i32
      %parallel_loop3A_373 = arith.constant 0 : i32
      %parallel_loop3A_374 = arith.cmpi slt, %parallel_loop3A_358, %parallel_loop3A_373 : i32
      %parallel_loop3A_375 = arith.extui %parallel_loop3A_374 : i1 to i32
      %parallel_loop3A_376 = arith.subi %parallel_loop3A_372, %parallel_loop3A_375 : i32
      %parallel_loop3A_377 = vector.broadcast %parallel_loop3A_376 : i32 to vector<16xi32>
      %parallel_loop3A_378 = arith.cmpi ne, %parallel_loop3A_369, %parallel_loop3A_377 : vector<16xi32>
      %parallel_loop3A_379 = vector.broadcast %parallel_loop3A_358 : i32 to vector<16xi32>
      %parallel_loop3A_380 = arith.remsi %parallel_loop3A_354, %parallel_loop3A_379 : vector<16xi32>
      %parallel_loop3A_381 = arith.constant 0 : i32
      %parallel_loop3A_382 = vector.broadcast %parallel_loop3A_381 : i32 to vector<16xi32>
      %parallel_loop3A_383 = arith.cmpi ne, %parallel_loop3A_380, %parallel_loop3A_382 : vector<16xi32>
      %parallel_loop3A_384 = arith.andi %parallel_loop3A_378, %parallel_loop3A_383 : vector<16xi1>
      %parallel_loop3A_385 = arith.constant 1 : i32
      %parallel_loop3A_386 = vector.broadcast %parallel_loop3A_385 : i32 to vector<16xi32>
      %parallel_loop3A_387 = arith.subi %parallel_loop3A_360, %parallel_loop3A_386 : vector<16xi32>
      %parallel_loop3A_388 = arith.select %parallel_loop3A_384, %parallel_loop3A_387, %parallel_loop3A_360 : vector<16xi1>, vector<16xi32>
      %parallel_loop3A_389 = arith.constant 8 : i32
      %parallel_loop3A_390 = arith.constant 0 : i32
      %parallel_loop3A_391 = arith.cmpi eq, %parallel_loop3A_389, %parallel_loop3A_390 : i32
      %parallel_loop3A_392 = arith.constant 1 : i32
      %parallel_loop3A_393 = arith.select %parallel_loop3A_391, %parallel_loop3A_392, %parallel_loop3A_389 : i32
      %parallel_loop3A_394 = vector.broadcast %parallel_loop3A_393 : i32 to vector<16xi32>
      %parallel_loop3A_395 = arith.remsi %parallel_loop3A_354, %parallel_loop3A_394 : vector<16xi32>
      %parallel_loop3A_396 = arith.constant 0 : i32
      %parallel_loop3A_397 = vector.broadcast %parallel_loop3A_396 : i32 to vector<16xi32>
      %parallel_loop3A_398 = arith.cmpi ne, %parallel_loop3A_395, %parallel_loop3A_397 : vector<16xi32>
      %parallel_loop3A_399 = arith.constant 0 : i32
      %parallel_loop3A_400 = vector.broadcast %parallel_loop3A_399 : i32 to vector<16xi32>
      %parallel_loop3A_401 = arith.cmpi slt, %parallel_loop3A_395, %parallel_loop3A_400 : vector<16xi32>
      %parallel_loop3A_402 = arith.constant 0 : i32
      %parallel_loop3A_403 = arith.cmpi slt, %parallel_loop3A_393, %parallel_loop3A_402 : i32
      %parallel_loop3A_404 = vector.broadcast %parallel_loop3A_403 : i1 to vector<16xi1>
      %parallel_loop3A_405 = vector.broadcast %parallel_loop3A_404 : vector<16xi1> to vector<16xi1>
      %parallel_loop3A_406 = arith.xori %parallel_loop3A_401, %parallel_loop3A_405 : vector<16xi1>
      %parallel_loop3A_407 = arith.andi %parallel_loop3A_406, %parallel_loop3A_398 : vector<16xi1>
      %parallel_loop3A_408 = vector.broadcast %parallel_loop3A_393 : i32 to vector<16xi32>
      %parallel_loop3A_409 = arith.addi %parallel_loop3A_395, %parallel_loop3A_408 : vector<16xi32>
      %parallel_loop3A_410 = arith.select %parallel_loop3A_407, %parallel_loop3A_409, %parallel_loop3A_395 : vector<16xi1>, vector<16xi32>
      %parallel_loop3A_411 = arith.constant 8.000000e+00 : f32
      %parallel_loop3A_412 = vector.broadcast %parallel_loop3A_411 : f32 to vector<16xf32>
      %parallel_loop3A_413 = arith.mulf %parallel_loop3A_357, %parallel_loop3A_412 : vector<16xf32>
      tpu.vector_store_idx %arg8[%parallel_loop3A_388, %parallel_loop3A_410, %parallel_loop3A_161], %parallel_loop3A_413 : memref<8x8x129xf32, #tpu.memory_space<vmem>>[vector<16xi32>, vector<16xi32>, vector<16xi32>], vector<16xf32>,
    } {sc.loop_unroll_factor = 8 : i64, sc.parallel_access}
    %dma_start3A_52 = arith.constant 198 : i32
    %dma_start3A_53 = arith.constant 0 : i32
    %dma_start3A_54 = arith.constant 0 : i32
    %dma_start3A_55 = arith.constant 0 : i32
    %dma_start3A_56 = tpu.memref_slice %arg8[%dma_start3A_53, %dma_start3A_54, %dma_start3A_55] : memref<8x8x129xf32, #tpu.memory_space<vmem>> -> memref<8x8x128xf32, #tpu.memory_space<vmem>>
    %dma_start3A_57 = arith.constant 0 : i32
    %dma_start3A_58 = arith.constant 0 : i32
    %dma_start3A_59 = arith.constant 0 : i32
    %dma_start3A_60 = tpu.memref_slice %arg4[%dma_start3A_52, %dma_start3A_57, %add3A, %dma_start3A_58, %dma_start3A_59] : memref<200x8x32x8x128xf32, #tpu.memory_space<hbm>> -> memref<1x8x1x8x128xf32, #tpu.memory_space<hbm>>
    %dma_start3A_61 = tpu.memref_squeeze %dma_start3A_60 : memref<1x8x1x8x128xf32, #tpu.memory_space<hbm>> -> memref<8x8x128xf32, #tpu.memory_space<hbm>>
    %dma_start3A_62 = arith.constant 0 : i32
    %dma_start3A_63 = arith.constant 0 : i32
    %dma_start3A_64 = arith.constant 0 : i32
    %dma_start3A_65 = tpu.memref_slice %arg4[%dma_start3A_52, %dma_start3A_62, %add3A, %dma_start3A_63, %dma_start3A_64] : memref<200x8x32x8x128xf32, #tpu.memory_space<hbm>> -> memref<1x8x1x8x128xf32, #tpu.memory_space<hbm>>
    %dma_start3A_66 = tpu.memref_squeeze %dma_start3A_65 : memref<1x8x1x8x128xf32, #tpu.memory_space<hbm>> -> memref<8x8x128xf32, #tpu.memory_space<hbm>>
    %dma_start3A_67 = arith.constant 0 : i32
    %dma_start3A_68 = arith.constant 0 : i32
    %dma_start3A_69 = arith.constant 0 : i32
    %dma_start3A_70 = tpu.memref_slice %arg8[%dma_start3A_67, %dma_start3A_68, %dma_start3A_69] : memref<8x8x129xf32, #tpu.memory_space<vmem>> -> memref<8x8x128xf32, #tpu.memory_space<vmem>>
    tpu.enqueue_dma source(%dma_start3A_70 : memref<8x8x128xf32, #tpu.memory_space<vmem>>) target(%dma_start3A_66 : memref<8x8x128xf32, #tpu.memory_space<hbm>>) target_semaphore(%arg12 : memref<!tpu.dma_semaphore, #tpu.memory_space<semaphore_mem>>)
    %dma_wait3A_71 = arith.constant 0 : i32
    %dma_wait3A_72 = arith.constant 0 : i32
    %dma_wait3A_73 = tpu.memref_slice %arg5[%dma_wait3A_71, %dma_wait3A_72] : memref<200x128xi32, #tpu.memory_space<vmem>> -> memref<1x128xi32, #tpu.memory_space<vmem>>
    %dma_wait3A_74 = tpu.memref_squeeze %dma_wait3A_73 : memref<1x128xi32, #tpu.memory_space<vmem>> -> memref<128xi32, #tpu.memory_space<vmem>>
    %dma_wait3A_75 = arith.constant 0 : i32
    %dma_wait3A_76 = arith.constant 0 : i32
    %dma_wait3A_77 = tpu.memref_slice %arg2[%dma_wait3A_75, %dma_wait3A_76] : memref<2000000x64xf32, #tpu.memory_space<hbm>> -> memref<2000000x64xf32, #tpu.memory_space<hbm>>
    tpu.wait_indirect_dma semaphore(%arg11 : memref<!tpu.dma_semaphore, #tpu.memory_space<semaphore_mem>>) src(%dma_wait3A_77 : memref<2000000x64xf32, #tpu.memory_space<hbm>>) dst(%arg7 : memref<128x64xf32, #tpu.memory_space<vmem>>)
    %dma_wait3A_78 = arith.constant 0 : i32
    %dma_wait3A_79 = arith.constant 0 : i32
    %dma_wait3A_80 = arith.constant 0 : i32
    %dma_wait3A_81 = arith.constant 0 : i32
    %dma_wait3A_82 = arith.constant 0 : i32
    %dma_wait3A_83 = tpu.memref_slice %arg9[%dma_wait3A_80, %dma_wait3A_81, %dma_wait3A_82] : memref<8x8x129xf32, #tpu.memory_space<vmem>> -> memref<8x8x128xf32, #tpu.memory_space<vmem>>
    %dma_wait3A_84 = arith.constant 0 : i32
    %dma_wait3A_85 = arith.constant 0 : i32
    %dma_wait3A_86 = arith.constant 0 : i32
    %dma_wait3A_87 = tpu.memref_slice %arg4[%dma_wait3A_78, %dma_wait3A_84, %dma_wait3A_79, %dma_wait3A_85, %dma_wait3A_86] : memref<200x8x32x8x128xf32, #tpu.memory_space<hbm>> -> memref<1x8x1x8x128xf32, #tpu.memory_space<hbm>>
    %dma_wait3A_88 = tpu.memref_squeeze %dma_wait3A_87 : memref<1x8x1x8x128xf32, #tpu.memory_space<hbm>> -> memref<8x8x128xf32, #tpu.memory_space<hbm>>
    %dma_wait3A_89 = arith.constant 0 : i32
    %dma_wait3A_90 = arith.constant 0 : i32
    %dma_wait3A_91 = arith.constant 0 : i32
    %dma_wait3A_92 = tpu.memref_slice %arg4[%dma_wait3A_78, %dma_wait3A_89, %dma_wait3A_79, %dma_wait3A_90, %dma_wait3A_91] : memref<200x8x32x8x128xf32, #tpu.memory_space<hbm>> -> memref<1x8x1x8x128xf32, #tpu.memory_space<hbm>>
    %dma_wait3A_93 = tpu.memref_squeeze %dma_wait3A_92 : memref<1x8x1x8x128xf32, #tpu.memory_space<hbm>> -> memref<8x8x128xf32, #tpu.memory_space<hbm>>
    %dma_wait3A_94 = arith.constant 0 : i32
    %dma_wait3A_95 = arith.constant 0 : i32
    %dma_wait3A_96 = arith.constant 0 : i32
    %dma_wait3A_97 = tpu.memref_slice %arg9[%dma_wait3A_94, %dma_wait3A_95, %dma_wait3A_96] : memref<8x8x129xf32, #tpu.memory_space<vmem>> -> memref<8x8x128xf32, #tpu.memory_space<vmem>>
    tpu.wait_dma2 semaphore(%arg13 : memref<!tpu.dma_semaphore, #tpu.memory_space<semaphore_mem>>) src(%dma_wait3A_97 : memref<8x8x128xf32, #tpu.memory_space<vmem>>) dst(%dma_wait3A_93 : memref<8x8x128xf32, #tpu.memory_space<hbm>>)
    %parallel_loop3A_98 = arith.constant 0 : i32
    %parallel_loop3A_99 = arith.constant 128 : i32
    %parallel_loop3A_100 = arith.constant 1 : i32
    scf.for %parallel_loop3A_160 = %parallel_loop3A_98 to %parallel_loop3A_99 step %parallel_loop3A_100  : i32 {
      %parallel_loop3A_161 = vector.broadcast %parallel_loop3A_160 : i32 to vector<16xi32>
      %parallel_loop3A_162 = tpu.iota {dimensions = array<i32: 0>} : vector<16xi32>
      %parallel_loop3A_163 = arith.constant 0 : i32
      %parallel_loop3A_164 = vector.broadcast %parallel_loop3A_163 : i32 to vector<16xi32>
      %parallel_loop3A_165 = arith.addi %parallel_loop3A_162, %parallel_loop3A_164 : vector<16xi32>
      %parallel_loop3A_166 = arith.index_cast %parallel_loop3A_160 : i32 to index
      %parallel_loop3A_167 = arith.constant 0 : index
      %parallel_loop3A_168 = tpu.vector_load %arg7[%parallel_loop3A_166, %parallel_loop3A_167] {strides = array<i32>} : memref<128x64xf32, #tpu.memory_space<vmem>>, vector<16xf32>,
      %parallel_loop3A_169 = arith.constant 8 : i32
      %parallel_loop3A_170 = vector.broadcast %parallel_loop3A_169 : i32 to vector<16xi32>
      %parallel_loop3A_171 = arith.divsi %parallel_loop3A_165, %parallel_loop3A_170 : vector<16xi32>
      %parallel_loop3A_172 = arith.constant 0 : i32
      %parallel_loop3A_173 = vector.broadcast %parallel_loop3A_172 : i32 to vector<16xi32>
      %parallel_loop3A_174 = arith.cmpi sgt, %parallel_loop3A_165, %parallel_loop3A_173 : vector<16xi32>
      %parallel_loop3A_175 = arith.extui %parallel_loop3A_174 : vector<16xi1> to vector<16xi32>
      %parallel_loop3A_176 = arith.constant 0 : i32
      %parallel_loop3A_177 = vector.broadcast %parallel_loop3A_176 : i32 to vector<16xi32>
      %parallel_loop3A_178 = arith.cmpi slt, %parallel_loop3A_165, %parallel_loop3A_177 : vector<16xi32>
      %parallel_loop3A_179 = arith.extui %parallel_loop3A_178 : vector<16xi1> to vector<16xi32>
      %parallel_loop3A_180 = arith.subi %parallel_loop3A_175, %parallel_loop3A_179 : vector<16xi32>
      %parallel_loop3A_181 = arith.constant 0 : i32
      %parallel_loop3A_182 = arith.cmpi sgt, %parallel_loop3A_169, %parallel_loop3A_181 : i32
      %parallel_loop3A_183 = arith.extui %parallel_loop3A_182 : i1 to i32
      %parallel_loop3A_184 = arith.constant 0 : i32
      %parallel_loop3A_185 = arith.cmpi slt, %parallel_loop3A_169, %parallel_loop3A_184 : i32
      %parallel_loop3A_186 = arith.extui %parallel_loop3A_185 : i1 to i32
      %parallel_loop3A_187 = arith.subi %parallel_loop3A_183, %parallel_loop3A_186 : i32
      %parallel_loop3A_188 = vector.broadcast %parallel_loop3A_187 : i32 to vector<16xi32>
      %parallel_loop3A_189 = arith.cmpi ne, %parallel_loop3A_180, %parallel_loop3A_188 : vector<16xi32>
      %parallel_loop3A_190 = vector.broadcast %parallel_loop3A_169 : i32 to vector<16xi32>
      %parallel_loop3A_191 = arith.remsi %parallel_loop3A_165, %parallel_loop3A_190 : vector<16xi32>
      %parallel_loop3A_192 = arith.constant 0 : i32
      %parallel_loop3A_193 = vector.broadcast %parallel_loop3A_192 : i32 to vector<16xi32>
      %parallel_loop3A_194 = arith.cmpi ne, %parallel_loop3A_191, %parallel_loop3A_193 : vector<16xi32>
      %parallel_loop3A_195 = arith.andi %parallel_loop3A_189, %parallel_loop3A_194 : vector<16xi1>
      %parallel_loop3A_196 = arith.constant 1 : i32
      %parallel_loop3A_197 = vector.broadcast %parallel_loop3A_196 : i32 to vector<16xi32>
      %parallel_loop3A_198 = arith.subi %parallel_loop3A_171, %parallel_loop3A_197 : vector<16xi32>
      %parallel_loop3A_199 = arith.select %parallel_loop3A_195, %parallel_loop3A_198, %parallel_loop3A_171 : vector<16xi1>, vector<16xi32>
      %parallel_loop3A_200 = arith.constant 8 : i32
      %parallel_loop3A_201 = arith.constant 0 : i32
      %parallel_loop3A_202 = arith.cmpi eq, %parallel_loop3A_200, %parallel_loop3A_201 : i32
      %parallel_loop3A_203 = arith.constant 1 : i32
      %parallel_loop3A_204 = arith.select %parallel_loop3A_202, %parallel_loop3A_203, %parallel_loop3A_200 : i32
      %parallel_loop3A_205 = vector.broadcast %parallel_loop3A_204 : i32 to vector<16xi32>
      %parallel_loop3A_206 = arith.remsi %parallel_loop3A_165, %parallel_loop3A_205 : vector<16xi32>
      %parallel_loop3A_207 = arith.constant 0 : i32
      %parallel_loop3A_208 = vector.broadcast %parallel_loop3A_207 : i32 to vector<16xi32>
      %parallel_loop3A_209 = arith.cmpi ne, %parallel_loop3A_206, %parallel_loop3A_208 : vector<16xi32>
      %parallel_loop3A_210 = arith.constant 0 : i32
      %parallel_loop3A_211 = vector.broadcast %parallel_loop3A_210 : i32 to vector<16xi32>
      %parallel_loop3A_212 = arith.cmpi slt, %parallel_loop3A_206, %parallel_loop3A_211 : vector<16xi32>
      %parallel_loop3A_213 = arith.constant 0 : i32
      %parallel_loop3A_214 = arith.cmpi slt, %parallel_loop3A_204, %parallel_loop3A_213 : i32
      %parallel_loop3A_215 = vector.broadcast %parallel_loop3A_214 : i1 to vector<16xi1>
      %parallel_loop3A_216 = vector.broadcast %parallel_loop3A_215 : vector<16xi1> to vector<16xi1>
      %parallel_loop3A_217 = arith.xori %parallel_loop3A_212, %parallel_loop3A_216 : vector<16xi1>
      %parallel_loop3A_218 = arith.andi %parallel_loop3A_217, %parallel_loop3A_209 : vector<16xi1>
      %parallel_loop3A_219 = vector.broadcast %parallel_loop3A_204 : i32 to vector<16xi32>
      %parallel_loop3A_220 = arith.addi %parallel_loop3A_206, %parallel_loop3A_219 : vector<16xi32>
      %parallel_loop3A_221 = arith.select %parallel_loop3A_218, %parallel_loop3A_220, %parallel_loop3A_206 : vector<16xi1>, vector<16xi32>
      %parallel_loop3A_222 = arith.constant 8.000000e+00 : f32
      %parallel_loop3A_223 = vector.broadcast %parallel_loop3A_222 : f32 to vector<16xf32>
      %parallel_loop3A_224 = arith.mulf %parallel_loop3A_168, %parallel_loop3A_223 : vector<16xf32>
      tpu.vector_store_idx %arg9[%parallel_loop3A_199, %parallel_loop3A_221, %parallel_loop3A_161], %parallel_loop3A_224 : memref<8x8x129xf32, #tpu.memory_space<vmem>>[vector<16xi32>, vector<16xi32>, vector<16xi32>], vector<16xf32>,
      %parallel_loop3A_225 = tpu.iota {dimensions = array<i32: 0>} : vector<16xi32>
      %parallel_loop3A_226 = arith.constant 16 : i32
      %parallel_loop3A_227 = vector.broadcast %parallel_loop3A_226 : i32 to vector<16xi32>
      %parallel_loop3A_228 = arith.addi %parallel_loop3A_225, %parallel_loop3A_227 : vector<16xi32>
      %parallel_loop3A_229 = arith.index_cast %parallel_loop3A_160 : i32 to index
      %parallel_loop3A_230 = arith.constant 16 : index
      %parallel_loop3A_231 = tpu.vector_load %arg7[%parallel_loop3A_229, %parallel_loop3A_230] {strides = array<i32>} : memref<128x64xf32, #tpu.memory_space<vmem>>, vector<16xf32>,
      %parallel_loop3A_232 = arith.constant 8 : i32
      %parallel_loop3A_233 = vector.broadcast %parallel_loop3A_232 : i32 to vector<16xi32>
      %parallel_loop3A_234 = arith.divsi %parallel_loop3A_228, %parallel_loop3A_233 : vector<16xi32>
      %parallel_loop3A_235 = arith.constant 0 : i32
      %parallel_loop3A_236 = vector.broadcast %parallel_loop3A_235 : i32 to vector<16xi32>
      %parallel_loop3A_237 = arith.cmpi sgt, %parallel_loop3A_228, %parallel_loop3A_236 : vector<16xi32>
      %parallel_loop3A_238 = arith.extui %parallel_loop3A_237 : vector<16xi1> to vector<16xi32>
      %parallel_loop3A_239 = arith.constant 0 : i32
      %parallel_loop3A_240 = vector.broadcast %parallel_loop3A_239 : i32 to vector<16xi32>
      %parallel_loop3A_241 = arith.cmpi slt, %parallel_loop3A_228, %parallel_loop3A_240 : vector<16xi32>
      %parallel_loop3A_242 = arith.extui %parallel_loop3A_241 : vector<16xi1> to vector<16xi32>
      %parallel_loop3A_243 = arith.subi %parallel_loop3A_238, %parallel_loop3A_242 : vector<16xi32>
      %parallel_loop3A_244 = arith.constant 0 : i32
      %parallel_loop3A_245 = arith.cmpi sgt, %parallel_loop3A_232, %parallel_loop3A_244 : i32
      %parallel_loop3A_246 = arith.extui %parallel_loop3A_245 : i1 to i32
      %parallel_loop3A_247 = arith.constant 0 : i32
      %parallel_loop3A_248 = arith.cmpi slt, %parallel_loop3A_232, %parallel_loop3A_247 : i32
      %parallel_loop3A_249 = arith.extui %parallel_loop3A_248 : i1 to i32
      %parallel_loop3A_250 = arith.subi %parallel_loop3A_246, %parallel_loop3A_249 : i32
      %parallel_loop3A_251 = vector.broadcast %parallel_loop3A_250 : i32 to vector<16xi32>
      %parallel_loop3A_252 = arith.cmpi ne, %parallel_loop3A_243, %parallel_loop3A_251 : vector<16xi32>
      %parallel_loop3A_253 = vector.broadcast %parallel_loop3A_232 : i32 to vector<16xi32>
      %parallel_loop3A_254 = arith.remsi %parallel_loop3A_228, %parallel_loop3A_253 : vector<16xi32>
      %parallel_loop3A_255 = arith.constant 0 : i32
      %parallel_loop3A_256 = vector.broadcast %parallel_loop3A_255 : i32 to vector<16xi32>
      %parallel_loop3A_257 = arith.cmpi ne, %parallel_loop3A_254, %parallel_loop3A_256 : vector<16xi32>
      %parallel_loop3A_258 = arith.andi %parallel_loop3A_252, %parallel_loop3A_257 : vector<16xi1>
      %parallel_loop3A_259 = arith.constant 1 : i32
      %parallel_loop3A_260 = vector.broadcast %parallel_loop3A_259 : i32 to vector<16xi32>
      %parallel_loop3A_261 = arith.subi %parallel_loop3A_234, %parallel_loop3A_260 : vector<16xi32>
      %parallel_loop3A_262 = arith.select %parallel_loop3A_258, %parallel_loop3A_261, %parallel_loop3A_234 : vector<16xi1>, vector<16xi32>
      %parallel_loop3A_263 = arith.constant 8 : i32
      %parallel_loop3A_264 = arith.constant 0 : i32
      %parallel_loop3A_265 = arith.cmpi eq, %parallel_loop3A_263, %parallel_loop3A_264 : i32
      %parallel_loop3A_266 = arith.constant 1 : i32
      %parallel_loop3A_267 = arith.select %parallel_loop3A_265, %parallel_loop3A_266, %parallel_loop3A_263 : i32
      %parallel_loop3A_268 = vector.broadcast %parallel_loop3A_267 : i32 to vector<16xi32>
      %parallel_loop3A_269 = arith.remsi %parallel_loop3A_228, %parallel_loop3A_268 : vector<16xi32>
      %parallel_loop3A_270 = arith.constant 0 : i32
      %parallel_loop3A_271 = vector.broadcast %parallel_loop3A_270 : i32 to vector<16xi32>
      %parallel_loop3A_272 = arith.cmpi ne, %parallel_loop3A_269, %parallel_loop3A_271 : vector<16xi32>
      %parallel_loop3A_273 = arith.constant 0 : i32
      %parallel_loop3A_274 = vector.broadcast %parallel_loop3A_273 : i32 to vector<16xi32>
      %parallel_loop3A_275 = arith.cmpi slt, %parallel_loop3A_269, %parallel_loop3A_274 : vector<16xi32>
      %parallel_loop3A_276 = arith.constant 0 : i32
      %parallel_loop3A_277 = arith.cmpi slt, %parallel_loop3A_267, %parallel_loop3A_276 : i32
      %parallel_loop3A_278 = vector.broadcast %parallel_loop3A_277 : i1 to vector<16xi1>
      %parallel_loop3A_279 = vector.broadcast %parallel_loop3A_278 : vector<16xi1> to vector<16xi1>
      %parallel_loop3A_280 = arith.xori %parallel_loop3A_275, %parallel_loop3A_279 : vector<16xi1>
      %parallel_loop3A_281 = arith.andi %parallel_loop3A_280, %parallel_loop3A_272 : vector<16xi1>
      %parallel_loop3A_282 = vector.broadcast %parallel_loop3A_267 : i32 to vector<16xi32>
      %parallel_loop3A_283 = arith.addi %parallel_loop3A_269, %parallel_loop3A_282 : vector<16xi32>
      %parallel_loop3A_284 = arith.select %parallel_loop3A_281, %parallel_loop3A_283, %parallel_loop3A_269 : vector<16xi1>, vector<16xi32>
      %parallel_loop3A_285 = arith.constant 8.000000e+00 : f32
      %parallel_loop3A_286 = vector.broadcast %parallel_loop3A_285 : f32 to vector<16xf32>
      %parallel_loop3A_287 = arith.mulf %parallel_loop3A_231, %parallel_loop3A_286 : vector<16xf32>
      tpu.vector_store_idx %arg9[%parallel_loop3A_262, %parallel_loop3A_284, %parallel_loop3A_161], %parallel_loop3A_287 : memref<8x8x129xf32, #tpu.memory_space<vmem>>[vector<16xi32>, vector<16xi32>, vector<16xi32>], vector<16xf32>,
      %parallel_loop3A_288 = tpu.iota {dimensions = array<i32: 0>} : vector<16xi32>
      %parallel_loop3A_289 = arith.constant 32 : i32
      %parallel_loop3A_290 = vector.broadcast %parallel_loop3A_289 : i32 to vector<16xi32>
      %parallel_loop3A_291 = arith.addi %parallel_loop3A_288, %parallel_loop3A_290 : vector<16xi32>
      %parallel_loop3A_292 = arith.index_cast %parallel_loop3A_160 : i32 to index
      %parallel_loop3A_293 = arith.constant 32 : index
      %parallel_loop3A_294 = tpu.vector_load %arg7[%parallel_loop3A_292, %parallel_loop3A_293] {strides = array<i32>} : memref<128x64xf32, #tpu.memory_space<vmem>>, vector<16xf32>,
      %parallel_loop3A_295 = arith.constant 8 : i32
      %parallel_loop3A_296 = vector.broadcast %parallel_loop3A_295 : i32 to vector<16xi32>
      %parallel_loop3A_297 = arith.divsi %parallel_loop3A_291, %parallel_loop3A_296 : vector<16xi32>
      %parallel_loop3A_298 = arith.constant 0 : i32
      %parallel_loop3A_299 = vector.broadcast %parallel_loop3A_298 : i32 to vector<16xi32>
      %parallel_loop3A_300 = arith.cmpi sgt, %parallel_loop3A_291, %parallel_loop3A_299 : vector<16xi32>
      %parallel_loop3A_301 = arith.extui %parallel_loop3A_300 : vector<16xi1> to vector<16xi32>
      %parallel_loop3A_302 = arith.constant 0 : i32
      %parallel_loop3A_303 = vector.broadcast %parallel_loop3A_302 : i32 to vector<16xi32>
      %parallel_loop3A_304 = arith.cmpi slt, %parallel_loop3A_291, %parallel_loop3A_303 : vector<16xi32>
      %parallel_loop3A_305 = arith.extui %parallel_loop3A_304 : vector<16xi1> to vector<16xi32>
      %parallel_loop3A_306 = arith.subi %parallel_loop3A_301, %parallel_loop3A_305 : vector<16xi32>
      %parallel_loop3A_307 = arith.constant 0 : i32
      %parallel_loop3A_308 = arith.cmpi sgt, %parallel_loop3A_295, %parallel_loop3A_307 : i32
      %parallel_loop3A_309 = arith.extui %parallel_loop3A_308 : i1 to i32
      %parallel_loop3A_310 = arith.constant 0 : i32
      %parallel_loop3A_311 = arith.cmpi slt, %parallel_loop3A_295, %parallel_loop3A_310 : i32
      %parallel_loop3A_312 = arith.extui %parallel_loop3A_311 : i1 to i32
      %parallel_loop3A_313 = arith.subi %parallel_loop3A_309, %parallel_loop3A_312 : i32
      %parallel_loop3A_314 = vector.broadcast %parallel_loop3A_313 : i32 to vector<16xi32>
      %parallel_loop3A_315 = arith.cmpi ne, %parallel_loop3A_306, %parallel_loop3A_314 : vector<16xi32>
      %parallel_loop3A_316 = vector.broadcast %parallel_loop3A_295 : i32 to vector<16xi32>
      %parallel_loop3A_317 = arith.remsi %parallel_loop3A_291, %parallel_loop3A_316 : vector<16xi32>
      %parallel_loop3A_318 = arith.constant 0 : i32
      %parallel_loop3A_319 = vector.broadcast %parallel_loop3A_318 : i32 to vector<16xi32>
      %parallel_loop3A_320 = arith.cmpi ne, %parallel_loop3A_317, %parallel_loop3A_319 : vector<16xi32>
      %parallel_loop3A_321 = arith.andi %parallel_loop3A_315, %parallel_loop3A_320 : vector<16xi1>
      %parallel_loop3A_322 = arith.constant 1 : i32
      %parallel_loop3A_323 = vector.broadcast %parallel_loop3A_322 : i32 to vector<16xi32>
      %parallel_loop3A_324 = arith.subi %parallel_loop3A_297, %parallel_loop3A_323 : vector<16xi32>
      %parallel_loop3A_325 = arith.select %parallel_loop3A_321, %parallel_loop3A_324, %parallel_loop3A_297 : vector<16xi1>, vector<16xi32>
      %parallel_loop3A_326 = arith.constant 8 : i32
      %parallel_loop3A_327 = arith.constant 0 : i32
      %parallel_loop3A_328 = arith.cmpi eq, %parallel_loop3A_326, %parallel_loop3A_327 : i32
      %parallel_loop3A_329 = arith.constant 1 : i32
      %parallel_loop3A_330 = arith.select %parallel_loop3A_328, %parallel_loop3A_329, %parallel_loop3A_326 : i32
      %parallel_loop3A_331 = vector.broadcast %parallel_loop3A_330 : i32 to vector<16xi32>
      %parallel_loop3A_332 = arith.remsi %parallel_loop3A_291, %parallel_loop3A_331 : vector<16xi32>
      %parallel_loop3A_333 = arith.constant 0 : i32
      %parallel_loop3A_334 = vector.broadcast %parallel_loop3A_333 : i32 to vector<16xi32>
      %parallel_loop3A_335 = arith.cmpi ne, %parallel_loop3A_332, %parallel_loop3A_334 : vector<16xi32>
      %parallel_loop3A_336 = arith.constant 0 : i32
      %parallel_loop3A_337 = vector.broadcast %parallel_loop3A_336 : i32 to vector<16xi32>
      %parallel_loop3A_338 = arith.cmpi slt, %parallel_loop3A_332, %parallel_loop3A_337 : vector<16xi32>
      %parallel_loop3A_339 = arith.constant 0 : i32
      %parallel_loop3A_340 = arith.cmpi slt, %parallel_loop3A_330, %parallel_loop3A_339 : i32
      %parallel_loop3A_341 = vector.broadcast %parallel_loop3A_340 : i1 to vector<16xi1>
      %parallel_loop3A_342 = vector.broadcast %parallel_loop3A_341 : vector<16xi1> to vector<16xi1>
      %parallel_loop3A_343 = arith.xori %parallel_loop3A_338, %parallel_loop3A_342 : vector<16xi1>
      %parallel_loop3A_344 = arith.andi %parallel_loop3A_343, %parallel_loop3A_335 : vector<16xi1>
      %parallel_loop3A_345 = vector.broadcast %parallel_loop3A_330 : i32 to vector<16xi32>
      %parallel_loop3A_346 = arith.addi %parallel_loop3A_332, %parallel_loop3A_345 : vector<16xi32>
      %parallel_loop3A_347 = arith.select %parallel_loop3A_344, %parallel_loop3A_346, %parallel_loop3A_332 : vector<16xi1>, vector<16xi32>
      %parallel_loop3A_348 = arith.constant 8.000000e+00 : f32
      %parallel_loop3A_349 = vector.broadcast %parallel_loop3A_348 : f32 to vector<16xf32>
      %parallel_loop3A_350 = arith.mulf %parallel_loop3A_294, %parallel_loop3A_349 : vector<16xf32>
      tpu.vector_store_idx %arg9[%parallel_loop3A_325, %parallel_loop3A_347, %parallel_loop3A_161], %parallel_loop3A_350 : memref<8x8x129xf32, #tpu.memory_space<vmem>>[vector<16xi32>, vector<16xi32>, vector<16xi32>], vector<16xf32>,
      %parallel_loop3A_351 = tpu.iota {dimensions = array<i32: 0>} : vector<16xi32>
      %parallel_loop3A_352 = arith.constant 48 : i32
      %parallel_loop3A_353 = vector.broadcast %parallel_loop3A_352 : i32 to vector<16xi32>
      %parallel_loop3A_354 = arith.addi %parallel_loop3A_351, %parallel_loop3A_353 : vector<16xi32>
      %parallel_loop3A_355 = arith.index_cast %parallel_loop3A_160 : i32 to index
      %parallel_loop3A_356 = arith.constant 48 : index
      %parallel_loop3A_357 = tpu.vector_load %arg7[%parallel_loop3A_355, %parallel_loop3A_356] {strides = array<i32>} : memref<128x64xf32, #tpu.memory_space<vmem>>, vector<16xf32>,
      %parallel_loop3A_358 = arith.constant 8 : i32
      %parallel_loop3A_359 = vector.broadcast %parallel_loop3A_358 : i32 to vector<16xi32>
      %parallel_loop3A_360 = arith.divsi %parallel_loop3A_354, %parallel_loop3A_359 : vector<16xi32>
      %parallel_loop3A_361 = arith.constant 0 : i32
      %parallel_loop3A_362 = vector.broadcast %parallel_loop3A_361 : i32 to vector<16xi32>
      %parallel_loop3A_363 = arith.cmpi sgt, %parallel_loop3A_354, %parallel_loop3A_362 : vector<16xi32>
      %parallel_loop3A_364 = arith.extui %parallel_loop3A_363 : vector<16xi1> to vector<16xi32>
      %parallel_loop3A_365 = arith.constant 0 : i32
      %parallel_loop3A_366 = vector.broadcast %parallel_loop3A_365 : i32 to vector<16xi32>
      %parallel_loop3A_367 = arith.cmpi slt, %parallel_loop3A_354, %parallel_loop3A_366 : vector<16xi32>
      %parallel_loop3A_368 = arith.extui %parallel_loop3A_367 : vector<16xi1> to vector<16xi32>
      %parallel_loop3A_369 = arith.subi %parallel_loop3A_364, %parallel_loop3A_368 : vector<16xi32>
      %parallel_loop3A_370 = arith.constant 0 : i32
      %parallel_loop3A_371 = arith.cmpi sgt, %parallel_loop3A_358, %parallel_loop3A_370 : i32
      %parallel_loop3A_372 = arith.extui %parallel_loop3A_371 : i1 to i32
      %parallel_loop3A_373 = arith.constant 0 : i32
      %parallel_loop3A_374 = arith.cmpi slt, %parallel_loop3A_358, %parallel_loop3A_373 : i32
      %parallel_loop3A_375 = arith.extui %parallel_loop3A_374 : i1 to i32
      %parallel_loop3A_376 = arith.subi %parallel_loop3A_372, %parallel_loop3A_375 : i32
      %parallel_loop3A_377 = vector.broadcast %parallel_loop3A_376 : i32 to vector<16xi32>
      %parallel_loop3A_378 = arith.cmpi ne, %parallel_loop3A_369, %parallel_loop3A_377 : vector<16xi32>
      %parallel_loop3A_379 = vector.broadcast %parallel_loop3A_358 : i32 to vector<16xi32>
      %parallel_loop3A_380 = arith.remsi %parallel_loop3A_354, %parallel_loop3A_379 : vector<16xi32>
      %parallel_loop3A_381 = arith.constant 0 : i32
      %parallel_loop3A_382 = vector.broadcast %parallel_loop3A_381 : i32 to vector<16xi32>
      %parallel_loop3A_383 = arith.cmpi ne, %parallel_loop3A_380, %parallel_loop3A_382 : vector<16xi32>
      %parallel_loop3A_384 = arith.andi %parallel_loop3A_378, %parallel_loop3A_383 : vector<16xi1>
      %parallel_loop3A_385 = arith.constant 1 : i32
      %parallel_loop3A_386 = vector.broadcast %parallel_loop3A_385 : i32 to vector<16xi32>
      %parallel_loop3A_387 = arith.subi %parallel_loop3A_360, %parallel_loop3A_386 : vector<16xi32>
      %parallel_loop3A_388 = arith.select %parallel_loop3A_384, %parallel_loop3A_387, %parallel_loop3A_360 : vector<16xi1>, vector<16xi32>
      %parallel_loop3A_389 = arith.constant 8 : i32
      %parallel_loop3A_390 = arith.constant 0 : i32
      %parallel_loop3A_391 = arith.cmpi eq, %parallel_loop3A_389, %parallel_loop3A_390 : i32
      %parallel_loop3A_392 = arith.constant 1 : i32
      %parallel_loop3A_393 = arith.select %parallel_loop3A_391, %parallel_loop3A_392, %parallel_loop3A_389 : i32
      %parallel_loop3A_394 = vector.broadcast %parallel_loop3A_393 : i32 to vector<16xi32>
      %parallel_loop3A_395 = arith.remsi %parallel_loop3A_354, %parallel_loop3A_394 : vector<16xi32>
      %parallel_loop3A_396 = arith.constant 0 : i32
      %parallel_loop3A_397 = vector.broadcast %parallel_loop3A_396 : i32 to vector<16xi32>
      %parallel_loop3A_398 = arith.cmpi ne, %parallel_loop3A_395, %parallel_loop3A_397 : vector<16xi32>
      %parallel_loop3A_399 = arith.constant 0 : i32
      %parallel_loop3A_400 = vector.broadcast %parallel_loop3A_399 : i32 to vector<16xi32>
      %parallel_loop3A_401 = arith.cmpi slt, %parallel_loop3A_395, %parallel_loop3A_400 : vector<16xi32>
      %parallel_loop3A_402 = arith.constant 0 : i32
      %parallel_loop3A_403 = arith.cmpi slt, %parallel_loop3A_393, %parallel_loop3A_402 : i32
      %parallel_loop3A_404 = vector.broadcast %parallel_loop3A_403 : i1 to vector<16xi1>
      %parallel_loop3A_405 = vector.broadcast %parallel_loop3A_404 : vector<16xi1> to vector<16xi1>
      %parallel_loop3A_406 = arith.xori %parallel_loop3A_401, %parallel_loop3A_405 : vector<16xi1>
      %parallel_loop3A_407 = arith.andi %parallel_loop3A_406, %parallel_loop3A_398 : vector<16xi1>
      %parallel_loop3A_408 = vector.broadcast %parallel_loop3A_393 : i32 to vector<16xi32>
      %parallel_loop3A_409 = arith.addi %parallel_loop3A_395, %parallel_loop3A_408 : vector<16xi32>
      %parallel_loop3A_410 = arith.select %parallel_loop3A_407, %parallel_loop3A_409, %parallel_loop3A_395 : vector<16xi1>, vector<16xi32>
      %parallel_loop3A_411 = arith.constant 8.000000e+00 : f32
      %parallel_loop3A_412 = vector.broadcast %parallel_loop3A_411 : f32 to vector<16xf32>
      %parallel_loop3A_413 = arith.mulf %parallel_loop3A_357, %parallel_loop3A_412 : vector<16xf32>
      tpu.vector_store_idx %arg9[%parallel_loop3A_388, %parallel_loop3A_410, %parallel_loop3A_161], %parallel_loop3A_413 : memref<8x8x129xf32, #tpu.memory_space<vmem>>[vector<16xi32>, vector<16xi32>, vector<16xi32>], vector<16xf32>,
    } {sc.loop_unroll_factor = 8 : i64, sc.parallel_access}
    %dma_start3A_101 = arith.constant 199 : i32
    %dma_start3A_102 = arith.constant 0 : i32
    %dma_start3A_103 = arith.constant 0 : i32
    %dma_start3A_104 = arith.constant 0 : i32
    %dma_start3A_105 = tpu.memref_slice %arg9[%dma_start3A_102, %dma_start3A_103, %dma_start3A_104] : memref<8x8x129xf32, #tpu.memory_space<vmem>> -> memref<8x8x128xf32, #tpu.memory_space<vmem>>
    %dma_start3A_106 = arith.constant 0 : i32
    %dma_start3A_107 = arith.constant 0 : i32
    %dma_start3A_108 = arith.constant 0 : i32
    %dma_start3A_109 = tpu.memref_slice %arg4[%dma_start3A_101, %dma_start3A_106, %add3A, %dma_start3A_107, %dma_start3A_108] : memref<200x8x32x8x128xf32, #tpu.memory_space<hbm>> -> memref<1x8x1x8x128xf32, #tpu.memory_space<hbm>>
    %dma_start3A_110 = tpu.memref_squeeze %dma_start3A_109 : memref<1x8x1x8x128xf32, #tpu.memory_space<hbm>> -> memref<8x8x128xf32, #tpu.memory_space<hbm>>
    %dma_start3A_111 = arith.constant 0 : i32
    %dma_start3A_112 = arith.constant 0 : i32
    %dma_start3A_113 = arith.constant 0 : i32
    %dma_start3A_114 = tpu.memref_slice %arg4[%dma_start3A_101, %dma_start3A_111, %add3A, %dma_start3A_112, %dma_start3A_113] : memref<200x8x32x8x128xf32, #tpu.memory_space<hbm>> -> memref<1x8x1x8x128xf32, #tpu.memory_space<hbm>>
    %dma_start3A_115 = tpu.memref_squeeze %dma_start3A_114 : memref<1x8x1x8x128xf32, #tpu.memory_space<hbm>> -> memref<8x8x128xf32, #tpu.memory_space<hbm>>
    %dma_start3A_116 = arith.constant 0 : i32
    %dma_start3A_117 = arith.constant 0 : i32
    %dma_start3A_118 = arith.constant 0 : i32
    %dma_start3A_119 = tpu.memref_slice %arg9[%dma_start3A_116, %dma_start3A_117, %dma_start3A_118] : memref<8x8x129xf32, #tpu.memory_space<vmem>> -> memref<8x8x128xf32, #tpu.memory_space<vmem>>
    tpu.enqueue_dma source(%dma_start3A_119 : memref<8x8x128xf32, #tpu.memory_space<vmem>>) target(%dma_start3A_115 : memref<8x8x128xf32, #tpu.memory_space<hbm>>) target_semaphore(%arg13 : memref<!tpu.dma_semaphore, #tpu.memory_space<semaphore_mem>>)
    %dma_wait3A_120 = arith.constant 0 : i32
    %dma_wait3A_121 = arith.constant 0 : i32
    %dma_wait3A_122 = arith.constant 0 : i32
    %dma_wait3A_123 = arith.constant 0 : i32
    %dma_wait3A_124 = arith.constant 0 : i32
    %dma_wait3A_125 = tpu.memref_slice %arg8[%dma_wait3A_122, %dma_wait3A_123, %dma_wait3A_124] : memref<8x8x129xf32, #tpu.memory_space<vmem>> -> memref<8x8x128xf32, #tpu.memory_space<vmem>>
    %dma_wait3A_126 = arith.constant 0 : i32
    %dma_wait3A_127 = arith.constant 0 : i32
    %dma_wait3A_128 = arith.constant 0 : i32
    %dma_wait3A_129 = tpu.memref_slice %arg4[%dma_wait3A_120, %dma_wait3A_126, %dma_wait3A_121, %dma_wait3A_127, %dma_wait3A_128] : memref<200x8x32x8x128xf32, #tpu.memory_space<hbm>> -> memref<1x8x1x8x128xf32, #tpu.memory_space<hbm>>
    %dma_wait3A_130 = tpu.memref_squeeze %dma_wait3A_129 : memref<1x8x1x8x128xf32, #tpu.memory_space<hbm>> -> memref<8x8x128xf32, #tpu.memory_space<hbm>>
    %dma_wait3A_131 = arith.constant 0 : i32
    %dma_wait3A_132 = arith.constant 0 : i32
    %dma_wait3A_133 = arith.constant 0 : i32
    %dma_wait3A_134 = tpu.memref_slice %arg4[%dma_wait3A_120, %dma_wait3A_131, %dma_wait3A_121, %dma_wait3A_132, %dma_wait3A_133] : memref<200x8x32x8x128xf32, #tpu.memory_space<hbm>> -> memref<1x8x1x8x128xf32, #tpu.memory_space<hbm>>
    %dma_wait3A_135 = tpu.memref_squeeze %dma_wait3A_134 : memref<1x8x1x8x128xf32, #tpu.memory_space<hbm>> -> memref<8x8x128xf32, #tpu.memory_space<hbm>>
    %dma_wait3A_136 = arith.constant 0 : i32
    %dma_wait3A_137 = arith.constant 0 : i32
    %dma_wait3A_138 = arith.constant 0 : i32
    %dma_wait3A_139 = tpu.memref_slice %arg8[%dma_wait3A_136, %dma_wait3A_137, %dma_wait3A_138] : memref<8x8x129xf32, #tpu.memory_space<vmem>> -> memref<8x8x128xf32, #tpu.memory_space<vmem>>
    tpu.wait_dma2 semaphore(%arg12 : memref<!tpu.dma_semaphore, #tpu.memory_space<semaphore_mem>>) src(%dma_wait3A_139 : memref<8x8x128xf32, #tpu.memory_space<vmem>>) dst(%dma_wait3A_135 : memref<8x8x128xf32, #tpu.memory_space<hbm>>)
    %dma_wait3A_140 = arith.constant 0 : i32
    %dma_wait3A_141 = arith.constant 0 : i32
    %dma_wait3A_142 = arith.constant 0 : i32
    %dma_wait3A_143 = arith.constant 0 : i32
    %dma_wait3A_144 = arith.constant 0 : i32
    %dma_wait3A_145 = tpu.memref_slice %arg9[%dma_wait3A_142, %dma_wait3A_143, %dma_wait3A_144] : memref<8x8x129xf32, #tpu.memory_space<vmem>> -> memref<8x8x128xf32, #tpu.memory_space<vmem>>
    %dma_wait3A_146 = arith.constant 0 : i32
    %dma_wait3A_147 = arith.constant 0 : i32
    %dma_wait3A_148 = arith.constant 0 : i32
    %dma_wait3A_149 = tpu.memref_slice %arg4[%dma_wait3A_140, %dma_wait3A_146, %dma_wait3A_141, %dma_wait3A_147, %dma_wait3A_148] : memref<200x8x32x8x128xf32, #tpu.memory_space<hbm>> -> memref<1x8x1x8x128xf32, #tpu.memory_space<hbm>>
    %dma_wait3A_150 = tpu.memref_squeeze %dma_wait3A_149 : memref<1x8x1x8x128xf32, #tpu.memory_space<hbm>> -> memref<8x8x128xf32, #tpu.memory_space<hbm>>
    %dma_wait3A_151 = arith.constant 0 : i32
    %dma_wait3A_152 = arith.constant 0 : i32
    %dma_wait3A_153 = arith.constant 0 : i32
    %dma_wait3A_154 = tpu.memref_slice %arg4[%dma_wait3A_140, %dma_wait3A_151, %dma_wait3A_141, %dma_wait3A_152, %dma_wait3A_153] : memref<200x8x32x8x128xf32, #tpu.memory_space<hbm>> -> memref<1x8x1x8x128xf32, #tpu.memory_space<hbm>>
    %dma_wait3A_155 = tpu.memref_squeeze %dma_wait3A_154 : memref<1x8x1x8x128xf32, #tpu.memory_space<hbm>> -> memref<8x8x128xf32, #tpu.memory_space<hbm>>
    %dma_wait3A_156 = arith.constant 0 : i32
    %dma_wait3A_157 = arith.constant 0 : i32
    %dma_wait3A_158 = arith.constant 0 : i32
    %dma_wait3A_159 = tpu.memref_slice %arg9[%dma_wait3A_156, %dma_wait3A_157, %dma_wait3A_158] : memref<8x8x129xf32, #tpu.memory_space<vmem>> -> memref<8x8x128xf32, #tpu.memory_space<vmem>>
    tpu.wait_dma2 semaphore(%arg13 : memref<!tpu.dma_semaphore, #tpu.memory_space<semaphore_mem>>) src(%dma_wait3A_159 : memref<8x8x128xf32, #tpu.memory_space<vmem>>) dst(%dma_wait3A_155 : memref<8x8x128xf32, #tpu.memory_space<hbm>>)
    return
  }
}

</mosaic_0001>

<sc_bundles>
// kernel: kernel.3.cloned.1.call-start
scs
__scs_entry_jumppad:
0x0: {  	(pc) =	sbr.rel $0x88, $3  }
0x1: {  	(tag) =	ssettag $0x0;
	lr =	simm.s32 $0x1  }
0x2: {  	[smem:$0x3F9F] =	sst lr;
	_ =	strace $0xD0000000  }
0x3: {  	_ = 	snop  }
0x4: {  	_ = 	snop  }
0x5: {  	_ = 	snop  }
0x6: {  	_ = 	snop  }
0x7: {  	_ = 	snop  }
__scs_overlays_trampoline_lowered:
0x8: {  	[smem:$0x3FAE] =	sst s0  }
0x9: {  	[smem:$0x3FAF] =	sst s1  }
0xa: {  	[smem:$0x3FB0] =	sst s2  }
0xb: {  	[smem:$0x3FB1] =	sst s3  }
0xc: {  	[smem:$0x3FB2] =	sst s4  }
0xd: {  	[smem:$0x3FB3] =	sst s5  }
0xe: {  	[smem:$0x3FB4] =	sst s6  }
0xf: {  	[smem:$0x3FB5] =	sst s7  }
0x10: {  	[smem:$0x3FB6] =	sst s8  }
0x11: {  	[smem:$0x3FB7] =	sst s9;
	s0 =	simm.s32 @!p0 $0x0  }
0x12: {  	s1 =	sld [smem:$0x3F9D];
	s0 =	simm.s32 @p0 $0x1  }
0x13: {  	[smem:$0x3FB8] =	sst s0;
	s0 =	simm.s32 @!p1 $0x0  }
0x14: {  	s2 =	sld [smem:$0x3F9C];
	s0 =	simm.s32 @p1 $0x1  }
0x15: {  	[smem:$0x3FB9] =	sst s0;
	s0 =	simm.s32 @!p2 $0x0  }
0x16: {  	s3 =	sld [smem:$0x3FDB];
	s0 =	simm.s32 @p2 $0x1  }
0x17: {  	s4 =	simm.s32 $0x1BF5;
	[smem:$0x3FBB] =	sst s0  }
0x18: {  	s0 =	sld [smem:$0x3F9E];
	_ =	swait.ge [sflag:s4], $0x0  }
0x19: {  	s7 =	sld [smem:$0x3F9F]  }
0x1a: {  	s8 =	sadd.s32 $0xFFFFE003, lr  }
0x1b: {  	s9 =	sadd.s32 $0xFFFFFEF7, lr;
	s5 =	simm.s32 $0xFFFFFFFF;
	p2 =	slt.u32 s8, $0xFFFFF086  }
0x1c: {  	p1 =	slt.u32 s9, $0xF7A;
	s5 =	simm.s32 @!p2 $0x0  }
0x1d: {  	s5 =	simm.s32 @p1 $0x1;
	p0 =	seq.s32 s7, s2  }
0x1e: {  	s7 =	smul.u32 @!p0 $0xF7A, s2;
	p2 =	seq.s32 @!p0 s5, $0x0  }
0x1f: {  	s9 =	smul.u32 $0xF7A, s1;
	s8 =	simm.s32 @!p0 $0x1BF5;
	p2 =	por !p2, p0  }
0x20: {  	[sflag:s8] =	ssyncset.s32 @!p0 $0xFFFFF086;
	s6 =	sadd.s32 @!p0 s3, s7;
	s7 =	simm.s32 @!p0 $0x108  }
0x21: {  	s3 =	sadd.s32 s3, s9;
	s6 =	sadd.s32 @!p0 $0x88, s6;
	s7 =	simm.s32 @p2 $0x1082  }
0x22: {  	[simem:s7], [sflag:s8] =	dma.local @!p0 [hbm:s6], $0xF7A  }
0x23: {  	s9 =	sor.u32 $0xD0000000, s2;
	s6 =	simm.s32 $0x108;
	_ =	swait.ge @!p0 [sflag:s8], $0x0  }
0x24: {  	s3 =	sadd.s32 $0x88, s3;
	s6 =	simm.s32 @!p1 $0x1082;
	[sflag:s4] =	ssyncset.s32 $0xFFFFF086  }
0x25: {  	[simem:s6], [sflag:s4] =	dma.local [hbm:s3], $0xF7A  }
0x26: {  	[smem:$0x3F9F] =	sst s1;
	(tag) =	ssettag s2;
	_ =	strace s9  }
0x27: {  	s1 =	sld [smem:$0x3FAF]  }
0x28: {  	s2 =	sld [smem:$0x3FB0]  }
0x29: {  	s4 =	sld [smem:$0x3FB2]  }
0x2a: {  	p0 =	seq.s32 s5, $0x0;
	s5 =	sld [smem:$0x3FB3]  }
0x2b: {  	s6 =	sld [smem:$0x3FB4]  }
0x2c: {  	s7 =	sld [smem:$0x3FB5]  }
0x2d: {  	s3 =	simm.s32 $0x108;
	s8 =	sld [smem:$0x3FB6]  }
0x2e: {  	s3 =	simm.s32 @!p0 $0x1082;
	s9 =	sld [smem:$0x3FB7]  }
0x2f: {  	lr =	sadd.s32 s0, s3;
	s0 =	sld [smem:$0x3FAE]  }
0x30: {  	s3 =	sld [smem:$0x3FB1]  }
0x31: {  	[smem:$0x3FBA] =	sst s10  }
0x32: {  	s10 =	sld [smem:$0x3FB8];
	_ =	sdelay $0x3  }
0x33: {  	p0 =	seq.s32 s10, $0x1;
	s10 =	sld [smem:$0x3FBA];
	_ =	sdelay $0x3  }
0x34: {  	[smem:$0x3FBA] =	sst s10  }
0x35: {  	s10 =	sld [smem:$0x3FB9];
	_ =	sdelay $0x3  }
0x36: {  	p1 =	seq.s32 s10, $0x1;
	s10 =	sld [smem:$0x3FBA];
	_ =	sdelay $0x3  }
0x37: {  	[smem:$0x3FBA] =	sst s10  }
0x38: {  	s10 =	sld [smem:$0x3FBB]  }
0x39: {  	_ = 	snop;
	(pc) =	sbr.ind lr, $3  }
0x3a: {  	_ = 	snop  }
0x3b: {  	_ = 	snop  }
0x3c: {  	p2 =	seq.s32 s10, $0x1;
	s10 =	sld [smem:$0x3FBA]  }
0x3d: {  	_ =	shalt  }
0x3e: {  	_ =	shalt  }
0x3f: {  	_ =	shalt  }
0x40: {  	_ =	shalt  }
0x41: {  	_ =	shalt  }
0x42: {  	_ =	shalt  }
0x43: {  	_ =	shalt  }
0x44: {  	_ =	shalt  }
0x45: {  	_ =	shalt  }
0x46: {  	_ =	shalt  }
0x47: {  	_ =	shalt  }
0x48: {  	_ =	shalt  }
0x49: {  	_ =	shalt  }
0x4a: {  	_ =	shalt  }
0x4b: {  	_ =	shalt  }
0x4c: {  	_ =	shalt  }
0x4d: {  	_ =	shalt  }
0x4e: {  	_ =	shalt  }
0x4f: {  	_ =	shalt  }
0x50: {  	_ =	shalt  }
0x51: {  	_ =	shalt  }
0x52: {  	_ =	shalt  }
0x53: {  	_ =	shalt  }
0x54: {  	_ =	shalt  }
0x55: {  	_ =	shalt  }
0x56: {  	_ =	shalt  }
0x57: {  	_ =	shalt  }
0x58: {  	_ =	shalt  }
0x59: {  	_ =	shalt  }
0x5a: {  	_ =	shalt  }
0x5b: {  	_ =	shalt  }
0x5c: {  	_ =	shalt  }
0x5d: {  	_ =	shalt  }
0x5e: {  	_ =	shalt  }
0x5f: {  	_ =	shalt  }
0x60: {  	_ =	shalt  }
0x61: {  	_ =	shalt  }
0x62: {  	_ =	shalt  }
0x63: {  	_ =	shalt  }
0x64: {  	_ =	shalt  }
0x65: {  	_ =	shalt  }
0x66: {  	_ =	shalt  }
0x67: {  	_ =	shalt  }
0x68: {  	_ =	shalt  }
0x69: {  	_ =	shalt  }
0x6a: {  	_ =	shalt  }
0x6b: {  	_ =	shalt  }
0x6c: {  	_ =	shalt  }
0x6d: {  	_ =	shalt  }
0x6e: {  	_ =	shalt  }
0x6f: {  	_ =	shalt  }
0x70: {  	_ =	shalt  }
0x71: {  	_ =	shalt  }
0x72: {  	_ =	shalt  }
0x73: {  	_ =	shalt  }
0x74: {  	_ =	shalt  }
0x75: {  	_ =	shalt  }
0x76: {  	_ =	shalt  }
0x77: {  	_ =	shalt  }
0x78: {  	_ =	shalt  }
0x79: {  	_ =	shalt  }
0x7a: {  	_ =	shalt  }
0x7b: {  	_ =	shalt  }
0x7c: {  	_ =	shalt  }
0x7d: {  	_ =	shalt  }
0x7e: {  	_ =	shalt  }
0x7f: {  	_ =	shalt  }
0x80: {  	_ =	shalt  }
0x81: {  	_ =	shalt  }
0x82: {  	_ =	shalt  }
0x83: {  	_ =	shalt  }
0x84: {  	_ =	shalt  }
0x85: {  	_ =	shalt  }
0x86: {  	_ =	shalt  }
0x87: {  	_ =	shalt  }
.Lfunc_end0:
.L_simem_size_0:
called_computation.1_lowered:
.L_overlay_start_0:
0x88: {  	s2 =	sld [smem:$0x3FD9]  }
0x89: {  	s3 =	sld [smem:$0x3FFE];
	_ =	sdelay $0x1  }
0x8a: {  	s1 =	srdreg.scid  }
0x8b: {  	s0 =	sand.u32 $0x1, s1  }
0x8c: {  	s17 =	sshll.u32 s0, $0xA;
	s2 =	sadd.s32 s3, s2  }
0x8d: {  	s2 =	sadd.s32 s2, s17  }
0x8e: {  	[smem:$0x3FC6] =	sst s2  }
0x8f: {  	_ = 	snop  }
0x90: {  	s2 =	sld [smem:$0x3FD0];
	(tm) =	ssettm $0x1  }
0x91: {  	s18 =	sld [smem:$0x3FFB];
	_ =	sdelay $0x3  }
0x92: {  	_ =	strace s18  }
0x93: {  	s3 =	sld [smem:$0x3FFC];
	_ =	sdelay $0x3  }
0x94: {  	_ =	strace s3  }
0x95: {  	s3 =	sld [smem:$0x3FFD];
	_ =	sdelay $0x3  }
0x96: {  	_ =	strace s3  }
0x97: {  	_ =	strace $0x8FFFFFFF  }
0x98: {  	s19 =	sld [smem:$0x3FDB];
	_ =	sdelay $0x1  }
0x99: {  	s4 =	simm.s32 $_scs_section_size  }
0x9a: {  	s5 =	simm.s32 $_size__tile_overlayer_lowered;
	s6 =	simm.s32 $_tile_overlayer_lowered  }
0x9b: {  	s22 =	simm.s32 $0x1BFF;
	s21 =	sshll.u32 s6, $0x1;
	s3 =	sadd.s32 s4, s19  }
0x9c: {  	s7 =	simm.s32 $0x0;
	s20 =	sshll.u32 s5, $0x1;
	s5 =	sadd.s32 s21, s3  }
0x9d: {  	[timem:s7], [sflag:s22] =	dma.local [hbm:s5], s20  }
0x9e: {  	_ =	swait.ge [sflag:s22], s20  }
0x9f: {  	s4 =	ssub.s32 $0x0, s20;
	[sflag:s22] =	ssyncset.done $0x0  }
0xa0: {  	[sflag:s22] =	ssyncadd.s32 s4;
	_ =	sdelay $0x1  }
0xa1: {  	s23 =	simm.s32 $0x1B8B  }
0xa2: {  	_ =	swait.ge [sflag:s23], $0x1  }
0xa3: {  	[sflag:s23] =	ssyncset.done $0x0  }
0xa4: {  	s25 =	simm.s32 $0x1B8E;
	s24 =	sld [smem:$0x3FFE];
	[sflag:s23] =	ssyncadd.s32 $0xFFFFFFFF  }
0xa5: {  	s26 =	simm.s32 $execute0_lowered;
	[smem:$0x3FD2] =	sst s25  }
0xa6: {  	s5 =	sshll.u32 s26, $0x1;
	_ =	strace $0x80000049;
	[dreg:$0x1] =	wrdreg $0xFFFFFFFF  }
0xa7: {  	s28 =	simm.s32 $_size_execute0_lowered;
	s3 =	sadd.s32 s3, s5;
	[dreg:$0x0] =	wrdreg $0x0  }
0xa8: {  	s5 =	sshll.u32 s28, $0x1;
	[dreg:$0x2] =	wrdreg s3  }
0xa9: {  	[dreg:$0x3] =	wrdreg s5  }
0xaa: {  	[dreg:$0x4] =	wrdreg $0xC0  }
0xab: {  	_ =	task [dreg:s7], $0x5FFFF  }
0xac: {  	[dreg:$0x1] =	wrdreg $0xFFFFFFFF  }
0xad: {  	[dreg:$0x0] =	wrdreg $0x60  }
0xae: {  	[dreg:$0x2] =	wrdreg s24  }
0xaf: {  	[dreg:$0x3] =	wrdreg s2  }
0xb0: {  	[dreg:$0x4] =	wrdreg $0x9  }
0xb1: {  	_ =	task.clear_ibuf [dreg:s7], $0x5FFFF;
	_ =	strace $0x90000049  }
0xb2: {  	s29 =	simm.s32 $0x9;
	_ =	strace $0x8000004B  }
0xb3: {  	_ =	swait.ge [sflag:s29], $0x1  }
0xb4: {  	[sflag:s29] =	ssyncadd.s32 $0xFFFFFFFF  }
0xb5: {  	_ =	strace $0x9000004B  }
0xb6: {  	_ =	sfence  }
0xb7: {  	s30 =	sld [smem:$0x0];
	_ =	sdelay $0x2  }
0xb8: {  	s31 =	sshll.u32 s1, $0xD;
	s1 =	sshrl.u32 s1, $0x2  }
0xb9: {  	s3 =	sand.u32 $0x4000, s31;
	s1 =	sadd.s32 s1, s30  }
0xba: {  	s0 =	sor.u32 s3, s0;
	s1 =	sshll.u32 s1, $0x11  }
0xbb: {  	s0 =	sor.u32 s1, s0  }
0xbc: {  	s0 =	sadd.s32 $0x8F2B, s0  }
0xbd: {  	[sflag:s0] =	ssyncadd.remote.s32 $0x1  }
0xbe: {  	_ =	sfence.sel $0xFFFF  }
0xbf: {  	[dreg:$0x0] =	wrdreg $0xFFFFFFFF;
	(pc) =	sbr.abs _section_cstart, $3  }
0xc0: {  	[dreg:$0x1] =	wrdreg $0xFFFFFFFF  }
0xc1: {  	_ =	task.clear_ibuf [dreg:s7], $0x2FFFF;
	_ =	strace $0x9FFFFFFF  }
0xc2: {  	(tm) =	ssettm $0x7FFFFFFF  }
0xc3: {  	_ =	shalt  }
tec
execute0_lowered:
.L_overlay_start_1:
0x0: {  	(tag) =	ssettag $0x1  }
0x1: {  	v0 =	vlaneseq.u32  }
0x2: {  	s0 =	rddreg [dreg:$0x0];
	s3 =	simm.s32 $0x0;
	v3 =	vmul.u32 $0x88, v0  }
0x3: {  	[smem:$0x7FF] =	sst s3  }
0x4: {  	s1 =	rddreg [dreg:$0x1];
	_ =	strace $0x8000004A;
	v0 =	vadd.s32 $0x1101, v3;
	[tilespmem:$0x1FEC0] =	vst v3  }
0x5: {  	v31 =	vadd.s32 $0x1982, v3;
	[tilespmem:$0x1FEA0] =	vst v0  }
0x6: {  	v7 =	vor.u32 $0x4, v3;
	[tilespmem:$0x1FED0] =	vst v31  }
0x7: {  	v8 =	vadd.s32 $0x1104, v3;
	[tilespmem:$0x1FEE0] =	vst v7  }
0x8: {  	v32 =	vor.u32 $0x5, v3;
	[tilespmem:$0x1FEF0] =	vst v8  }
0x9: {  	v2 =	vadd.s32 $0x1105, v3;
	[tilespmem:$0x1FF00] =	vst v32  }
0xa: {  	v27 =	vor.u32 $0x6, v3;
	[tilespmem:$0x1FF10] =	vst v2  }
0xb: {  	v14 =	vor.u32 $0x7, v3;
	[tilespmem:$0x1FF20] =	vst v27  }
0xc: {  	v4 =	vadd.s32 $0x1987, v3;
	[tilespmem:$0x1FF40] =	vst v14  }
0xd: {  	v5 =	vadd.s32 $0x1100, v3;
	[tilespmem:$0x1FF50] =	vst v4  }
0xe: {  	v61 =	vadd.s32 $0x1980, v3;
	[tilespmem:$0x1FF60] =	vst v5  }
0xf: {  	v23 =	vadd.s32 $0x1985, v3;
	[tilespmem:$0x1FF70] =	vst v61  }
0x10: {  	s4 =	srdreg.scid;
	s2 =	stileid.u32;
	s11 =	simm.s32 $0x80;
	v22 =	vadd.s32 $0x1984, v3;
	[tilespmem:$0x1FF80] =	vst v23  }
0x11: {  	s12 =	simm.s32 $0x1000;
	s13 =	simm.s32 $0x5;
	s14 =	simm.s32 $0x6400;
	v30 =	vadd.s32 $0x1986, v3;
	[tilespmem:$0x1FF90] =	vst v22  }
0x12: {  	s15 =	simm.s32 $0x8400;
	s16 =	simm.s32 $0x1;
	s17 =	simm.s32 $0xA400;
	v17 =	vadd.s32 $0x1103, v3;
	[tilespmem:$0x1FFA0] =	vst v30  }
0x13: {  	s18 =	simm.s32 $0x2;
	s19 =	simm.s32 $0xC600;
	s20 =	simm.s32 $0x3;
	v10 =	vadd.s32 $0x1981, v3;
	[tilespmem:$0x1FFB0] =	vst v17  }
0x14: {  	v1 =	vimm.s32 $0x0;
	vm0 =	vcmask $0x300;
	s21 =	simm.s32 $0x4;
	s4 =	sand.u32 $0x1, s4;
	s5 =	sshll.u32 s2, $0x1;
	v13 =	vadd.s32 $0x1102, v3;
	[tilespmem:$0x1FFC0] =	vst v10  }
0x15: {  	s22 =	simm.s32 $0x0;
	v1 =	vsel vm0, $0x3, v1;
	s5 =	sor.u32 s4, s5;
	s6 =	ssub.s32 $0x2, s4;
	v63 =	vadd.s32 $0x880, v3;
	v15 =	vor.u32 $0x3, v3;
	[tilespmem:$0x1FFD0] =	vst v13  }
0x16: {  	s4 =	sadd.s32 $0xF5BE00, s0;
	v9 =	vadd.s32 $0x881, v3;
	s7 =	sshll.u32 s5, $0x4;
	s8 =	sshrl.u32 s6, $0x1;
	v11 =	vor.u32 $0x2, v3;
	v12 =	vadd.s32 $0x882, v3;
	[tilespmem:$0x1FFE0] =	vst v15  }
0x17: {  	s5 =	sshll.u32 s5, $0x7;
	v16 =	vadd.s32 $0x883, v3;
	v20 =	vadd.s32 $0x884, v3;
	s0 =	sadd.s32 s7, s0;
	s10 =	ssub.s32 s6, s8;
	v0 =	vadd.s32 $0x1983, v3;
	[tilespmem:$0x1FFF0] =	vst v11  }
0x18: {  	v6 =	vor.u32 $0x1, v3;
	v26 =	vadd.s32 $0x885, v3;
	s7 =	sadd.s32 $0x8000, s1;
	s31 =	sadd.s32 s5, s1;
	s6 =	sadd.s32 $0xF42E00, s0;
	[tilespmem:$0x1FEB0] =	vst v0;
	v0 =	vadd.s32 $0x1106, v3  }
0x19: {  	v25 =	vadd.s32 $0x886, v3;
	v59 =	vadd.s32 $0x887, v3;
	v62 =	vadd.s32 $0x1107, v3;
	s8 =	sadd.s32 $0x630000, s31;
	s9 =	sadd.s32 $0x638000, s31;
	s10 =	smax.u32 s10, $0x1;
	[tilespmem:$0x1FF30] =	vst v0  }
.LBB2_1:
0x1a: {  	[tilespmem:s3], [sflag:$0x5] =	stream.strided.gather [hbm4b:s6+s11], $0x6400, s12, s11, $0x38;
	[tilespmem:$0xE800] =	vst v63  }
0x1b: {  	_ =	swait.ge [sflag:s13], $0x6400  }
0x1c: {  	[sflag:s13] =	ssyncset.done $0x0  }
0x1d: {  	s23 =	simm.s32 $0x100;
	[sflag:s13] =	ssyncadd.s32 $0xFFFF9C00  }
0x1e: {  	v33 =	vld [tilespmem:s23+$0xFFFFFF10]  }
0x1f: {  	v39 =	vld [tilespmem:s23+$0xF0]  }
0x20: {  	v34 =	vld [tilespmem:s23+$0xFFFFFF20]  }
0x21: {  	v40 =	vld [tilespmem:s23+$0xFFFFFF80]  }
0x22: {  	v35 =	vld [tilespmem:s23+$0xFFFFFF30]  }
0x23: {  	v41 =	vld [tilespmem:s23+$0xFFFFFF90];
	v33 =	vshll.u32 v33, $0x1  }
0x24: {  	v36 =	vld [tilespmem:s23+$0xFFFFFF40];
	v39 =	vshll.u32 v39, $0x1;
	[tilespmem:s23+$0xFFFFFF10] =	vst v33  }
0x25: {  	v37 =	vld [tilespmem:s23+$0xFFFFFF50];
	v34 =	vshll.u32 v34, $0x1;
	[tilespmem:s23+$0xF0] =	vst v39  }
0x26: {  	v38 =	vld [tilespmem:s23+$0xFFFFFF60];
	v46 =	vshll.u32 v40, $0x1;
	[tilespmem:s23+$0xFFFFFF20] =	vst v34  }
0x27: {  	v42 =	vld [tilespmem:s23+$0xFFFFFFA0];
	v48 =	vshll.u32 v35, $0x1;
	[tilespmem:s23+$0xFFFFFF80] =	vst v46  }
0x28: {  	v43 =	vld [tilespmem:s23+$0xFFFFFFB0];
	v49 =	vshll.u32 v41, $0x1;
	[tilespmem:s23+$0xFFFFFF30] =	vst v48  }
0x29: {  	v45 =	vld [tilespmem:s23+$0xFFFFFFC0];
	v51 =	vshll.u32 v36, $0x1;
	[tilespmem:s23+$0xFFFFFF90] =	vst v49  }
0x2a: {  	v55 =	vld [tilespmem:s23+$0x0];
	v52 =	vshll.u32 v37, $0x1;
	[tilespmem:s23+$0xFFFFFF40] =	vst v51  }
0x2b: {  	v47 =	vld [tilespmem:s23+$0xFFFFFFD0];
	v54 =	vshll.u32 v38, $0x1;
	[tilespmem:s23+$0xFFFFFF50] =	vst v52  }
0x2c: {  	v50 =	vld [tilespmem:s23+$0xFFFFFFE0];
	v57 =	vshll.u32 v42, $0x1;
	[tilespmem:s23+$0xFFFFFF60] =	vst v54  }
0x2d: {  	v61 =	vld [tilespmem:s23+$0xFFFFFF70];
	v60 =	vshll.u32 v43, $0x1;
	[tilespmem:s23+$0xFFFFFFA0] =	vst v57  }
0x2e: {  	v56 =	vld [tilespmem:s23+$0x10];
	v43 =	vshll.u32 v45, $0x1;
	[tilespmem:s23+$0xFFFFFFB0] =	vst v60  }
0x2f: {  	v53 =	vld [tilespmem:s23+$0xFFFFFFF0];
	v45 =	vshll.u32 v55, $0x1;
	[tilespmem:s23+$0xFFFFFFC0] =	vst v43  }
0x30: {  	v58 =	vld [tilespmem:s23+$0x20];
	v47 =	vshll.u32 v47, $0x1;
	[tilespmem:s23+$0x0] =	vst v45  }
0x31: {  	v44 =	vld [tilespmem:s23+$0x40];
	v50 =	vshll.u32 v50, $0x1;
	[tilespmem:s23+$0xFFFFFFD0] =	vst v47  }
0x32: {  	v33 =	vshll.u32 v61, $0x1;
	v61 =	vld [tilespmem:s23+$0x30];
	[tilespmem:s23+$0xFFFFFFE0] =	vst v50  }
0x33: {  	v46 =	vld [tilespmem:s23+$0x50];
	v48 =	vshll.u32 v56, $0x1;
	[tilespmem:s23+$0xFFFFFF70] =	vst v33  }
0x34: {  	v49 =	vld [tilespmem:s23+$0x60];
	v51 =	vshll.u32 v53, $0x1;
	[tilespmem:s23+$0x10] =	vst v48  }
0x35: {  	v53 =	vshll.u32 v58, $0x1;
	v54 =	vld [tilespmem:s23+$0x80];
	[tilespmem:s23+$0xFFFFFFF0] =	vst v51  }
0x36: {  	v52 =	vld [tilespmem:s23+$0x70];
	v57 =	vshll.u32 v44, $0x1;
	[tilespmem:s23+$0x20] =	vst v53  }
0x37: {  	v56 =	vld [tilespmem:s23+$0x90];
	[tilespmem:s23+$0x40] =	vst v57;
	v55 =	vshll.u32 v61, $0x1  }
0x38: {  	v58 =	vld [tilespmem:s23+$0xA0];
	v37 =	vshll.u32 v46, $0x1;
	[tilespmem:s23+$0x30] =	vst v55  }
0x39: {  	v33 =	vld [tilespmem:s23+$0xB0];
	v60 =	vshll.u32 v49, $0x1;
	[tilespmem:s23+$0x50] =	vst v37  }
0x3a: {  	v34 =	vld [tilespmem:s23+$0xC0];
	v61 =	vshll.u32 v54, $0x1;
	[tilespmem:s23+$0x60] =	vst v60  }
0x3b: {  	v35 =	vld [tilespmem:s23+$0xD0];
	v36 =	vshll.u32 v52, $0x1;
	[tilespmem:s23+$0x80] =	vst v61  }
0x3c: {  	v38 =	vshll.u32 v56, $0x1;
	[tilespmem:s23+$0x70] =	vst v36;
	v36 =	vld [tilespmem:s23+$0xE0]  }
0x3d: {  	s24 =	simm.s32 $0x0;
	s25 =	simm.s32 $0x300;
	v37 =	vld [tilespmem:s23+$0xFFFFFF00];
	[tilespmem:s23+$0x90] =	vst v38;
	v38 =	vshll.u32 v58, $0x1  }
.LBB2_2:
0x3e: {  	v39 =	vld [tilespmem:s25+$0xF0];
	s24 =	sadd.s32 $0x4, s24;
	[tilespmem:s23+$0xA0] =	vst v38;
	v33 =	vshll.u32 v33, $0x1  }
0x3f: {  	v38 =	vld [tilespmem:s25+$0xFFFFFF10];
	p0 =	slt.u32 s24, $0xC4;
	[tilespmem:s23+$0xB0] =	vst v33;
	v33 =	vshll.u32 v34, $0x1  }
0x40: {  	v34 =	vld [tilespmem:s25+$0xFFFFFF20];
	[tilespmem:s23+$0xC0] =	vst v33;
	v33 =	vshll.u32 v35, $0x1  }
0x41: {  	v35 =	vld [tilespmem:s25+$0xFFFFFF30];
	[tilespmem:s23+$0xD0] =	vst v33;
	v33 =	vshll.u32 v36, $0x1  }
0x42: {  	v36 =	vld [tilespmem:s25+$0xFFFFFF40];
	v37 =	vshll.u32 v37, $0x1;
	[tilespmem:s23+$0xE0] =	vst v33  }
0x43: {  	v33 =	vld [tilespmem:s25+$0xFFFFFF50];
	v39 =	vshll.u32 v39, $0x1;
	[tilespmem:s23+$0xFFFFFF00] =	vst v37;
	s23 =	smov.u32 s25  }
0x44: {  	v37 =	vshll.u32 v38, $0x1;
	v38 =	vld [tilespmem:s25+$0xFFFFFF60];
	[tilespmem:s25+$0xF0] =	vst v39  }
0x45: {  	[tilespmem:s25+$0xFFFFFF10] =	vst v37;
	v34 =	vshll.u32 v34, $0x1;
	v37 =	vld [tilespmem:s25+$0xFFFFFF70]  }
0x46: {  	[tilespmem:s25+$0xFFFFFF20] =	vst v34;
	v34 =	vshll.u32 v35, $0x1;
	v35 =	vld [tilespmem:s25+$0xFFFFFF80]  }
0x47: {  	[tilespmem:s25+$0xFFFFFF30] =	vst v34;
	v34 =	vshll.u32 v36, $0x1;
	v36 =	vld [tilespmem:s25+$0xFFFFFF90]  }
0x48: {  	[tilespmem:s25+$0xFFFFFF40] =	vst v34;
	v33 =	vshll.u32 v33, $0x1;
	v34 =	vld [tilespmem:s25+$0xFFFFFFA0]  }
0x49: {  	[tilespmem:s25+$0xFFFFFF50] =	vst v33;
	v33 =	vshll.u32 v38, $0x1;
	v38 =	vld [tilespmem:s25+$0xFFFFFFB0]  }
0x4a: {  	[tilespmem:s25+$0xFFFFFF60] =	vst v33;
	v33 =	vshll.u32 v37, $0x1;
	v37 =	vld [tilespmem:s25+$0xFFFFFFC0]  }
0x4b: {  	[tilespmem:s25+$0xFFFFFF70] =	vst v33;
	v33 =	vshll.u32 v35, $0x1;
	v35 =	vld [tilespmem:s25+$0xFFFFFFD0]  }
0x4c: {  	[tilespmem:s25+$0xFFFFFF80] =	vst v33;
	v33 =	vshll.u32 v36, $0x1;
	v36 =	vld [tilespmem:s25+$0xFFFFFFE0]  }
0x4d: {  	[tilespmem:s25+$0xFFFFFF90] =	vst v33;
	v33 =	vshll.u32 v34, $0x1;
	v34 =	vld [tilespmem:s25+$0xFFFFFFF0]  }
0x4e: {  	[tilespmem:s25+$0xFFFFFFA0] =	vst v33;
	v33 =	vshll.u32 v38, $0x1;
	v38 =	vld [tilespmem:s25+$0x0]  }
0x4f: {  	[tilespmem:s25+$0xFFFFFFB0] =	vst v33;
	v33 =	vshll.u32 v37, $0x1;
	v37 =	vld [tilespmem:s25+$0x10]  }
0x50: {  	[tilespmem:s25+$0xFFFFFFC0] =	vst v33;
	v33 =	vshll.u32 v35, $0x1;
	v35 =	vld [tilespmem:s25+$0x20]  }
0x51: {  	[tilespmem:s25+$0xFFFFFFD0] =	vst v33;
	v33 =	vshll.u32 v36, $0x1;
	v36 =	vld [tilespmem:s25+$0x30]  }
0x52: {  	[tilespmem:s25+$0xFFFFFFE0] =	vst v33;
	v33 =	vshll.u32 v34, $0x1;
	v34 =	vld [tilespmem:s25+$0x40]  }
0x53: {  	[tilespmem:s25+$0xFFFFFFF0] =	vst v33;
	v33 =	vshll.u32 v38, $0x1;
	v38 =	vld [tilespmem:s25+$0x50]  }
0x54: {  	[tilespmem:s25+$0x0] =	vst v33;
	v33 =	vshll.u32 v37, $0x1;
	v37 =	vld [tilespmem:s25+$0x60]  }
0x55: {  	[tilespmem:s25+$0x10] =	vst v33;
	v33 =	vshll.u32 v35, $0x1;
	v35 =	vld [tilespmem:s25+$0x70]  }
0x56: {  	[tilespmem:s25+$0x20] =	vst v33;
	v33 =	vshll.u32 v36, $0x1;
	v36 =	vld [tilespmem:s25+$0x80]  }
0x57: {  	[tilespmem:s25+$0x30] =	vst v33;
	v33 =	vshll.u32 v34, $0x1;
	v39 =	vld [tilespmem:s25+$0x90]  }
0x58: {  	[tilespmem:s25+$0x40] =	vst v33;
	v33 =	vshll.u32 v38, $0x1;
	v38 =	vld [tilespmem:s25+$0xA0]  }
.Ltmp0:
0x59: {  	[tilespmem:s25+$0x50] =	vst v33;
	v34 =	vshll.u32 v37, $0x1;
	v33 =	vld [tilespmem:s25+$0xB0];
	(pc) =	sbr.rel @p0 .LBB2_2-.Ltmp0, $4  }
0x5a: {  	[tilespmem:s25+$0x60] =	vst v34;
	v35 =	vshll.u32 v35, $0x1;
	v34 =	vld [tilespmem:s25+$0xC0]  }
0x5b: {  	[tilespmem:s25+$0x70] =	vst v35;
	v36 =	vshll.u32 v36, $0x1;
	v35 =	vld [tilespmem:s25+$0xD0]  }
0x5c: {  	[tilespmem:s25+$0x80] =	vst v36;
	v39 =	vshll.u32 v39, $0x1;
	v36 =	vld [tilespmem:s25+$0xE0]  }
0x5d: {  	s25 =	sadd.s32 $0x200, s25;
	v37 =	vld [tilespmem:s23+$0xFFFFFF00];
	[tilespmem:s23+$0x90] =	vst v39;
	v38 =	vshll.u32 v38, $0x1  }
0x5e: {  	[tilespmem:s23+$0xA0] =	vst v38;
	v33 =	vshll.u32 v33, $0x1  }
0x5f: {  	[tilespmem:s23+$0xB0] =	vst v33;
	v57 =	vshll.u32 v34, $0x1  }
0x60: {  	[tilespmem:s23+$0xC0] =	vst v57;
	v58 =	vshll.u32 v35, $0x1  }
0x61: {  	[tilespmem:s23+$0xD0] =	vst v58;
	v60 =	vshll.u32 v36, $0x1  }
0x62: {  	v61 =	vshll.u32 v37, $0x1;
	[tilespmem:s23+$0xE0] =	vst v60  }
0x63: {  	[tilespmem:s23+$0xFFFFFF00] =	vst v61;
	s23 =	simm.s32 $0x0  }
0x64: {  	[tilespmem:s14], [sflag:$0x1] =	stream.indirect.gather [hbm4b:s4+s11], $0x40, s23, s11, $0xb8;
	[tilespmem:$0xE800] =	vst v63  }
0x65: {  	s24 =	simm.s32 $0x0  }
0x66: {  	v24 =	vmov v59;
	v21 =	vmov v20;
	v29 =	vmov v25;
	v28 =	vld [tilespmem:$0x1FEB0];
	[tilespmem:s15], [sflag:$0x2] =	stream.indirect.gather [hbm4b:s4+s11], $0x40, s11, s11, $0xb8  }
.LBB2_4:
0x67: {  	_ =	swait.ge [sflag:s16], $0x2000;
	p0 =	seq.s32 s24, $0x0  }
0x68: {  	s0 =	simm.s32 $0x1;
	s25 =	simm.s32 $0x2;
	[sflag:s16] =	ssyncset.done $0x0  }
0x69: {  	v33 =	vmov s23;
	v35 =	vmov s25;
	s28 =	simm.s32 @!p0 $0x3;
	s25 =	simm.s32 $0x7;
	[sflag:s16] =	ssyncadd.s32 $0xFFFFE000  }
0x6a: {  	s26 =	simm.s32 $0x3;
	s30 =	simm.s32 $0x4;
	v33 =	vshrl.u32 v33, $0x3;
	v34 =	vmov s0;
	v40 =	vmov s25;
	_ =	swait.ge @!p0 [sflag:s28], $0x2000  }
0x6b: {  	s31 =	simm.s32 $0x5;
	v36 =	vmov s26;
	v37 =	vmov s30;
	v40 =	vshrl.u32 v40, $0x3;
	[sflag:s28] =	ssyncset.done @!p0 $0x0  }
0x6c: {  	v38 =	vmov s31;
	v33 =	vshll.u32 v33, v1;
	s25 =	simm.s32 $0x6500;
	v40 =	vshll.u32 v40, v1;
	[sflag:s28] =	ssyncadd.s32 @!p0 $0xFFFFE000  }
0x6d: {  	v34 =	vshrl.u32 v34, $0x3;
	v35 =	vshrl.u32 v35, $0x3;
	v4 =	vbroadcast v40, $0x0;
	v56 =	vld [tilespmem:s25+$0xC0]  }
0x6e: {  	v37 =	vshrl.u32 v37, $0x3;
	v0 =	vbroadcast v33, $0x0;
	v34 =	vshll.u32 v34, v1;
	v43 =	vld [tilespmem:s25+$0xFFFFFF00]  }
0x6f: {  	v35 =	vshll.u32 v35, v1;
	v2 =	vbroadcast v34, $0x0;
	v45 =	vld [tilespmem:s25+$0xFFFFFF40];
	v46 =	vadd.s32 v14, v4  }
0x70: {  	s2 =	simm.s32 $0x6;
	v44 =	vshll.u32 v37, v1;
	v37 =	vbroadcast v35, $0x0;
	v58 =	vadd.s32 v3, v0;
	v47 =	vld [tilespmem:s25+$0xFFFFFF80]  }
0x71: {  	v39 =	vmov s2;
	v36 =	vshrl.u32 v36, $0x3;
	v48 =	vadd.s32 v6, v2  }
0x72: {  	v36 =	vshll.u32 v36, v1;
	v49 =	vld [tilespmem:s25+$0xFFFFFFC0];
	v50 =	vadd.s32 v11, v37;
	v59 =	vmul.f32 $8.000000000e+00, v56  }
0x73: {  	v38 =	vshrl.u32 v38, $0x3;
	v36 =	vbroadcast v36, $0x0;
	v51 =	vld [tilespmem:s25+$0x0];
	v43 =	vmul.f32 $8.000000000e+00, v43  }
0x74: {  	v42 =	vshrl.u32 v39, $0x3;
	v57 =	vshll.u32 v38, v1;
	v53 =	vld [tilespmem:s25+$0x40];
	v45 =	vmul.f32 $8.000000000e+00, v45;
	[tilespmem:v46+s17+$0x0] =	vst.idx.msk $0xffff, v59  }
0x75: {  	v35 =	vbroadcast v44, $0x0;
	v52 =	vadd.s32 v15, v36;
	v55 =	vld [tilespmem:s25+$0x80];
	v61 =	vmul.f32 $8.000000000e+00, v47;
	[tilespmem:v58+s17+$0x0] =	vst.idx.msk $0xffff, v43  }
0x76: {  	v42 =	vshll.u32 v42, v1;
	v33 =	vbroadcast v57, $0x0;
	[tilespmem:v48+s17+$0x0] =	vst.idx.msk $0xffff, v45;
	v44 =	vld [tilespmem:s25+$0xD0]  }
0x77: {  	v34 =	vbroadcast v42, $0x0;
	v54 =	vadd.s32 v7, v35;
	[tilespmem:v50+s17+$0x0] =	vst.idx.msk $0xffff, v61;
	v46 =	vld [tilespmem:s25+$0xFFFFFF10]  }
0x78: {  	s26 =	simm.s32 $0x8;
	v41 =	vmul.f32 $8.000000000e+00, v49;
	v43 =	vadd.s32 v32, v33;
	v49 =	vld [tilespmem:s25+$0xFFFFFF50];
	[tilespmem:$0x1FE70] =	vst v4  }
0x79: {  	v60 =	vmov s26;
	v47 =	vadd.s32 v27, v34;
	[tilespmem:$0x1FE80] =	vst v0  }
0x7a: {  	v42 =	vshrl.u32 v60, $0x3;
	v60 =	vmul.f32 $8.000000000e+00, v51;
	v50 =	vadd.s32 v24, v4;
	[tilespmem:v52+s17+$0x0] =	vst.idx.msk $0xffff, v41  }
0x7b: {  	v56 =	vadd.s32 v63, v0;
	v61 =	vmul.f32 $8.000000000e+00, v53;
	v57 =	vld [tilespmem:s25+$0xFFFFFF90];
	[tilespmem:$0x1FE90] =	vst v2  }
0x7c: {  	v38 =	vmul.f32 $8.000000000e+00, v55;
	v53 =	vadd.s32 v9, v2;
	v58 =	vld [tilespmem:s25+$0xFFFFFFD0];
	[tilespmem:v54+s17+$0x0] =	vst.idx.msk $0xffff, v60  }
0x7d: {  	v55 =	vadd.s32 v12, v37;
	[tilespmem:v43+s17+$0x0] =	vst.idx.msk $0xffff, v61;
	v43 =	vmul.f32 $8.000000000e+00, v44  }
0x7e: {  	[tilespmem:v47+s17+$0x0] =	vst.idx.msk $0xffff, v38;
	v59 =	vld [tilespmem:s25+$0x10];
	v45 =	vmul.f32 $8.000000000e+00, v46;
	v46 =	vadd.s32 v16, v36  }
0x7f: {  	v61 =	vld [tilespmem:s25+$0x90];
	v39 =	vmul.f32 $8.000000000e+00, v49;
	[tilespmem:v50+s17+$0x0] =	vst.idx.msk $0xffff, v43  }
0x80: {  	v60 =	vld [tilespmem:s25+$0x50];
	v43 =	vshll.u32 v42, v1;
	[tilespmem:v56+s17+$0x0] =	vst.idx.msk $0xffff, v45;
	v42 =	vmul.f32 $8.000000000e+00, v57  }
0x81: {  	[tilespmem:v53+s17+$0x0] =	vst.idx.msk $0xffff, v39;
	v50 =	vld [tilespmem:s25+$0xE0];
	v39 =	vmul.f32 $8.000000000e+00, v58  }
0x82: {  	v56 =	vld [tilespmem:s25+$0xFFFFFF20];
	[tilespmem:v55+s17+$0x0] =	vst.idx.msk $0xffff, v42  }
0x83: {  	v49 =	vadd.s32 v21, v35;
	v57 =	vld [tilespmem:s25+$0xFFFFFF60];
	[tilespmem:v46+s17+$0x0] =	vst.idx.msk $0xffff, v39  }
0x84: {  	v45 =	vadd.s32 v26, v33;
	v58 =	vadd.s32 v5, v0;
	v0 =	vld [tilespmem:$0x1FEA0]  }
0x85: {  	v53 =	vadd.s32 v29, v34;
	v42 =	vmul.f32 $8.000000000e+00, v59;
	v59 =	vld [tilespmem:s25+$0xFFFFFFA0]  }
0x86: {  	s30 =	simm.s32 $0x9;
	v55 =	vadd.s32 v62, v4;
	v19 =	vld [tilespmem:$0x1FEF0]  }
0x87: {  	v48 =	vmov s30;
	s30 =	simm.s32 $0xD;
	v46 =	vmul.f32 $8.000000000e+00, v60;
	v20 =	vld [tilespmem:$0x1FF10]  }
0x88: {  	v18 =	vmovc v28;
	v44 =	vmov s30;
	v47 =	vmul.f32 $8.000000000e+00, v61;
	v28 =	vld [tilespmem:$0x1FF30];
	[tilespmem:v49+s17+$0x0] =	vst.idx.msk $0xffff, v42;
	v49 =	vadd.s32 v13, v37  }
0x89: {  	s31 =	simm.s32 $0xA;
	v4 =	vmovc v62;
	v61 =	vshrl.u32 v44, $0x3;
	[tilespmem:v45+s17+$0x0] =	vst.idx.msk $0xffff, v46;
	v44 =	vmul.f32 $8.000000000e+00, v50;
	v62 =	vadd.s32 v0, v2  }
0x8a: {  	v51 =	vmov s31;
	s31 =	simm.s32 $0xE;
	[tilespmem:v53+s17+$0x0] =	vst.idx.msk $0xffff, v47;
	v50 =	vmul.f32 $8.000000000e+00, v56  }
0x8b: {  	v38 =	vmov s31;
	[tilespmem:v55+s17+$0x0] =	vst.idx.msk $0xffff, v44;
	v59 =	vmul.f32 $8.000000000e+00, v59  }
0x8c: {  	v42 =	vshrl.u32 v38, $0x3;
	v38 =	vbroadcast v43, $0x0;
	v43 =	vmul.f32 $8.000000000e+00, v57;
	[tilespmem:v58+s17+$0x0] =	vst.idx.msk $0xffff, v50  }
0x8d: {  	[tilespmem:v49+s17+$0x0] =	vst.idx.msk $0xffff, v59  }
0x8e: {  	v25 =	vmovc v26;
	v26 =	vmovc v32;
	v32 =	vmov v7;
	v7 =	vmov v14;
	v14 =	vmov v3;
	[tilespmem:v62+s17+$0x0] =	vst.idx.msk $0xffff, v43  }
0x8f: {  	v3 =	vmovc v30;
	v30 =	vmovc v23;
	v23 =	vmov v22;
	v22 =	vmov v10;
	v10 =	vmov v0;
	v0 =	vld [tilespmem:$0x1FF50]  }
0x90: {  	v2 =	vld [tilespmem:$0x1FE70];
	_ =	sdelay $0x2  }
0x91: {  	v8 =	vmov v9;
	v9 =	vmov v63;
	v63 =	vld [tilespmem:s25+$0xFFFFFFE0];
	_ =	sdelay $0x1  }
0x92: {  	v56 =	vadd.s32 v17, v36;
	v53 =	vadd.s32 v0, v2;
	v0 =	vld [tilespmem:$0x1FF70]  }
0x93: {  	v2 =	vld [tilespmem:$0x1FE80];
	_ =	sdelay $0x1  }
0x94: {  	v39 =	vld [tilespmem:s25+$0x20];
	v62 =	vmul.f32 $8.000000000e+00, v63  }
0x95: {  	v40 =	vld [tilespmem:s25+$0x60]  }
0x96: {  	v48 =	vshrl.u32 v48, $0x3;
	v60 =	vld [tilespmem:s25+$0xA0];
	[tilespmem:v56+s17+$0x0] =	vst.idx.msk $0xffff, v62  }
0x97: {  	s2 =	simm.s32 $0xB;
	s26 =	simm.s32 $0xC;
	v47 =	vshll.u32 v48, v1;
	v57 =	vadd.s32 v19, v35;
	v48 =	vadd.s32 v0, v2;
	v0 =	vld [tilespmem:$0x1FE90]  }
0x98: {  	v51 =	vshrl.u32 v51, $0x3;
	v52 =	vmov s2;
	v54 =	vmov s26;
	v55 =	vld [tilespmem:s25+$0xF0]  }
0x99: {  	v52 =	vshrl.u32 v52, $0x3;
	v41 =	vshrl.u32 v54, $0x3;
	v54 =	vadd.s32 v20, v33;
	v50 =	vld [tilespmem:s25+$0xFFFFFF30]  }
0x9a: {  	v44 =	vshll.u32 v51, v1;
	v51 =	vadd.s32 v28, v34;
	v49 =	vld [tilespmem:s25+$0xFFFFFFB0];
	v63 =	vmul.f32 $8.000000000e+00, v39  }
0x9b: {  	v45 =	vshll.u32 v52, v1;
	v46 =	vshll.u32 v41, v1;
	v39 =	vmul.f32 $8.000000000e+00, v40;
	v52 =	vld [tilespmem:s25+$0xFFFFFF70]  }
0x9c: {  	s29 =	simm.s32 $0xF;
	s28 =	simm.s32 $0x10;
	s26 =	sshll.u32 s24, $0x10;
	v43 =	vshll.u32 v61, v1;
	v40 =	vmul.f32 $8.000000000e+00, v60;
	v56 =	vld [tilespmem:s25+$0xFFFFFFF0];
	[tilespmem:v57+s17+$0x0] =	vst.idx.msk $0xffff, v63;
	v41 =	vadd.s32 v22, v0  }
.LBB2_5:
0x9d: {  	v57 =	vmov s29  }
0x9e: {  	v37 =	vadd.s32 v31, v37;
	v58 =	vld [tilespmem:s25+$0x30];
	v36 =	vadd.s32 v18, v36;
	[tilespmem:v54+s17+$0x0] =	vst.idx.msk $0xffff, v39;
	v61 =	vmul.f32 $8.000000000e+00, v55  }
0x9f: {  	v35 =	vadd.s32 v23, v35;
	v62 =	vshrl.u32 v57, $0x3;
	[tilespmem:v51+s17+$0x0] =	vst.idx.msk $0xffff, v40;
	v50 =	vmul.f32 $8.000000000e+00, v50;
	v55 =	vld [tilespmem:s25+$0x70]  }
0xa0: {  	v39 =	vmov v38;
	v38 =	vshll.u32 v62, v1;
	v63 =	vmul.f32 $8.000000000e+00, v52;
	v52 =	vld [tilespmem:s25+$0xB0];
	s25 =	sadd.s32 $0x200, s25;
	[tilespmem:v53+s17+$0x0] =	vst.idx.msk $0xffff, v61  }
0xa1: {  	v33 =	vadd.s32 v30, v33;
	v40 =	vbroadcast v38, $0x0;
	v57 =	vmul.f32 $8.000000000e+00, v49;
	[tilespmem:v48+s17+$0x0] =	vst.idx.msk $0xffff, v50;
	v53 =	vld [tilespmem:s25+$0xC0]  }
0xa2: {  	v42 =	vshll.u32 v42, v1;
	v34 =	vadd.s32 v3, v34;
	v59 =	vmul.f32 $8.000000000e+00, v56;
	[tilespmem:v41+s17+$0x0] =	vst.idx.msk $0xffff, v63;
	v48 =	vld [tilespmem:s25+$0xFFFFFF00]  }
0xa3: {  	v41 =	vbroadcast v47, $0x0;
	v47 =	vadd.s32 v7, v40;
	[tilespmem:v37+s17+$0x0] =	vst.idx.msk $0xffff, v57;
	v61 =	vmul.f32 $8.000000000e+00, v58;
	v60 =	vld [tilespmem:s25+$0xFFFFFF40]  }
0xa4: {  	v51 =	vadd.s32 v14, v39;
	v37 =	vbroadcast v44, $0x0;
	[tilespmem:v36+s17+$0x0] =	vst.idx.msk $0xffff, v59;
	v62 =	vld [tilespmem:s25+$0xFFFFFF80];
	v63 =	vmul.f32 $8.000000000e+00, v55  }
0xa5: {  	v36 =	vbroadcast v45, $0x0;
	v49 =	vadd.s32 v6, v41;
	[tilespmem:v35+s17+$0x0] =	vst.idx.msk $0xffff, v61;
	v55 =	vld [tilespmem:s25+$0xFFFFFFC0];
	v56 =	vmul.f32 $8.000000000e+00, v52  }
0xa6: {  	v45 =	vadd.s32 v11, v37;
	v35 =	vbroadcast v46, $0x0;
	v57 =	vld [tilespmem:s25+$0x0];
	[tilespmem:v33+s17+$0x0] =	vst.idx.msk $0xffff, v63;
	v58 =	vmul.f32 $8.000000000e+00, v53  }
0xa7: {  	v33 =	vbroadcast v43, $0x0;
	[tilespmem:v34+s17+$0x0] =	vst.idx.msk $0xffff, v56;
	v59 =	vmul.f32 $8.000000000e+00, v48;
	v48 =	vadd.s32 v15, v36;
	v53 =	vld [tilespmem:s25+$0x40]  }
0xa8: {  	v43 =	vadd.s32 v32, v35;
	v34 =	vbroadcast v42, $0x0;
	v60 =	vmul.f32 $8.000000000e+00, v60;
	v50 =	vld [tilespmem:s25+$0x80];
	[tilespmem:v47+s17+$0x0] =	vst.idx.msk $0xffff, v58  }
0xa9: {  	v62 =	vmul.f32 $8.000000000e+00, v62;
	v63 =	vadd.s32 v26, v33;
	[tilespmem:v51+s17+$0x0] =	vst.idx.msk $0xffff, v59;
	v47 =	vld [tilespmem:s25+$0xD0]  }
0xaa: {  	v61 =	vmov s28;
	[tilespmem:v49+s17+$0x0] =	vst.idx.msk $0xffff, v60;
	v60 =	vmul.f32 $8.000000000e+00, v55;
	v49 =	vadd.s32 v27, v34;
	v51 =	vld [tilespmem:s25+$0xFFFFFF10]  }
0xab: {  	v42 =	vshrl.u32 v61, $0x3;
	[tilespmem:v45+s17+$0x0] =	vst.idx.msk $0xffff, v62;
	v61 =	vmul.f32 $8.000000000e+00, v57;
	v45 =	vadd.s32 v24, v40;
	v55 =	vld [tilespmem:s25+$0xFFFFFF50]  }
0xac: {  	v56 =	vadd.s32 v9, v39;
	v57 =	vld [tilespmem:s25+$0xFFFFFF90];
	[tilespmem:v48+s17+$0x0] =	vst.idx.msk $0xffff, v60;
	v62 =	vmul.f32 $8.000000000e+00, v53  }
0xad: {  	[tilespmem:v43+s17+$0x0] =	vst.idx.msk $0xffff, v61;
	v53 =	vadd.s32 v8, v41;
	v43 =	vmul.f32 $8.000000000e+00, v50;
	v58 =	vld [tilespmem:s25+$0xFFFFFFD0]  }
0xae: {  	v50 =	vadd.s32 v12, v37;
	v59 =	vld [tilespmem:s25+$0x10];
	[tilespmem:v63+s17+$0x0] =	vst.idx.msk $0xffff, v62;
	v38 =	vmul.f32 $8.000000000e+00, v47  }
0xaf: {  	[tilespmem:v49+s17+$0x0] =	vst.idx.msk $0xffff, v43;
	v47 =	vmul.f32 $8.000000000e+00, v51;
	v51 =	vadd.s32 v16, v36;
	v60 =	vld [tilespmem:s25+$0x50]  }
0xb0: {  	v49 =	vmul.f32 $8.000000000e+00, v55;
	v55 =	vadd.s32 v21, v35;
	v61 =	vld [tilespmem:s25+$0x90];
	[tilespmem:v45+s17+$0x0] =	vst.idx.msk $0xffff, v38  }
0xb1: {  	s0 =	sadd.s32 $0x1, s28;
	v63 =	vmul.f32 $8.000000000e+00, v57;
	[tilespmem:v56+s17+$0x0] =	vst.idx.msk $0xffff, v47;
	v47 =	vld [tilespmem:s25+$0xE0]  }
0xb2: {  	v54 =	vmov s0;
	v45 =	vadd.s32 v25, v33;
	[tilespmem:v53+s17+$0x0] =	vst.idx.msk $0xffff, v49;
	v56 =	vld [tilespmem:s25+$0xFFFFFF20];
	v62 =	vmul.f32 $8.000000000e+00, v58  }
0xb3: {  	s30 =	sadd.s32 $0x2, s28;
	s2 =	sadd.s32 $0x4, s28;
	v38 =	vshll.u32 v42, v1;
	v53 =	vadd.s32 v29, v34;
	[tilespmem:v50+s17+$0x0] =	vst.idx.msk $0xffff, v63;
	v42 =	vmul.f32 $8.000000000e+00, v59;
	v57 =	vld [tilespmem:s25+$0xFFFFFF60]  }
0xb4: {  	s31 =	sadd.s32 $0x3, s28;
	v54 =	vshrl.u32 v54, $0x3;
	v44 =	vmov s2;
	v52 =	vmov s30;
	v59 =	vld [tilespmem:s25+$0xFFFFFFA0];
	[tilespmem:v51+s17+$0x0] =	vst.idx.msk $0xffff, v62  }
0xb5: {  	v48 =	vmov s31;
	v58 =	vadd.s32 v5, v39;
	v49 =	vmul.f32 $8.000000000e+00, v60;
	[tilespmem:v55+s17+$0x0] =	vst.idx.msk $0xffff, v42;
	v62 =	vld [tilespmem:s25+$0xFFFFFFE0]  }
0xb6: {  	s30 =	sadd.s32 $0x5, s28;
	s31 =	sadd.s32 $0x6, s28;
	v50 =	vadd.s32 v4, v40;
	v60 =	vshrl.u32 v44, $0x3;
	v44 =	vmul.f32 $8.000000000e+00, v61;
	v63 =	vld [tilespmem:s25+$0x20]  }
0xb7: {  	v46 =	vmov s30;
	v52 =	vshrl.u32 v52, $0x3;
	v43 =	vmov s31;
	[tilespmem:v45+s17+$0x0] =	vst.idx.msk $0xffff, v49  }
0xb8: {  	v51 =	vadd.s32 v10, v41;
	v42 =	vshrl.u32 v43, $0x3;
	[tilespmem:v53+s17+$0x0] =	vst.idx.msk $0xffff, v44;
	v43 =	vmul.f32 $8.000000000e+00, v56;
	v0 =	vld [tilespmem:s25+$0x60]  }
0xb9: {  	v61 =	vshrl.u32 v46, $0x3;
	v46 =	vadd.s32 v13, v37;
	v45 =	vmul.f32 $8.000000000e+00, v47;
	v2 =	vld [tilespmem:s25+$0xA0]  }
0xba: {  	v56 =	vadd.s32 v17, v36;
	v49 =	vmul.f32 $8.000000000e+00, v57;
	[tilespmem:v58+s17+$0x0] =	vst.idx.msk $0xffff, v43;
	v58 =	vmul.f32 $8.000000000e+00, v62;
	v62 =	vld [tilespmem:$0x1FF50]  }
0xbb: {  	p1 =	slt.u32 s28, $0x78;
	v57 =	vadd.s32 v19, v35;
	[tilespmem:v50+s17+$0x0] =	vst.idx.msk $0xffff, v45;
	v43 =	vmul.f32 $8.000000000e+00, v59;
	v59 =	vmul.f32 $8.000000000e+00, v63;
	v63 =	vld [tilespmem:$0x1FF70]  }
.Ltmp1:
0xbc: {  	v41 =	vadd.s32 v22, v41;
	v44 =	vshll.u32 v52, v1;
	v47 =	vshll.u32 v54, v1;
	v55 =	vld [tilespmem:s25+$0xF0];
	(pc) =	sbr.rel @p1 .LBB2_5-.Ltmp1, $4  }
0xbd: {  	v48 =	vshrl.u32 v48, $0x3;
	v54 =	vadd.s32 v20, v33;
	[tilespmem:v51+s17+$0x0] =	vst.idx.msk $0xffff, v49;
	v51 =	vadd.s32 v28, v34;
	v50 =	vld [tilespmem:s25+$0xFFFFFF30]  }
0xbe: {  	v45 =	vshll.u32 v48, v1;
	v52 =	vld [tilespmem:s25+$0xFFFFFF70];
	[tilespmem:v46+s17+$0x0] =	vst.idx.msk $0xffff, v43;
	v46 =	vshll.u32 v60, v1  }
0xbf: {  	v38 =	vbroadcast v38, $0x0;
	v43 =	vshll.u32 v61, v1;
	v49 =	vld [tilespmem:s25+$0xFFFFFFB0];
	[tilespmem:v56+s17+$0x0] =	vst.idx.msk $0xffff, v58;
	v53 =	vadd.s32 v62, v40  }
0xc0: {  	s29 =	sadd.s32 $0x7, s28;
	s28 =	sadd.s32 $0x8, s28;
	[tilespmem:v57+s17+$0x0] =	vst.idx.msk $0xffff, v59;
	v56 =	vld [tilespmem:s25+$0xFFFFFFF0];
	v48 =	vadd.s32 v63, v39;
	v39 =	vmul.f32 $8.000000000e+00, v0;
	v40 =	vmul.f32 $8.000000000e+00, v2  }
0xc1: {  	_ =	sdelay $0x3  }
0xc2: {  	v0 =	vmov s29;
	v2 =	vadd.s32 v31, v37;
	v61 =	vld [tilespmem:s25+$0x30];
	v63 =	vmul.f32 $8.000000000e+00, v55;
	s0 =	sadd.s32 $0x200, s25;
	[tilespmem:v54+s17+$0x0] =	vst.idx.msk $0xffff, v39  }
0xc3: {  	v36 =	vadd.s32 v18, v36;
	v35 =	vadd.s32 v23, v35;
	v50 =	vmul.f32 $8.000000000e+00, v50;
	[tilespmem:v51+s17+$0x0] =	vst.idx.msk $0xffff, v40;
	v58 =	vld [tilespmem:s0+$0xFFFFFF00]  }
0xc4: {  	v33 =	vadd.s32 v30, v33;
	v0 =	vshrl.u32 v0, $0x3;
	v54 =	vld [tilespmem:s25+$0x70];
	v55 =	vmul.f32 $8.000000000e+00, v52;
	[tilespmem:v53+s17+$0x0] =	vst.idx.msk $0xffff, v63  }
0xc5: {  	v37 =	vadd.s32 v14, v38;
	v0 =	vshll.u32 v0, v1;
	v51 =	vld [tilespmem:s25+$0xB0];
	[tilespmem:v48+s17+$0x0] =	vst.idx.msk $0xffff, v50;
	v57 =	vmul.f32 $8.000000000e+00, v49  }
0xc6: {  	v42 =	vshll.u32 v42, v1;
	v39 =	vld [tilespmem:s0+$0xC0];
	v0 =	vbroadcast v0, $0x0;
	[tilespmem:v41+s17+$0x0] =	vst.idx.msk $0xffff, v55;
	v59 =	vmul.f32 $8.000000000e+00, v56  }
0xc7: {  	v34 =	vadd.s32 v3, v34;
	v47 =	vbroadcast v47, $0x0;
	v41 =	vld [tilespmem:s0+$0xFFFFFF40];
	[tilespmem:v2+s17+$0x0] =	vst.idx.msk $0xffff, v57;
	v2 =	vmul.f32 $8.000000000e+00, v61  }
0xc8: {  	v44 =	vbroadcast v44, $0x0;
	v48 =	vld [tilespmem:s0+$0xFFFFFF80];
	v63 =	vmovc v14;
	v50 =	vadd.s32 v7, v0;
	[tilespmem:v36+s17+$0x0] =	vst.idx.msk $0xffff, v59;
	v14 =	vmul.f32 $8.000000000e+00, v58  }
0xc9: {  	v45 =	vbroadcast v45, $0x0;
	v40 =	vadd.s32 v6, v47;
	v52 =	vld [tilespmem:s0+$0xFFFFFFC0];
	v60 =	vmul.f32 $8.000000000e+00, v54;
	[tilespmem:v35+s17+$0x0] =	vst.idx.msk $0xffff, v2  }
0xca: {  	v46 =	vbroadcast v46, $0x0;
	v61 =	vld [tilespmem:s0+$0x0];
	v2 =	vmul.f32 $8.000000000e+00, v51;
	v35 =	vadd.s32 v11, v44;
	[tilespmem:v37+s17+$0x0] =	vst.idx.msk $0xffff, v14  }
0xcb: {  	v43 =	vbroadcast v43, $0x0;
	v56 =	vmovc v15;
	v15 =	vadd.s32 v15, v45;
	v57 =	vld [tilespmem:s0+$0x40];
	v39 =	vmul.f32 $8.000000000e+00, v39;
	[tilespmem:v33+s17+$0x0] =	vst.idx.msk $0xffff, v60  }
0xcc: {  	v42 =	vbroadcast v42, $0x0;
	v58 =	vadd.s32 v32, v46;
	v59 =	vld [tilespmem:s0+$0x80];
	[tilespmem:v34+s17+$0x0] =	vst.idx.msk $0xffff, v2;
	v2 =	vmul.f32 $8.000000000e+00, v41  }
0xcd: {  	v37 =	vadd.s32 v26, v43;
	v60 =	vmul.f32 $8.000000000e+00, v48;
	v48 =	vld [tilespmem:s0+$0xFFFFFF10];
	[tilespmem:v50+s17+$0x0] =	vst.idx.msk $0xffff, v39  }
0xce: {  	v39 =	vld [tilespmem:s0+$0xD0];
	[tilespmem:v40+s17+$0x0] =	vst.idx.msk $0xffff, v2;
	v2 =	vmul.f32 $8.000000000e+00, v52;
	v40 =	vadd.s32 v27, v42  }
0xcf: {  	v51 =	vadd.s32 v9, v38;
	v61 =	vmul.f32 $8.000000000e+00, v61;
	v50 =	vld [tilespmem:s0+$0xFFFFFF50];
	[tilespmem:v35+s17+$0x0] =	vst.idx.msk $0xffff, v60  }
0xd0: {  	v35 =	vadd.s32 v24, v0;
	v14 =	vld [tilespmem:s0+$0xFFFFFF90];
	[tilespmem:v15+s17+$0x0] =	vst.idx.msk $0xffff, v2;
	v2 =	vmul.f32 $8.000000000e+00, v57  }
0xd1: {  	v36 =	vadd.s32 v8, v47;
	v53 =	vmul.f32 $8.000000000e+00, v59;
	[tilespmem:v58+s17+$0x0] =	vst.idx.msk $0xffff, v61;
	v15 =	vld [tilespmem:s0+$0xFFFFFFD0]  }
0xd2: {  	v34 =	vadd.s32 v12, v44;
	v60 =	vld [tilespmem:s0+$0x10];
	v61 =	vmul.f32 $8.000000000e+00, v48;
	[tilespmem:v37+s17+$0x0] =	vst.idx.msk $0xffff, v2  }
0xd3: {  	v2 =	vmul.f32 $8.000000000e+00, v39;
	v39 =	vadd.s32 v16, v45;
	v48 =	vld [tilespmem:s0+$0x50];
	[tilespmem:v40+s17+$0x0] =	vst.idx.msk $0xffff, v53  }
0xd4: {  	v57 =	vmov v12;
	v40 =	vadd.s32 v21, v46;
	[tilespmem:v51+s17+$0x0] =	vst.idx.msk $0xffff, v61;
	v12 =	vmul.f32 $8.000000000e+00, v50;
	v50 =	vld [tilespmem:s0+$0x90]  }
0xd5: {  	v51 =	vld [tilespmem:s0+$0xFFFFFF20];
	[tilespmem:v35+s17+$0x0] =	vst.idx.msk $0xffff, v2;
	v2 =	vmul.f32 $8.000000000e+00, v14;
	v35 =	vadd.s32 v25, v43  }
0xd6: {  	v14 =	vld [tilespmem:s0+$0xE0];
	[tilespmem:v36+s17+$0x0] =	vst.idx.msk $0xffff, v12;
	v15 =	vmul.f32 $8.000000000e+00, v15;
	v36 =	vadd.s32 v29, v42  }
0xd7: {  	v41 =	vadd.s32 v5, v38;
	v49 =	vld [tilespmem:s0+$0xFFFFFF60];
	[tilespmem:v34+s17+$0x0] =	vst.idx.msk $0xffff, v2;
	v2 =	vmul.f32 $8.000000000e+00, v60  }
0xd8: {  	v34 =	vadd.s32 v4, v0;
	v52 =	vld [tilespmem:s0+$0xFFFFFFA0];
	[tilespmem:v39+s17+$0x0] =	vst.idx.msk $0xffff, v15;
	v12 =	vmul.f32 $8.000000000e+00, v48  }
0xd9: {  	v39 =	vadd.s32 v10, v47;
	[tilespmem:v40+s17+$0x0] =	vst.idx.msk $0xffff, v2;
	v2 =	vmul.f32 $8.000000000e+00, v50  }
0xda: {  	v48 =	vld [tilespmem:s0+$0xFFFFFFE0];
	v40 =	vadd.s32 v13, v44;
	v15 =	vmul.f32 $8.000000000e+00, v51;
	[tilespmem:v35+s17+$0x0] =	vst.idx.msk $0xffff, v12  }
0xdb: {  	v50 =	vld [tilespmem:s0+$0x20];
	v14 =	vmul.f32 $8.000000000e+00, v14;
	[tilespmem:v36+s17+$0x0] =	vst.idx.msk $0xffff, v2  }
0xdc: {  	v37 =	vadd.s32 v17, v45;
	v51 =	vld [tilespmem:s0+$0x60];
	[tilespmem:v41+s17+$0x0] =	vst.idx.msk $0xffff, v15;
	v2 =	vmul.f32 $8.000000000e+00, v49  }
0xdd: {  	v27 =	vmov v13;
	v36 =	vadd.s32 v19, v46;
	v12 =	vld [tilespmem:s0+$0xA0];
	[tilespmem:v34+s17+$0x0] =	vst.idx.msk $0xffff, v14;
	v13 =	vmul.f32 $8.000000000e+00, v52  }
0xde: {  	v15 =	vld [tilespmem:s0+$0xF0];
	[tilespmem:v39+s17+$0x0] =	vst.idx.msk $0xffff, v2  }
0xdf: {  	v14 =	vadd.s32 v20, v43;
	v2 =	vmul.f32 $8.000000000e+00, v48;
	v48 =	vld [tilespmem:s0+$0xFFFFFF70];
	[tilespmem:v40+s17+$0x0] =	vst.idx.msk $0xffff, v13  }
0xe0: {  	v60 =	vmov v5;
	v39 =	vadd.s32 v28, v42;
	v50 =	vmul.f32 $8.000000000e+00, v50;
	v5 =	vld [tilespmem:$0x1FF70]  }
0xe1: {  	v0 =	vadd.s32 v62, v0;
	v40 =	vld [tilespmem:s0+$0xFFFFFFB0];
	[tilespmem:v37+s17+$0x0] =	vst.idx.msk $0xffff, v2  }
0xe2: {  	v52 =	vadd.s32 v22, v47;
	v2 =	vmul.f32 $8.000000000e+00, v51;
	v53 =	vld [tilespmem:s0+$0xFFFFFFF0];
	[tilespmem:v36+s17+$0x0] =	vst.idx.msk $0xffff, v50  }
0xe3: {  	v62 =	vmul.f32 $8.000000000e+00, v12;
	v12 =	vadd.s32 v31, v44;
	v13 =	vld [tilespmem:s0+$0x30]  }
0xe4: {  	v41 =	vld [tilespmem:s0+$0xFFFFFF30];
	[tilespmem:v14+s17+$0x0] =	vst.idx.msk $0xffff, v2;
	v2 =	vmul.f32 $8.000000000e+00, v15;
	v15 =	vadd.s32 v18, v45  }
0xe5: {  	v50 =	vadd.s32 v23, v46;
	v31 =	vld [tilespmem:s0+$0x70];
	[tilespmem:v39+s17+$0x0] =	vst.idx.msk $0xffff, v62;
	v49 =	vmul.f32 $8.000000000e+00, v48  }
0xe6: {  	v51 =	vld [tilespmem:s0+$0xB0];
	v38 =	vadd.s32 v5, v38;
	[tilespmem:v0+s17+$0x0] =	vst.idx.msk $0xffff, v2;
	v0 =	vmul.f32 $8.000000000e+00, v40  }
0xe7: {  	v2 =	vadd.s32 v30, v43;
	[tilespmem:v52+s17+$0x0] =	vst.idx.msk $0xffff, v49;
	v52 =	vmul.f32 $8.000000000e+00, v53  }
0xe8: {  	v53 =	vadd.s32 v3, v42;
	[tilespmem:v12+s17+$0x0] =	vst.idx.msk $0xffff, v0;
	v0 =	vmul.f32 $8.000000000e+00, v13  }
0xe9: {  	v14 =	vmul.f32 $8.000000000e+00, v41;
	[tilespmem:v15+s17+$0x0] =	vst.idx.msk $0xffff, v52  }
0xea: {  	v62 =	vmul.f32 $8.000000000e+00, v31;
	[tilespmem:v50+s17+$0x0] =	vst.idx.msk $0xffff, v0  }
0xeb: {  	s0 =	sshll.u32 s24, $0x8;
	v0 =	vmul.f32 $8.000000000e+00, v51;
	[tilespmem:v38+s17+$0x0] =	vst.idx.msk $0xffff, v14  }
0xec: {  	s25 =	sand.u32 $0x3FFFFF00, s0;
	[tilespmem:v2+s17+$0x0] =	vst.idx.msk $0xffff, v62  }
0xed: {  	s26 =	sor.u32 s5, s26;
	s0 =	sadd.s32 $0x100, s25;
	[tilespmem:v53+s17+$0x0] =	vst.idx.msk $0xffff, v0  }
0xee: {  	[tilespmem:s14], [sflag:$0x1] =	stream.indirect.gather [hbm4b:s4+s11], $0x40, s0, s11, $0xb8;
	[tilespmem:$0xE800] =	vst v63  }
0xef: {  	s2 =	simm.s32 $0xA400;
	s29 =	sadd.s32 s1, s26  }
0xf0: {  	[hbm4b:s29+s3] =	stream.linear.scatter [tilespmem:s2], [sflag:$0x3], $0x80, $0x38;
	[tilespmem:$0xE800] =	vst v63  }
0xf1: {  	s28 =	sadd.s32 $0x10, s29;
	s2 =	simm.s32 $0xA488  }
0xf2: {  	[hbm4b:s28+s3] =	stream.linear.scatter [tilespmem:s2], [sflag:$0x3], $0x80, $0x38;
	[tilespmem:$0xE800] =	vst v63  }
0xf3: {  	s2 =	simm.s32 $0xA510;
	s28 =	sadd.s32 $0x20, s29  }
0xf4: {  	[hbm4b:s28+s3] =	stream.linear.scatter [tilespmem:s2], [sflag:$0x3], $0x80, $0x38;
	[tilespmem:$0xE800] =	vst v63  }
0xf5: {  	s2 =	simm.s32 $0xA598;
	s28 =	sadd.s32 $0x30, s29  }
0xf6: {  	[hbm4b:s28+s3] =	stream.linear.scatter [tilespmem:s2], [sflag:$0x3], $0x80, $0x38;
	[tilespmem:$0xE800] =	vst v63  }
0xf7: {  	s2 =	simm.s32 $0xA620;
	s28 =	sadd.s32 $0x40, s29  }
0xf8: {  	[hbm4b:s28+s3] =	stream.linear.scatter [tilespmem:s2], [sflag:$0x3], $0x80, $0x38;
	[tilespmem:$0xE800] =	vst v63  }
0xf9: {  	s30 =	simm.s32 $0x2200;
	s2 =	simm.s32 $0xA6A8;
	s28 =	sadd.s32 $0x50, s29  }
0xfa: {  	[hbm4b:s28+s3] =	stream.linear.scatter [tilespmem:s2], [sflag:$0x3], $0x80, $0x38;
	[tilespmem:$0xE800] =	vst v63  }
0xfb: {  	s31 =	simm.s32 $0xA7B8;
	v7 =	vmov v6;
	v6 =	vmov v8;
	s2 =	simm.s32 $0xA730;
	s28 =	sadd.s32 $0x60, s29  }
0xfc: {  	v55 =	vmovc v11;
	v54 =	vmovc v24;
	v26 =	vmov v29;
	v59 =	vmov v21;
	v58 =	vmov v16;
	[hbm4b:s28+s3] =	stream.linear.scatter [tilespmem:s2], [sflag:$0x3], $0x80, $0x38;
	[tilespmem:$0xE800] =	vst v63  }
0xfd: {  	v21 =	vmovc v25;
	v61 =	vmovc v10;
	v10 =	vmov v22;
	v23 =	vmov v9;
	v19 =	vmov v5;
	s0 =	sadd.s32 $0x70, s29;
	s29 =	sadd.s32 $0x1000, s29;
	s28 =	simm.s32 $0x440  }
.LBB2_7:
0xfe: {  	[hbm4b:s0+s3] =	stream.linear.scatter [tilespmem:s31], [sflag:$0x3], $0x80, $0x38;
	[tilespmem:$0xE800] =	vst v63  }
0xff: {  	s0 =	smov.u32 s28;
	s28 =	smov.u32 s30  }
0x100: {  	s2 =	sadd.s32 $0x1100, s30;
	s28 =	sshra.s32 s28, $0x2;
	s31 =	sadd.s32 $0xA400, s0  }
0x101: {  	[hbm4b:s29+s3] =	stream.linear.scatter [tilespmem:s31], [sflag:$0x3], $0x80, $0x38;
	[tilespmem:$0xE800] =	vst v63  }
0x102: {  	p1 =	sne.s32 s30, $0x7700;
	s30 =	sadd.s32 $0xA488, s0;
	s31 =	sadd.s32 $0x10, s29  }
0x103: {  	[hbm4b:s31+s3] =	stream.linear.scatter [tilespmem:s30], [sflag:$0x3], $0x80, $0x38;
	[tilespmem:$0xE800] =	vst v63  }
0x104: {  	s30 =	sadd.s32 $0xA510, s0;
	s31 =	sadd.s32 $0x20, s29  }
0x105: {  	[hbm4b:s31+s3] =	stream.linear.scatter [tilespmem:s30], [sflag:$0x3], $0x80, $0x38;
	[tilespmem:$0xE800] =	vst v63  }
0x106: {  	s30 =	sadd.s32 $0xA598, s0;
	s31 =	sadd.s32 $0x30, s29  }
0x107: {  	[hbm4b:s31+s3] =	stream.linear.scatter [tilespmem:s30], [sflag:$0x3], $0x80, $0x38;
	[tilespmem:$0xE800] =	vst v63  }
0x108: {  	s30 =	sadd.s32 $0xA620, s0;
	s31 =	sadd.s32 $0x40, s29  }
0x109: {  	[hbm4b:s31+s3] =	stream.linear.scatter [tilespmem:s30], [sflag:$0x3], $0x80, $0x38;
	[tilespmem:$0xE800] =	vst v63  }
0x10a: {  	s30 =	sadd.s32 $0xA6A8, s0;
	s31 =	sadd.s32 $0x50, s29  }
0x10b: {  	[hbm4b:s31+s3] =	stream.linear.scatter [tilespmem:s30], [sflag:$0x3], $0x80, $0x38;
	[tilespmem:$0xE800] =	vst v63  }
.Ltmp2:
0x10c: {  	_ = 	snop;
	(pc) =	sbr.rel @p1 .LBB2_7-.Ltmp2, $4  }
0x10d: {  	s30 =	sadd.s32 $0xA730, s0;
	s31 =	sadd.s32 $0x60, s29  }
0x10e: {  	[hbm4b:s31+s3] =	stream.linear.scatter [tilespmem:s30], [sflag:$0x3], $0x80, $0x38;
	[tilespmem:$0xE800] =	vst v63  }
0x10f: {  	s31 =	sadd.s32 $0xA7B8, s0  }
0x110: {  	s0 =	sadd.s32 $0x70, s29;
	s29 =	sadd.s32 $0x1000, s29;
	s30 =	smov.u32 s2  }
0x111: {  	[hbm4b:s0+s3] =	stream.linear.scatter [tilespmem:s31], [sflag:$0x3], $0x80, $0x38;
	[tilespmem:$0xE800] =	vst v63  }
0x112: {  	s2 =	sadd.s32 $0xA400, s28  }
0x113: {  	[hbm4b:s29+s3] =	stream.linear.scatter [tilespmem:s2], [sflag:$0x3], $0x80, $0x38;
	[tilespmem:$0xE800] =	vst v63  }
0x114: {  	s31 =	sadd.s32 $0xA488, s28;
	s2 =	sadd.s32 $0x10, s29  }
0x115: {  	[hbm4b:s2+s3] =	stream.linear.scatter [tilespmem:s31], [sflag:$0x3], $0x80, $0x38;
	[tilespmem:$0xE800] =	vst v63  }
0x116: {  	s2 =	sadd.s32 $0xA510, s28;
	s31 =	sadd.s32 $0x20, s29  }
0x117: {  	[hbm4b:s31+s3] =	stream.linear.scatter [tilespmem:s2], [sflag:$0x3], $0x80, $0x38;
	[tilespmem:$0xE800] =	vst v63  }
0x118: {  	s2 =	sadd.s32 $0xA598, s28;
	s31 =	sadd.s32 $0x30, s29  }
0x119: {  	[hbm4b:s31+s3] =	stream.linear.scatter [tilespmem:s2], [sflag:$0x3], $0x80, $0x38;
	[tilespmem:$0xE800] =	vst v63  }
0x11a: {  	s2 =	sadd.s32 $0xA620, s28;
	s31 =	sadd.s32 $0x40, s29  }
0x11b: {  	[hbm4b:s31+s3] =	stream.linear.scatter [tilespmem:s2], [sflag:$0x3], $0x80, $0x38;
	[tilespmem:$0xE800] =	vst v63  }
0x11c: {  	s2 =	sadd.s32 $0xA6A8, s28;
	s31 =	sadd.s32 $0x50, s29  }
0x11d: {  	[hbm4b:s31+s3] =	stream.linear.scatter [tilespmem:s2], [sflag:$0x3], $0x80, $0x38;
	[tilespmem:$0xE800] =	vst v63  }
0x11e: {  	s2 =	sadd.s32 $0xA730, s28;
	s31 =	sadd.s32 $0x60, s29  }
0x11f: {  	[hbm4b:s31+s3] =	stream.linear.scatter [tilespmem:s2], [sflag:$0x3], $0x80, $0x38;
	[tilespmem:$0xE800] =	vst v63  }
0x120: {  	s2 =	sadd.s32 $0xA7B8, s28;
	s31 =	sadd.s32 $0x70, s29  }
0x121: {  	[hbm4b:s31+s3] =	stream.linear.scatter [tilespmem:s2], [sflag:$0x3], $0x80, $0x38;
	[tilespmem:$0xE800] =	vst v63  }
0x122: {  	_ =	swait.ge [sflag:s18], $0x2000  }
0x123: {  	s29 =	simm.s32 @!p0 $0x4;
	s2 =	simm.s32 $0x1;
	[sflag:s18] =	ssyncset.done $0x0  }
0x124: {  	s31 =	simm.s32 $0x0;
	v2 =	vmov s2;
	s2 =	simm.s32 $0x4;
	[sflag:s18] =	ssyncadd.s32 $0xFFFFE000  }
0x125: {  	s28 =	simm.s32 $0x3;
	v0 =	vmov s31;
	v35 =	vmov s2;
	s2 =	simm.s32 $0x7;
	_ =	swait.ge @!p0 [sflag:s29], $0x2000  }
0x126: {  	v34 =	vmov s28;
	s28 =	simm.s32 $0x6;
	v0 =	vshrl.u32 v0, $0x3;
	v38 =	vmov s2;
	[sflag:s29] =	ssyncset.done @!p0 $0x0;
	v32 =	vld [tilespmem:$0x1FF40]  }
0x127: {  	v37 =	vmov s28;
	s28 =	simm.s32 $0x8500;
	v0 =	vshll.u32 v0, v1;
	v38 =	vshrl.u32 v38, $0x3;
	[sflag:s29] =	ssyncadd.s32 @!p0 $0xFFFFE000  }
0x128: {  	v39 =	vbroadcast v0, $0x0;
	v38 =	vshll.u32 v38, v1;
	v53 =	vld [tilespmem:s28+$0xFFFFFF00]  }
0x129: {  	v2 =	vshrl.u32 v2, $0x3;
	v41 =	vbroadcast v38, $0x0;
	v0 =	vld [tilespmem:s28+$0xC0]  }
0x12a: {  	v2 =	vshll.u32 v2, v1;
	v45 =	vadd.s32 v63, v39  }
0x12b: {  	s31 =	simm.s32 $0x2;
	v14 =	vbroadcast v2, $0x0;
	v2 =	vadd.s32 v32, v41  }
0x12c: {  	v33 =	vmov s31;
	s31 =	simm.s32 $0x5;
	v8 =	vld [tilespmem:$0x1FEE0]  }
0x12d: {  	v36 =	vmov s31;
	v35 =	vshrl.u32 v35, $0x3;
	v38 =	vmul.f32 $8.000000000e+00, v53  }
0x12e: {  	v33 =	vshrl.u32 v33, $0x3;
	v35 =	vshll.u32 v35, v1;
	v43 =	vld [tilespmem:s28+$0xFFFFFF40];
	v0 =	vmul.f32 $8.000000000e+00, v0  }
0x12f: {  	v36 =	vshrl.u32 v36, $0x3;
	v33 =	vshll.u32 v33, v1;
	v35 =	vbroadcast v35, $0x0;
	[tilespmem:v45+s19+$0x0] =	vst.idx.msk $0xffff, v38  }
0x130: {  	v42 =	vshrl.u32 v37, $0x3;
	v44 =	vshll.u32 v36, v1;
	v47 =	vadd.s32 v7, v14;
	[tilespmem:v2+s19+$0x0] =	vst.idx.msk $0xffff, v0  }
0x131: {  	v37 =	vbroadcast v33, $0x0;
	v33 =	vbroadcast v44, $0x0;
	v44 =	vadd.s32 v8, v35;
	v8 =	vld [tilespmem:$0x1FF00];
	_ =	sdelay $0x1  }
0x132: {  	v43 =	vmul.f32 $8.000000000e+00, v43  }
0x133: {  	v34 =	vshrl.u32 v34, $0x3;
	v46 =	vld [tilespmem:s28+$0xFFFFFF80]  }
0x134: {  	v34 =	vshll.u32 v34, v1;
	v48 =	vld [tilespmem:s28+$0xFFFFFFC0];
	[tilespmem:v47+s19+$0x0] =	vst.idx.msk $0xffff, v43  }
0x135: {  	v36 =	vbroadcast v34, $0x0;
	v38 =	vadd.s32 v8, v33;
	v8 =	vld [tilespmem:$0x1FF20]  }
0x136: {  	v49 =	vadd.s32 v55, v37;
	v50 =	vld [tilespmem:s28+$0x0]  }
0x137: {  	v42 =	vshll.u32 v42, v1;
	v51 =	vadd.s32 v56, v36;
	v52 =	vld [tilespmem:s28+$0x40]  }
0x138: {  	v34 =	vbroadcast v42, $0x0;
	v53 =	vld [tilespmem:s28+$0x80]  }
0x139: {  	v2 =	vmul.f32 $8.000000000e+00, v46;
	v45 =	vld [tilespmem:s28+$0xFFFFFF10]  }
0x13a: {  	v24 =	vmov v54;
	v62 =	vmul.f32 $8.000000000e+00, v48;
	v42 =	vld [tilespmem:s28+$0xD0];
	v46 =	vadd.s32 v8, v34  }
0x13b: {  	v48 =	vld [tilespmem:s28+$0xFFFFFF50];
	[tilespmem:v49+s19+$0x0] =	vst.idx.msk $0xffff, v2;
	v2 =	vmul.f32 $8.000000000e+00, v50;
	v49 =	vadd.s32 v54, v41;
	v54 =	vadd.s32 v23, v39  }
0x13c: {  	v3 =	vmov v63;
	v11 =	vmov v55;
	v63 =	vmul.f32 $8.000000000e+00, v52;
	[tilespmem:v51+s19+$0x0] =	vst.idx.msk $0xffff, v62;
	v55 =	vld [tilespmem:s28+$0xFFFFFF90]  }
0x13d: {  	v15 =	vmov v56;
	v52 =	vadd.s32 v6, v14;
	v56 =	vld [tilespmem:s28+$0xFFFFFFD0];
	[tilespmem:v44+s19+$0x0] =	vst.idx.msk $0xffff, v2;
	v2 =	vmul.f32 $8.000000000e+00, v53  }
0x13e: {  	v12 =	vmov v57;
	v62 =	vmul.f32 $8.000000000e+00, v45;
	v53 =	vadd.s32 v57, v37;
	v57 =	vld [tilespmem:s28+$0x10];
	[tilespmem:v38+s19+$0x0] =	vst.idx.msk $0xffff, v63  }
0x13f: {  	v16 =	vmov v58;
	v45 =	vadd.s32 v58, v36;
	v38 =	vmul.f32 $8.000000000e+00, v42;
	v58 =	vld [tilespmem:s28+$0x50];
	[tilespmem:v46+s19+$0x0] =	vst.idx.msk $0xffff, v2  }
0x140: {  	v25 =	vmov v59;
	v63 =	vmul.f32 $8.000000000e+00, v48;
	v48 =	vadd.s32 v59, v35;
	[tilespmem:v54+s19+$0x0] =	vst.idx.msk $0xffff, v62;
	v59 =	vld [tilespmem:s28+$0x90]  }
0x141: {  	s31 =	simm.s32 $0x8;
	v43 =	vadd.s32 v21, v33;
	v62 =	vmul.f32 $8.000000000e+00, v55;
	v54 =	vld [tilespmem:s28+$0xFFFFFF20];
	[tilespmem:v49+s19+$0x0] =	vst.idx.msk $0xffff, v38  }
0x142: {  	s2 =	simm.s32 $0x9;
	v0 =	vmov s31;
	s31 =	simm.s32 $0xA;
	[tilespmem:v52+s19+$0x0] =	vst.idx.msk $0xffff, v63;
	v63 =	vmul.f32 $8.000000000e+00, v56;
	v52 =	vadd.s32 v26, v34;
	v49 =	vld [tilespmem:s28+$0xE0]  }
0x143: {  	v47 =	vmov s2;
	s2 =	simm.s32 $0xB;
	v50 =	vmov s31;
	v55 =	vld [tilespmem:s28+$0xFFFFFF60];
	[tilespmem:v53+s19+$0x0] =	vst.idx.msk $0xffff, v62;
	v38 =	vmul.f32 $8.000000000e+00, v57  }
0x144: {  	v51 =	vmov s2;
	v53 =	vadd.s32 v4, v41;
	v56 =	vld [tilespmem:s28+$0xFFFFFFA0];
	[tilespmem:v45+s19+$0x0] =	vst.idx.msk $0xffff, v63;
	v40 =	vmul.f32 $8.000000000e+00, v58  }
0x145: {  	v18 =	vmovc v60;
	s31 =	simm.s32 $0xC;
	v57 =	vshrl.u32 v51, $0x3;
	v51 =	vadd.s32 v60, v39;
	v60 =	vld [tilespmem:s28+$0xFFFFFFE0];
	[tilespmem:v48+s19+$0x0] =	vst.idx.msk $0xffff, v38;
	v38 =	vmul.f32 $8.000000000e+00, v59  }
0x146: {  	v9 =	vmov v61;
	s2 =	simm.s32 $0xD;
	v44 =	vmov s31;
	s31 =	simm.s32 $0xE;
	v58 =	vadd.s32 v61, v14;
	v61 =	vld [tilespmem:s28+$0x20];
	[tilespmem:v43+s19+$0x0] =	vst.idx.msk $0xffff, v40  }
0x147: {  	v42 =	vmov s2;
	v2 =	vmov s31;
	v49 =	vmul.f32 $8.000000000e+00, v49;
	v17 =	vld [tilespmem:$0x1FFB0];
	[tilespmem:v52+s19+$0x0] =	vst.idx.msk $0xffff, v38  }
0x148: {  	v59 =	vshrl.u32 v42, $0x3;
	v42 =	vshrl.u32 v2, $0x3;
	v2 =	vmul.f32 $8.000000000e+00, v54;
	v22 =	vld [tilespmem:$0x1FEF0]  }
0x149: {  	v0 =	vshrl.u32 v0, $0x3;
	v62 =	vld [tilespmem:s28+$0x60];
	[tilespmem:v53+s19+$0x0] =	vst.idx.msk $0xffff, v49  }
0x14a: {  	v0 =	vshll.u32 v0, v1;
	v48 =	vadd.s32 v27, v37;
	v40 =	vld [tilespmem:s28+$0xA0];
	[tilespmem:v51+s19+$0x0] =	vst.idx.msk $0xffff, v2  }
0x14b: {  	v29 =	vmov v26;
	v38 =	vbroadcast v0, $0x0;
	v0 =	vmul.f32 $8.000000000e+00, v55;
	v26 =	vld [tilespmem:$0x1FF10]  }
0x14c: {  	v50 =	vshrl.u32 v50, $0x3;
	v54 =	vadd.s32 v17, v36;
	v2 =	vmul.f32 $8.000000000e+00, v56;
	v56 =	vld [tilespmem:s28+$0xF0]  }
0x14d: {  	v46 =	vshrl.u32 v44, $0x3;
	v44 =	vshll.u32 v50, v1;
	v50 =	vld [tilespmem:s28+$0xFFFFFF30];
	[tilespmem:v58+s19+$0x0] =	vst.idx.msk $0xffff, v0;
	v63 =	vadd.s32 v22, v35  }
0x14e: {  	v30 =	vld [tilespmem:$0x1FF30]  }
0x14f: {  	v0 =	vmul.f32 $8.000000000e+00, v60;
	v52 =	vld [tilespmem:s28+$0xFFFFFF70];
	[tilespmem:v48+s19+$0x0] =	vst.idx.msk $0xffff, v2  }
0x150: {  	v31 =	vmov v21;
	v2 =	vmul.f32 $8.000000000e+00, v61;
	v21 =	vld [tilespmem:$0x1FF50]  }
0x151: {  	v49 =	vld [tilespmem:s28+$0xFFFFFFB0];
	[tilespmem:v54+s19+$0x0] =	vst.idx.msk $0xffff, v0  }
0x152: {  	v54 =	vld [tilespmem:s28+$0xFFFFFFF0];
	[tilespmem:v63+s19+$0x0] =	vst.idx.msk $0xffff, v2  }
0x153: {  	v5 =	vmov v18;
	v47 =	vshrl.u32 v47, $0x3;
	v18 =	vld [tilespmem:$0x1FED0]  }
0x154: {  	v13 =	vmov v27;
	v47 =	vshll.u32 v47, v1;
	v45 =	vshll.u32 v57, v1;
	v28 =	vld [tilespmem:$0x1FEB0]  }
0x155: {  	v8 =	vmovc v6;
	v55 =	vadd.s32 v26, v33;
	v53 =	vadd.s32 v21, v41;
	v41 =	vadd.s32 v10, v14;
	v14 =	vld [tilespmem:$0x1FF90]  }
0x156: {  	v6 =	vmovc v19;
	v46 =	vshll.u32 v46, v1;
	v43 =	vshll.u32 v59, v1;
	v48 =	vadd.s32 v19, v39;
	v20 =	vld [tilespmem:$0x1FF80]  }
0x157: {  	s30 =	simm.s32 $0xF;
	s29 =	simm.s32 $0x10;
	v27 =	vmovc v4;
	v4 =	vmovc v3;
	v39 =	vmul.f32 $8.000000000e+00, v62;
	v40 =	vmul.f32 $8.000000000e+00, v40;
	v51 =	vadd.s32 v30, v34;
	v19 =	vld [tilespmem:$0x1FFA0]  }
.LBB2_9:
0x158: {  	_ = 	snop  }
0x159: {  	v0 =	vmov s30;
	v2 =	vadd.s32 v18, v37;
	v59 =	vld [tilespmem:s28+$0x30]  }
0x15a: {  	[tilespmem:v55+s19+$0x0] =	vst.idx.msk $0xffff, v39;
	v0 =	vshrl.u32 v0, $0x3  }
0x15b: {  	v35 =	vadd.s32 v14, v35;
	v0 =	vshll.u32 v0, v1;
	v62 =	vmul.f32 $8.000000000e+00, v56;
	v56 =	vld [tilespmem:s28+$0x70]  }
0x15c: {  	[tilespmem:v51+s19+$0x0] =	vst.idx.msk $0xffff, v40;
	v40 =	vbroadcast v0, $0x0;
	v0 =	vmul.f32 $8.000000000e+00, v49  }
0x15d: {  	v33 =	vadd.s32 v20, v33;
	v3 =	vld [tilespmem:$0x1FEE0];
	v63 =	vmul.f32 $8.000000000e+00, v50  }
0x15e: {  	[tilespmem:v2+s19+$0x0] =	vst.idx.msk $0xffff, v0;
	v0 =	vmul.f32 $8.000000000e+00, v59  }
0x15f: {  	v58 =	vld [tilespmem:s28+$0xB0];
	s28 =	sadd.s32 $0x200, s28;
	[tilespmem:v48+s19+$0x0] =	vst.idx.msk $0xffff, v63  }
0x160: {  	v36 =	vadd.s32 v28, v36;
	v39 =	vmovc v38;
	v38 =	vld [tilespmem:s28+$0xFFFFFF00];
	[tilespmem:v35+s19+$0x0] =	vst.idx.msk $0xffff, v0;
	v35 =	vbroadcast v46, $0x0;
	v59 =	vmul.f32 $8.000000000e+00, v56  }
0x161: {  	v57 =	vmul.f32 $8.000000000e+00, v52;
	[tilespmem:v53+s19+$0x0] =	vst.idx.msk $0xffff, v62  }
0x162: {  	v2 =	vadd.s32 v4, v39;
	[tilespmem:v33+s19+$0x0] =	vst.idx.msk $0xffff, v59;
	v33 =	vbroadcast v43, $0x0;
	v43 =	vadd.s32 v3, v35;
	v3 =	vld [tilespmem:$0x1FF00]  }
0x163: {  	v60 =	vmul.f32 $8.000000000e+00, v54;
	[tilespmem:v41+s19+$0x0] =	vst.idx.msk $0xffff, v57;
	v53 =	vld [tilespmem:s28+$0xC0]  }
0x164: {  	v34 =	vadd.s32 v19, v34;
	v49 =	vld [tilespmem:s28+$0xFFFFFF40]  }
0x165: {  	v61 =	vadd.s32 v32, v40;
	v41 =	vbroadcast v47, $0x0;
	[tilespmem:v36+s19+$0x0] =	vst.idx.msk $0xffff, v60;
	v62 =	vld [tilespmem:s28+$0xFFFFFF80];
	v38 =	vmul.f32 $8.000000000e+00, v38  }
0x166: {  	v37 =	vbroadcast v44, $0x0;
	v36 =	vbroadcast v45, $0x0;
	v63 =	vld [tilespmem:s28+$0xFFFFFFC0]  }
0x167: {  	v60 =	vadd.s32 v7, v41;
	v0 =	vmul.f32 $8.000000000e+00, v58;
	[tilespmem:v2+s19+$0x0] =	vst.idx.msk $0xffff, v38;
	v38 =	vadd.s32 v3, v33;
	v3 =	vld [tilespmem:$0x1FF20]  }
0x168: {  	v45 =	vadd.s32 v11, v37;
	v56 =	vld [tilespmem:s28+$0x0];
	v57 =	vmul.f32 $8.000000000e+00, v53  }
0x169: {  	v42 =	vshll.u32 v42, v1;
	v58 =	vadd.s32 v15, v36;
	[tilespmem:v34+s19+$0x0] =	vst.idx.msk $0xffff, v0;
	v59 =	vld [tilespmem:s28+$0x40]  }
0x16a: {  	s0 =	sadd.s32 $0x1, s29;
	s2 =	sadd.s32 $0x3, s29;
	v34 =	vbroadcast v42, $0x0;
	v0 =	vmul.f32 $8.000000000e+00, v49;
	v49 =	vld [tilespmem:s28+$0x80];
	[tilespmem:v61+s19+$0x0] =	vst.idx.msk $0xffff, v57  }
0x16b: {  	s31 =	sadd.s32 $0x2, s29;
	v44 =	vmov s2;
	v50 =	vmov s0;
	v2 =	vmul.f32 $8.000000000e+00, v62;
	v46 =	vld [tilespmem:s28+$0xD0]  }
0x16c: {  	v52 =	vmov s31;
	[tilespmem:v60+s19+$0x0] =	vst.idx.msk $0xffff, v0;
	v0 =	vmul.f32 $8.000000000e+00, v63;
	v62 =	vld [tilespmem:s28+$0xFFFFFF10];
	v63 =	vadd.s32 v3, v34  }
0x16d: {  	v61 =	vmov s29;
	v60 =	vld [tilespmem:s28+$0xFFFFFF50];
	[tilespmem:v45+s19+$0x0] =	vst.idx.msk $0xffff, v2;
	v2 =	vmul.f32 $8.000000000e+00, v56;
	v45 =	vadd.s32 v24, v40  }
0x16e: {  	v54 =	vadd.s32 v23, v39;
	v42 =	vshrl.u32 v61, $0x3;
	[tilespmem:v58+s19+$0x0] =	vst.idx.msk $0xffff, v0;
	v61 =	vld [tilespmem:s28+$0xFFFFFF90];
	v0 =	vmul.f32 $8.000000000e+00, v59  }
0x16f: {  	v50 =	vshrl.u32 v50, $0x3;
	v53 =	vadd.s32 v8, v41;
	v56 =	vld [tilespmem:s28+$0xFFFFFFD0];
	[tilespmem:v43+s19+$0x0] =	vst.idx.msk $0xffff, v2;
	v2 =	vmul.f32 $8.000000000e+00, v49  }
0x170: {  	v52 =	vshrl.u32 v52, $0x3;
	v49 =	vadd.s32 v12, v37;
	v57 =	vld [tilespmem:s28+$0x10];
	[tilespmem:v38+s19+$0x0] =	vst.idx.msk $0xffff, v0;
	v0 =	vmul.f32 $8.000000000e+00, v46  }
0x171: {  	v47 =	vadd.s32 v16, v36;
	v48 =	vadd.s32 v9, v41;
	v62 =	vmul.f32 $8.000000000e+00, v62;
	v58 =	vld [tilespmem:s28+$0x50];
	[tilespmem:v63+s19+$0x0] =	vst.idx.msk $0xffff, v2  }
0x172: {  	s31 =	sadd.s32 $0x4, s29;
	v41 =	vadd.s32 v10, v41;
	[tilespmem:v45+s19+$0x0] =	vst.idx.msk $0xffff, v0;
	v63 =	vmul.f32 $8.000000000e+00, v60;
	v60 =	vadd.s32 v25, v35;
	v59 =	vld [tilespmem:s28+$0x90]  }
0x173: {  	v43 =	vmov s31;
	[tilespmem:v54+s19+$0x0] =	vst.idx.msk $0xffff, v62;
	v61 =	vmul.f32 $8.000000000e+00, v61;
	v45 =	vadd.s32 v31, v33;
	v46 =	vld [tilespmem:s28+$0xE0]  }
0x174: {  	s2 =	sadd.s32 $0x5, s29;
	v43 =	vshrl.u32 v43, $0x3;
	v62 =	vmul.f32 $8.000000000e+00, v56;
	v54 =	vld [tilespmem:s28+$0xFFFFFF20];
	[tilespmem:v53+s19+$0x0] =	vst.idx.msk $0xffff, v63;
	v53 =	vadd.s32 v29, v34  }
0x175: {  	v38 =	vmov s2;
	[tilespmem:v49+s19+$0x0] =	vst.idx.msk $0xffff, v61;
	v49 =	vadd.s32 v27, v40;
	v63 =	vmul.f32 $8.000000000e+00, v57;
	v55 =	vld [tilespmem:s28+$0xFFFFFF60]  }
0x176: {  	s31 =	sadd.s32 $0x6, s29;
	[tilespmem:v47+s19+$0x0] =	vst.idx.msk $0xffff, v62;
	v56 =	vld [tilespmem:s28+$0xFFFFFFA0];
	v47 =	vmul.f32 $8.000000000e+00, v58;
	v57 =	vshrl.u32 v44, $0x3;
	v44 =	vadd.s32 v5, v39  }
0x177: {  	v0 =	vshll.u32 v42, v1;
	v2 =	vmov s31;
	v58 =	vld [tilespmem:s28+$0xFFFFFFE0];
	[tilespmem:v60+s19+$0x0] =	vst.idx.msk $0xffff, v63;
	v51 =	vmul.f32 $8.000000000e+00, v59  }
0x178: {  	v42 =	vshrl.u32 v2, $0x3;
	[tilespmem:v45+s19+$0x0] =	vst.idx.msk $0xffff, v47;
	v45 =	vmul.f32 $8.000000000e+00, v46;
	v60 =	vadd.s32 v13, v37;
	v61 =	vld [tilespmem:s28+$0x20]  }
0x179: {  	v2 =	vmul.f32 $8.000000000e+00, v54;
	v54 =	vadd.s32 v17, v36;
	v62 =	vld [tilespmem:s28+$0x60];
	v63 =	vadd.s32 v22, v35;
	[tilespmem:v53+s19+$0x0] =	vst.idx.msk $0xffff, v51  }
0x17a: {  	p0 =	slt.u32 s29, $0x78;
	[tilespmem:v49+s19+$0x0] =	vst.idx.msk $0xffff, v45;
	v59 =	vshrl.u32 v38, $0x3;
	v38 =	vbroadcast v0, $0x0;
	v0 =	vmul.f32 $8.000000000e+00, v55;
	v3 =	vld [tilespmem:s28+$0xA0]  }
.Ltmp3:
0x17b: {  	v47 =	vshll.u32 v50, v1;
	v46 =	vshll.u32 v43, v1;
	[tilespmem:v44+s19+$0x0] =	vst.idx.msk $0xffff, v2;
	v2 =	vmul.f32 $8.000000000e+00, v56;
	v56 =	vld [tilespmem:s28+$0xF0];
	(pc) =	sbr.rel @p0 .LBB2_9-.Ltmp3, $4  }
0x17c: {  	v45 =	vshll.u32 v57, v1;
	v44 =	vshll.u32 v52, v1;
	v50 =	vld [tilespmem:s28+$0xFFFFFF30];
	[tilespmem:v48+s19+$0x0] =	vst.idx.msk $0xffff, v0;
	v0 =	vmul.f32 $8.000000000e+00, v58  }
0x17d: {  	v43 =	vshll.u32 v59, v1;
	v55 =	vadd.s32 v26, v33;
	[tilespmem:v60+s19+$0x0] =	vst.idx.msk $0xffff, v2;
	v52 =	vld [tilespmem:s28+$0xFFFFFF70];
	v2 =	vmul.f32 $8.000000000e+00, v61  }
0x17e: {  	v51 =	vadd.s32 v30, v34;
	v53 =	vadd.s32 v21, v40;
	v49 =	vld [tilespmem:s28+$0xFFFFFFB0];
	[tilespmem:v54+s19+$0x0] =	vst.idx.msk $0xffff, v0  }
0x17f: {  	s30 =	sadd.s32 $0x7, s29;
	s29 =	sadd.s32 $0x8, s29;
	v48 =	vadd.s32 v6, v39;
	v39 =	vmul.f32 $8.000000000e+00, v62;
	v54 =	vld [tilespmem:s28+$0xFFFFFFF0];
	[tilespmem:v63+s19+$0x0] =	vst.idx.msk $0xffff, v2;
	v40 =	vmul.f32 $8.000000000e+00, v3  }
0x180: {  	_ =	sdelay $0x3  }
0x181: {  	v0 =	vmov s30;
	v2 =	vadd.s32 v18, v37;
	v3 =	vld [tilespmem:s28+$0x30];
	v60 =	vmul.f32 $8.000000000e+00, v56;
	[tilespmem:v55+s19+$0x0] =	vst.idx.msk $0xffff, v39  }
0x182: {  	v36 =	vadd.s32 v28, v36;
	v0 =	vshrl.u32 v0, $0x3;
	v61 =	vmul.f32 $8.000000000e+00, v50;
	[tilespmem:v51+s19+$0x0] =	vst.idx.msk $0xffff, v40;
	v50 =	vld [tilespmem:s28+$0x70]  }
0x183: {  	v35 =	vadd.s32 v14, v35;
	v0 =	vshll.u32 v0, v1;
	v62 =	vmul.f32 $8.000000000e+00, v52;
	v51 =	vld [tilespmem:s28+$0xB0];
	[tilespmem:v53+s19+$0x0] =	vst.idx.msk $0xffff, v60;
	s28 =	sadd.s32 $0x200, s28  }
0x184: {  	v33 =	vadd.s32 v20, v33;
	v37 =	vld [tilespmem:s28+$0xC0];
	v0 =	vbroadcast v0, $0x0;
	[tilespmem:v48+s19+$0x0] =	vst.idx.msk $0xffff, v61;
	v63 =	vmul.f32 $8.000000000e+00, v49  }
0x185: {  	v34 =	vadd.s32 v19, v34;
	v57 =	vld [tilespmem:s28+$0xFFFFFF00];
	[tilespmem:v41+s19+$0x0] =	vst.idx.msk $0xffff, v62;
	v58 =	vmul.f32 $8.000000000e+00, v54  }
0x186: {  	v47 =	vbroadcast v47, $0x0;
	v59 =	vld [tilespmem:s28+$0xFFFFFF40];
	v60 =	vadd.s32 v32, v0;
	[tilespmem:v2+s19+$0x0] =	vst.idx.msk $0xffff, v63;
	v2 =	vmul.f32 $8.000000000e+00, v3  }
0x187: {  	v3 =	vadd.s32 v4, v38;
	[tilespmem:v36+s19+$0x0] =	vst.idx.msk $0xffff, v58;
	v62 =	vmul.f32 $8.000000000e+00, v50  }
0x188: {  	v40 =	vadd.s32 v7, v47;
	[tilespmem:v35+s19+$0x0] =	vst.idx.msk $0xffff, v2;
	v2 =	vmul.f32 $8.000000000e+00, v51  }
0x189: {  	v63 =	vld [tilespmem:s28+$0xFFFFFFC0];
	v37 =	vmul.f32 $8.000000000e+00, v37;
	[tilespmem:v33+s19+$0x0] =	vst.idx.msk $0xffff, v62  }
0x18a: {  	v52 =	vmul.f32 $8.000000000e+00, v57;
	[tilespmem:v34+s19+$0x0] =	vst.idx.msk $0xffff, v2  }
0x18b: {  	v2 =	vmul.f32 $8.000000000e+00, v59;
	v57 =	vld [tilespmem:$0x1FEE0];
	[tilespmem:v60+s19+$0x0] =	vst.idx.msk $0xffff, v37  }
0x18c: {  	v61 =	vld [tilespmem:s28+$0xFFFFFF80];
	[tilespmem:v3+s19+$0x0] =	vst.idx.msk $0xffff, v52  }
0x18d: {  	v44 =	vbroadcast v44, $0x0;
	v60 =	vld [tilespmem:$0x1FF00];
	[tilespmem:v40+s19+$0x0] =	vst.idx.msk $0xffff, v2  }
0x18e: {  	v45 =	vbroadcast v45, $0x0;
	v2 =	vmul.f32 $8.000000000e+00, v63;
	v63 =	vld [tilespmem:$0x1FF20]  }
0x18f: {  	v46 =	vbroadcast v46, $0x0;
	v35 =	vadd.s32 v11, v44;
	v51 =	vld [tilespmem:s28+$0x0]  }
0x190: {  	v42 =	vshll.u32 v42, v1;
	v43 =	vbroadcast v43, $0x0;
	v55 =	vld [tilespmem:s28+$0x40];
	v54 =	vadd.s32 v15, v45  }
0x191: {  	v42 =	vbroadcast v42, $0x0;
	v59 =	vld [tilespmem:s28+$0x80];
	v58 =	vadd.s32 v57, v46  }
0x192: {  	v3 =	vmul.f32 $8.000000000e+00, v61;
	v62 =	vld [tilespmem:s28+$0xFFFFFF10];
	v61 =	vadd.s32 v60, v43  }
0x193: {  	v37 =	vld [tilespmem:s28+$0xD0];
	v40 =	vadd.s32 v63, v42  }
0x194: {  	v50 =	vadd.s32 v23, v38;
	v49 =	vld [tilespmem:s28+$0xFFFFFF50];
	[tilespmem:v35+s19+$0x0] =	vst.idx.msk $0xffff, v3;
	v3 =	vmul.f32 $8.000000000e+00, v51  }
0x195: {  	v35 =	vadd.s32 v24, v0;
	v51 =	vld [tilespmem:s28+$0xFFFFFF90];
	[tilespmem:v54+s19+$0x0] =	vst.idx.msk $0xffff, v2;
	v2 =	vmul.f32 $8.000000000e+00, v55  }
0x196: {  	v56 =	vmovc v20;
	v20 =	vmov v15;
	v36 =	vadd.s32 v8, v47;
	v15 =	vld [tilespmem:s28+$0xFFFFFFD0];
	[tilespmem:v58+s19+$0x0] =	vst.idx.msk $0xffff, v3;
	v3 =	vmul.f32 $8.000000000e+00, v59  }
0x197: {  	v52 =	vadd.s32 v12, v44;
	v57 =	vmul.f32 $8.000000000e+00, v62;
	v55 =	vld [tilespmem:s28+$0x10];
	[tilespmem:v61+s19+$0x0] =	vst.idx.msk $0xffff, v2  }
0x198: {  	v58 =	vadd.s32 v16, v45;
	v2 =	vmul.f32 $8.000000000e+00, v37;
	v59 =	vld [tilespmem:s28+$0x50];
	[tilespmem:v40+s19+$0x0] =	vst.idx.msk $0xffff, v3  }
0x199: {  	[tilespmem:v50+s19+$0x0] =	vst.idx.msk $0xffff, v57;
	v61 =	vadd.s32 v25, v46;
	v3 =	vmul.f32 $8.000000000e+00, v49;
	v62 =	vld [tilespmem:s28+$0x90]  }
0x19a: {  	v63 =	vadd.s32 v31, v43;
	v50 =	vld [tilespmem:s28+$0xFFFFFF20];
	[tilespmem:v35+s19+$0x0] =	vst.idx.msk $0xffff, v2;
	v2 =	vmul.f32 $8.000000000e+00, v51  }
0x19b: {  	v35 =	vld [tilespmem:s28+$0xE0];
	[tilespmem:v36+s19+$0x0] =	vst.idx.msk $0xffff, v3;
	v3 =	vmul.f32 $8.000000000e+00, v15;
	v36 =	vadd.s32 v29, v42  }
0x19c: {  	v41 =	vadd.s32 v5, v38;
	v48 =	vld [tilespmem:s28+$0xFFFFFF60];
	[tilespmem:v52+s19+$0x0] =	vst.idx.msk $0xffff, v2;
	v2 =	vmul.f32 $8.000000000e+00, v55  }
0x19d: {  	v34 =	vadd.s32 v27, v0;
	v51 =	vld [tilespmem:s28+$0xFFFFFFA0];
	[tilespmem:v58+s19+$0x0] =	vst.idx.msk $0xffff, v3;
	v3 =	vmul.f32 $8.000000000e+00, v59  }
0x19e: {  	v37 =	vadd.s32 v9, v47;
	v39 =	vld [tilespmem:s28+$0xFFFFFFE0];
	[tilespmem:v61+s19+$0x0] =	vst.idx.msk $0xffff, v2;
	v2 =	vmul.f32 $8.000000000e+00, v62  }
0x19f: {  	v54 =	vmovc v8;
	v8 =	vmov v12;
	v40 =	vadd.s32 v13, v44;
	v12 =	vmul.f32 $8.000000000e+00, v50;
	v49 =	vld [tilespmem:s28+$0x20];
	[tilespmem:v63+s19+$0x0] =	vst.idx.msk $0xffff, v3  }
0x1a0: {  	v58 =	vmov v13;
	v13 =	vadd.s32 v17, v45;
	v3 =	vmul.f32 $8.000000000e+00, v35;
	v15 =	vld [tilespmem:s28+$0x60];
	[tilespmem:v36+s19+$0x0] =	vst.idx.msk $0xffff, v2  }
0x1a1: {  	v55 =	vadd.s32 v22, v46;
	[tilespmem:v41+s19+$0x0] =	vst.idx.msk $0xffff, v12;
	v2 =	vmul.f32 $8.000000000e+00, v48;
	v57 =	vld [tilespmem:s28+$0xA0]  }
0x1a2: {  	v59 =	vadd.s32 v26, v43;
	v41 =	vld [tilespmem:s28+$0xFFFFFF30];
	[tilespmem:v34+s19+$0x0] =	vst.idx.msk $0xffff, v3;
	v3 =	vmul.f32 $8.000000000e+00, v51  }
0x1a3: {  	v62 =	vadd.s32 v30, v42;
	v34 =	vld [tilespmem:s28+$0xF0];
	[tilespmem:v37+s19+$0x0] =	vst.idx.msk $0xffff, v2;
	v2 =	vmul.f32 $8.000000000e+00, v39  }
0x1a4: {  	v12 =	vadd.s32 v6, v38;
	v63 =	vld [tilespmem:s28+$0xFFFFFF70];
	[tilespmem:v40+s19+$0x0] =	vst.idx.msk $0xffff, v3;
	v3 =	vmul.f32 $8.000000000e+00, v49  }
0x1a5: {  	v0 =	vadd.s32 v21, v0;
	v40 =	vld [tilespmem:s28+$0xFFFFFFB0];
	[tilespmem:v13+s19+$0x0] =	vst.idx.msk $0xffff, v2;
	v2 =	vmul.f32 $8.000000000e+00, v15  }
0x1a6: {  	v13 =	vadd.s32 v10, v47;
	v15 =	vld [tilespmem:s28+$0xFFFFFFF0];
	[tilespmem:v55+s19+$0x0] =	vst.idx.msk $0xffff, v3;
	v3 =	vmul.f32 $8.000000000e+00, v57  }
0x1a7: {  	v48 =	vadd.s32 v18, v44;
	v51 =	vmul.f32 $8.000000000e+00, v41;
	v49 =	vld [tilespmem:s28+$0x30];
	[tilespmem:v59+s19+$0x0] =	vst.idx.msk $0xffff, v2  }
0x1a8: {  	v55 =	vadd.s32 v28, v45;
	v2 =	vmul.f32 $8.000000000e+00, v34;
	v57 =	vld [tilespmem:s28+$0x70];
	[tilespmem:v62+s19+$0x0] =	vst.idx.msk $0xffff, v3  }
0x1a9: {  	[tilespmem:v12+s19+$0x0] =	vst.idx.msk $0xffff, v51;
	v59 =	vadd.s32 v14, v46;
	v3 =	vmul.f32 $8.000000000e+00, v63;
	v62 =	vld [tilespmem:s28+$0xB0]  }
0x1aa: {  	v53 =	vmov v19;
	[tilespmem:v0+s19+$0x0] =	vst.idx.msk $0xffff, v2;
	v0 =	vmul.f32 $8.000000000e+00, v40;
	v2 =	vadd.s32 v56, v43  }
0x1ab: {  	v63 =	vadd.s32 v53, v42;
	[tilespmem:v13+s19+$0x0] =	vst.idx.msk $0xffff, v3;
	v3 =	vmul.f32 $8.000000000e+00, v15  }
0x1ac: {  	[tilespmem:v48+s19+$0x0] =	vst.idx.msk $0xffff, v0;
	v0 =	vmul.f32 $8.000000000e+00, v49  }
0x1ad: {  	[tilespmem:v55+s19+$0x0] =	vst.idx.msk $0xffff, v3;
	v3 =	vmul.f32 $8.000000000e+00, v57  }
0x1ae: {  	[tilespmem:v59+s19+$0x0] =	vst.idx.msk $0xffff, v0;
	v0 =	vmul.f32 $8.000000000e+00, v62  }
0x1af: {  	[tilespmem:v2+s19+$0x0] =	vst.idx.msk $0xffff, v3  }
0x1b0: {  	s0 =	sadd.s32 $0x180, s25;
	[tilespmem:v63+s19+$0x0] =	vst.idx.msk $0xffff, v0  }
0x1b1: {  	[tilespmem:s15], [sflag:$0x2] =	stream.indirect.gather [hbm4b:s4+s11], $0x40, s0, s11, $0xb8;
	[tilespmem:$0xE800] =	vst v63  }
0x1b2: {  	s2 =	sadd.s32 s26, s7;
	s31 =	simm.s32 $0xC600  }
0x1b3: {  	[hbm4b:s2+s3] =	stream.linear.scatter [tilespmem:s31], [sflag:$0x4], $0x80, $0x38;
	[tilespmem:$0xE800] =	vst v63  }
0x1b4: {  	s25 =	simm.s32 $0xC688;
	s26 =	sadd.s32 $0x10, s2  }
0x1b5: {  	[hbm4b:s26+s3] =	stream.linear.scatter [tilespmem:s25], [sflag:$0x4], $0x80, $0x38;
	[tilespmem:$0xE800] =	vst v63  }
0x1b6: {  	s30 =	simm.s32 $0xC710;
	s29 =	simm.s32 $0xC9B8;
	s31 =	sadd.s32 $0x20, s2  }
0x1b7: {  	[hbm4b:s31+s3] =	stream.linear.scatter [tilespmem:s30], [sflag:$0x4], $0x80, $0x38;
	[tilespmem:$0xE800] =	vst v63  }
0x1b8: {  	s28 =	simm.s32 $0x2200;
	s25 =	simm.s32 $0xC798;
	s26 =	sadd.s32 $0x30, s2  }
0x1b9: {  	[hbm4b:s26+s3] =	stream.linear.scatter [tilespmem:s25], [sflag:$0x4], $0x80, $0x38;
	[tilespmem:$0xE800] =	vst v63  }
0x1ba: {  	s0 =	sadd.s32 $0x70, s2;
	s30 =	simm.s32 $0xC820;
	s31 =	sadd.s32 $0x40, s2  }
0x1bb: {  	[hbm4b:s31+s3] =	stream.linear.scatter [tilespmem:s30], [sflag:$0x4], $0x80, $0x38;
	[tilespmem:$0xE800] =	vst v63  }
0x1bc: {  	s25 =	simm.s32 $0xC8A8;
	s26 =	sadd.s32 $0x50, s2;
	s30 =	simm.s32 $0xC930  }
0x1bd: {  	v19 =	vmov v11;
	v32 =	vmov v7;
	v21 =	vmov v25;
	[hbm4b:s26+s3] =	stream.linear.scatter [tilespmem:s25], [sflag:$0x4], $0x80, $0x38;
	[tilespmem:$0xE800] =	vst v63  }
0x1be: {  	v60 =	vmovc v16;
	v50 =	vmovc v10;
	v52 =	vmov v5;
	v22 =	vmov v14;
	v26 =	vmov v31;
	s31 =	sadd.s32 $0x60, s2;
	s25 =	simm.s32 $0x440;
	s26 =	sadd.s32 $0x1000, s2  }
0x1bf: {  	v61 =	vmovc v17;
	v30 =	vmovc v53;
	v62 =	vmov v27;
	v63 =	vmov v23;
	v23 =	vmov v56;
	[hbm4b:s31+s3] =	stream.linear.scatter [tilespmem:s30], [sflag:$0x4], $0x80, $0x38;
	[tilespmem:$0xE800] =	vst v63  }
.LBB2_11:
0x1c0: {  	[hbm4b:s0+s3] =	stream.linear.scatter [tilespmem:s29], [sflag:$0x4], $0x80, $0x38;
	[tilespmem:$0xE800] =	vst v63  }
0x1c1: {  	s0 =	smov.u32 s25;
	s2 =	smov.u32 s28  }
0x1c2: {  	s25 =	sshra.s32 s2, $0x2;
	s2 =	sadd.s32 $0x1100, s28;
	s29 =	sadd.s32 $0xC600, s0  }
0x1c3: {  	[hbm4b:s26+s3] =	stream.linear.scatter [tilespmem:s29], [sflag:$0x4], $0x80, $0x38;
	[tilespmem:$0xE800] =	vst v63  }
0x1c4: {  	p0 =	sne.s32 s28, $0x7700;
	s28 =	sadd.s32 $0xC688, s0;
	s29 =	sadd.s32 $0x10, s26  }
0x1c5: {  	[hbm4b:s29+s3] =	stream.linear.scatter [tilespmem:s28], [sflag:$0x4], $0x80, $0x38;
	[tilespmem:$0xE800] =	vst v63  }
0x1c6: {  	s28 =	sadd.s32 $0xC710, s0;
	s29 =	sadd.s32 $0x20, s26  }
0x1c7: {  	[hbm4b:s29+s3] =	stream.linear.scatter [tilespmem:s28], [sflag:$0x4], $0x80, $0x38;
	[tilespmem:$0xE800] =	vst v63  }
0x1c8: {  	s28 =	sadd.s32 $0xC798, s0;
	s29 =	sadd.s32 $0x30, s26  }
0x1c9: {  	[hbm4b:s29+s3] =	stream.linear.scatter [tilespmem:s28], [sflag:$0x4], $0x80, $0x38;
	[tilespmem:$0xE800] =	vst v63  }
0x1ca: {  	s28 =	sadd.s32 $0xC820, s0;
	s29 =	sadd.s32 $0x40, s26  }
0x1cb: {  	[hbm4b:s29+s3] =	stream.linear.scatter [tilespmem:s28], [sflag:$0x4], $0x80, $0x38;
	[tilespmem:$0xE800] =	vst v63  }
0x1cc: {  	s28 =	sadd.s32 $0xC8A8, s0;
	s29 =	sadd.s32 $0x50, s26  }
0x1cd: {  	[hbm4b:s29+s3] =	stream.linear.scatter [tilespmem:s28], [sflag:$0x4], $0x80, $0x38;
	[tilespmem:$0xE800] =	vst v63  }
.Ltmp4:
0x1ce: {  	_ = 	snop;
	(pc) =	sbr.rel @p0 .LBB2_11-.Ltmp4, $4  }
0x1cf: {  	s28 =	sadd.s32 $0xC930, s0;
	s29 =	sadd.s32 $0x60, s26  }
0x1d0: {  	[hbm4b:s29+s3] =	stream.linear.scatter [tilespmem:s28], [sflag:$0x4], $0x80, $0x38;
	[tilespmem:$0xE800] =	vst v63  }
0x1d1: {  	s29 =	sadd.s32 $0xC9B8, s0  }
0x1d2: {  	s0 =	sadd.s32 $0x70, s26;
	s26 =	sadd.s32 $0x1000, s26;
	s28 =	smov.u32 s2  }
0x1d3: {  	[hbm4b:s0+s3] =	stream.linear.scatter [tilespmem:s29], [sflag:$0x4], $0x80, $0x38;
	[tilespmem:$0xE800] =	vst v63  }
0x1d4: {  	s30 =	sadd.s32 $0xC600, s25  }
0x1d5: {  	[hbm4b:s26+s3] =	stream.linear.scatter [tilespmem:s30], [sflag:$0x4], $0x80, $0x38;
	[tilespmem:$0xE800] =	vst v63  }
0x1d6: {  	s31 =	sadd.s32 $0xC688, s25;
	s2 =	sadd.s32 $0x10, s26  }
0x1d7: {  	[hbm4b:s2+s3] =	stream.linear.scatter [tilespmem:s31], [sflag:$0x4], $0x80, $0x38;
	[tilespmem:$0xE800] =	vst v63  }
0x1d8: {  	s28 =	sadd.s32 $0xC710, s25;
	s29 =	sadd.s32 $0x20, s26  }
0x1d9: {  	[hbm4b:s29+s3] =	stream.linear.scatter [tilespmem:s28], [sflag:$0x4], $0x80, $0x38;
	[tilespmem:$0xE800] =	vst v63  }
0x1da: {  	s30 =	sadd.s32 $0xC798, s25;
	s31 =	sadd.s32 $0x30, s26  }
0x1db: {  	[hbm4b:s31+s3] =	stream.linear.scatter [tilespmem:s30], [sflag:$0x4], $0x80, $0x38;
	[tilespmem:$0xE800] =	vst v63  }
0x1dc: {  	s24 =	sadd.s32 $0x1, s24;
	s28 =	sadd.s32 $0xC820, s25;
	s29 =	sadd.s32 $0x40, s26  }
0x1dd: {  	[hbm4b:s29+s3] =	stream.linear.scatter [tilespmem:s28], [sflag:$0x4], $0x80, $0x38;
	[tilespmem:$0xE800] =	vst v63  }
0x1de: {  	p0 =	sne.s32 s24, $0x63;
	s30 =	sadd.s32 $0xC8A8, s25;
	s31 =	sadd.s32 $0x50, s26  }
0x1df: {  	v3 =	vld [tilespmem:$0x1FEC0];
	[hbm4b:s31+s3] =	stream.linear.scatter [tilespmem:s30], [sflag:$0x4], $0x80, $0x38  }
.Ltmp5:
0x1e0: {  	v31 =	vld [tilespmem:$0x1FED0];
	(pc) =	sbr.rel @p0 .LBB2_4-.Ltmp5, $4  }
0x1e1: {  	v7 =	vld [tilespmem:$0x1FEE0];
	s28 =	sadd.s32 $0xC930, s25;
	s29 =	sadd.s32 $0x60, s26  }
0x1e2: {  	v6 =	vmov v32;
	v32 =	vld [tilespmem:$0x1FF00];
	[hbm4b:s29+s3] =	stream.linear.scatter [tilespmem:s28], [sflag:$0x4], $0x80, $0x38  }
0x1e3: {  	v5 =	vmovc v52;
	v9 =	vmov v54;
	v10 =	vmov v50;
	v11 =	vmov v19;
	v27 =	vld [tilespmem:$0x1FF20];
	s30 =	sadd.s32 $0xC9B8, s25;
	s31 =	sadd.s32 $0x70, s26  }
0x1e4: {  	v12 =	vmovc v8;
	v13 =	vmovc v58;
	v15 =	vmov v20;
	v16 =	vmov v60;
	v17 =	vmov v61;
	v14 =	vld [tilespmem:$0x1FF40];
	[hbm4b:s31+s3] =	stream.linear.scatter [tilespmem:s30], [sflag:$0x4], $0x80, $0x38  }
0x1e5: {  	_ =	swait.ge [sflag:s16], $0x2000;
	s0 =	simm.s32 $0x0;
	s28 =	simm.s32 $0x1  }
0x1e6: {  	s2 =	simm.s32 $0x2;
	s23 =	simm.s32 $0x3;
	s29 =	simm.s32 $0x4;
	v0 =	vmov s0  }
0x1e7: {  	v4 =	vmovc v3;
	s30 =	simm.s32 $0x5;
	s31 =	simm.s32 $0x6;
	[sflag:s16] =	ssyncset.done $0x0;
	v2 =	vmov s28;
	v3 =	vmov s2;
	v33 =	vmov s23  }
0x1e8: {  	v34 =	vmov s29;
	v35 =	vmov s30;
	v36 =	vmov s31;
	s23 =	simm.s32 $0x7;
	[sflag:s16] =	ssyncadd.s32 $0xFFFFE000  }
0x1e9: {  	v0 =	vshrl.u32 v0, $0x3;
	v2 =	vshrl.u32 v2, $0x3;
	v37 =	vmov s23;
	_ =	swait.ge [sflag:s20], $0x2000  }
0x1ea: {  	v3 =	vshrl.u32 v3, $0x3;
	v33 =	vshrl.u32 v33, $0x3;
	v37 =	vshrl.u32 v37, $0x3;
	[sflag:s20] =	ssyncset.done $0x0  }
0x1eb: {  	s23 =	simm.s32 $0x6500;
	v34 =	vshrl.u32 v34, $0x3;
	v0 =	vshll.u32 v0, v1;
	v37 =	vshll.u32 v37, v1;
	[sflag:s20] =	ssyncadd.s32 $0xFFFFE000  }
0x1ec: {  	v36 =	vshrl.u32 v36, $0x3;
	v39 =	vbroadcast v0, $0x0;
	v41 =	vbroadcast v37, $0x0;
	v0 =	vld [tilespmem:s23+$0xC0]  }
0x1ed: {  	v2 =	vshll.u32 v2, v1;
	v3 =	vshll.u32 v3, v1;
	v33 =	vshll.u32 v33, v1;
	v38 =	vld [tilespmem:s23+$0xFFFFFF00]  }
0x1ee: {  	v8 =	vbroadcast v2, $0x0;
	v37 =	vbroadcast v3, $0x0;
	v42 =	vld [tilespmem:s23+$0xFFFFFF40];
	v2 =	vadd.s32 v14, v41  }
0x1ef: {  	v3 =	vshll.u32 v36, v1;
	v36 =	vbroadcast v33, $0x0;
	v44 =	vadd.s32 v4, v39;
	v47 =	vld [tilespmem:s23+$0xFFFFFFC0]  }
0x1f0: {  	v35 =	vshrl.u32 v35, $0x3;
	v34 =	vshll.u32 v34, v1;
	v45 =	vld [tilespmem:s23+$0xFFFFFF80];
	v46 =	vadd.s32 v6, v8  }
0x1f1: {  	v43 =	vshll.u32 v35, v1;
	v50 =	vadd.s32 v15, v36;
	v0 =	vmul.f32 $8.000000000e+00, v0  }
0x1f2: {  	v35 =	vbroadcast v34, $0x0;
	v49 =	vld [tilespmem:s23+$0x0];
	v48 =	vadd.s32 v11, v37;
	v38 =	vmul.f32 $8.000000000e+00, v38  }
0x1f3: {  	v33 =	vbroadcast v43, $0x0;
	v51 =	vld [tilespmem:s23+$0x40];
	v42 =	vmul.f32 $8.000000000e+00, v42;
	[tilespmem:v2+s17+$0x0] =	vst.idx.msk $0xffff, v0  }
0x1f4: {  	v58 =	vadd.s32 v7, v35;
	v52 =	vld [tilespmem:s23+$0x80];
	v34 =	vbroadcast v3, $0x0;
	v59 =	vmul.f32 $8.000000000e+00, v47;
	[tilespmem:v44+s17+$0x0] =	vst.idx.msk $0xffff, v38  }
0x1f5: {  	v3 =	vadd.s32 v32, v33;
	v2 =	vmul.f32 $8.000000000e+00, v45;
	[tilespmem:v46+s17+$0x0] =	vst.idx.msk $0xffff, v42;
	v38 =	vld [tilespmem:s23+$0xD0]  }
0x1f6: {  	v45 =	vadd.s32 v27, v34;
	[tilespmem:v50+s17+$0x0] =	vst.idx.msk $0xffff, v59;
	v44 =	vld [tilespmem:s23+$0xFFFFFF10]  }
0x1f7: {  	v60 =	vld [tilespmem:s23+$0xFFFFFF50];
	[tilespmem:v48+s17+$0x0] =	vst.idx.msk $0xffff, v2;
	v2 =	vmul.f32 $8.000000000e+00, v49;
	v48 =	vadd.s32 v24, v41  }
0x1f8: {  	v53 =	vadd.s32 v63, v39;
	v61 =	vmul.f32 $8.000000000e+00, v51;
	v54 =	vld [tilespmem:s23+$0xFFFFFF90];
	[tilespmem:$0x1FE60] =	vst v8  }
0x1f9: {  	v51 =	vadd.s32 v9, v8;
	v55 =	vld [tilespmem:s23+$0xFFFFFFD0];
	[tilespmem:v58+s17+$0x0] =	vst.idx.msk $0xffff, v2;
	v2 =	vmul.f32 $8.000000000e+00, v52  }
0x1fa: {  	v52 =	vadd.s32 v12, v37;
	[tilespmem:v3+s17+$0x0] =	vst.idx.msk $0xffff, v61;
	v3 =	vmul.f32 $8.000000000e+00, v38  }
0x1fb: {  	v56 =	vld [tilespmem:s23+$0x10];
	v42 =	vmul.f32 $8.000000000e+00, v44;
	v44 =	vadd.s32 v16, v36;
	[tilespmem:v45+s17+$0x0] =	vst.idx.msk $0xffff, v2  }
0x1fc: {  	v57 =	vld [tilespmem:s23+$0x50];
	v60 =	vmul.f32 $8.000000000e+00, v60;
	[tilespmem:v48+s17+$0x0] =	vst.idx.msk $0xffff, v3  }
0x1fd: {  	v61 =	vadd.s32 v21, v35;
	v58 =	vld [tilespmem:s23+$0x90];
	[tilespmem:v53+s17+$0x0] =	vst.idx.msk $0xffff, v42;
	v3 =	vmul.f32 $8.000000000e+00, v54  }
0x1fe: {  	v42 =	vadd.s32 v26, v33;
	[tilespmem:v51+s17+$0x0] =	vst.idx.msk $0xffff, v60;
	v48 =	vld [tilespmem:s23+$0xE0];
	v40 =	vmul.f32 $8.000000000e+00, v55  }
0x1ff: {  	s28 =	simm.s32 $0xB;
	v51 =	vadd.s32 v29, v34;
	v53 =	vld [tilespmem:s23+$0xFFFFFF20];
	[tilespmem:v52+s17+$0x0] =	vst.idx.msk $0xffff, v3  }
0x200: {  	v50 =	vmov s28;
	v3 =	vmul.f32 $8.000000000e+00, v56;
	v52 =	vadd.s32 v62, v41;
	[tilespmem:v44+s17+$0x0] =	vst.idx.msk $0xffff, v40  }
0x201: {  	v59 =	vshrl.u32 v50, $0x3;
	v50 =	vadd.s32 v5, v39;
	v44 =	vmul.f32 $8.000000000e+00, v57;
	v4 =	vld [tilespmem:$0x1FEA0]  }
0x202: {  	s31 =	simm.s32 $0xE;
	[tilespmem:v61+s17+$0x0] =	vst.idx.msk $0xffff, v3;
	v3 =	vmul.f32 $8.000000000e+00, v58  }
0x203: {  	s30 =	simm.s32 $0xD;
	v2 =	vmov s31;
	[tilespmem:v42+s17+$0x0] =	vst.idx.msk $0xffff, v44;
	v56 =	vmul.f32 $8.000000000e+00, v48  }
0x204: {  	v38 =	vmov s30;
	v54 =	vld [tilespmem:s23+$0xFFFFFF60];
	v42 =	vshrl.u32 v2, $0x3;
	v2 =	vmul.f32 $8.000000000e+00, v53;
	[tilespmem:v51+s17+$0x0] =	vst.idx.msk $0xffff, v3  }
0x205: {  	s24 =	simm.s32 $0x8;
	v3 =	vld [tilespmem:$0x1FEF0];
	[tilespmem:v52+s17+$0x0] =	vst.idx.msk $0xffff, v56  }
0x206: {  	v0 =	vmov s24;
	v55 =	vld [tilespmem:s23+$0xFFFFFFA0];
	[tilespmem:v50+s17+$0x0] =	vst.idx.msk $0xffff, v2;
	v45 =	vadd.s32 v4, v8  }
0x207: {  	v0 =	vshrl.u32 v0, $0x3;
	v58 =	vshrl.u32 v38, $0x3;
	v38 =	vmovc v10;
	v10 =	vmov v4;
	v4 =	vld [tilespmem:$0x1FF10]  }
0x208: {  	v0 =	vshll.u32 v0, v1  }
0x209: {  	v60 =	vadd.s32 v13, v37;
	v13 =	vbroadcast v0, $0x0;
	v0 =	vmul.f32 $8.000000000e+00, v54  }
0x20a: {  	v57 =	vld [tilespmem:s23+$0xFFFFFFE0]  }
0x20b: {  	v8 =	vmov v17;
	[tilespmem:v45+s17+$0x0] =	vst.idx.msk $0xffff, v0  }
0x20c: {  	v18 =	vmovc v62;
	v2 =	vmul.f32 $8.000000000e+00, v55;
	v62 =	vadd.s32 v8, v36;
	v55 =	vadd.s32 v4, v33;
	v4 =	vld [tilespmem:$0x1FF30]  }
0x20d: {  	v61 =	vld [tilespmem:s23+$0x20]  }
0x20e: {  	v20 =	vmov v63;
	v63 =	vld [tilespmem:s23+$0x60]  }
0x20f: {  	v40 =	vld [tilespmem:s23+$0xA0];
	v0 =	vmul.f32 $8.000000000e+00, v57;
	[tilespmem:v60+s17+$0x0] =	vst.idx.msk $0xffff, v2  }
0x210: {  	v25 =	vmov v7;
	v7 =	vld [tilespmem:$0x1FF70]  }
0x211: {  	s25 =	simm.s32 $0x9;
	s29 =	simm.s32 $0xC;
	v51 =	vadd.s32 v4, v34;
	v4 =	vld [tilespmem:$0x1FF50];
	[tilespmem:v62+s17+$0x0] =	vst.idx.msk $0xffff, v0  }
0x212: {  	s26 =	simm.s32 $0xA;
	v43 =	vmov s29;
	v46 =	vmov s25;
	v3 =	vadd.s32 v3, v35;
	v0 =	vld [tilespmem:$0x1FE60]  }
0x213: {  	v43 =	vshrl.u32 v43, $0x3;
	v46 =	vshrl.u32 v46, $0x3;
	v49 =	vmov s26;
	v56 =	vld [tilespmem:s23+$0xF0]  }
0x214: {  	v47 =	vshll.u32 v46, v1;
	v46 =	vshll.u32 v43, v1;
	v49 =	vshrl.u32 v49, $0x3;
	v50 =	vld [tilespmem:s23+$0xFFFFFF30]  }
0x215: {  	v44 =	vshll.u32 v49, v1;
	v43 =	vshll.u32 v58, v1;
	v17 =	vmovc v31;
	v52 =	vld [tilespmem:s23+$0xFFFFFF70];
	v2 =	vmul.f32 $8.000000000e+00, v61  }
0x216: {  	v31 =	vmovc v38;
	v8 =	vmovc v33;
	v40 =	vmul.f32 $8.000000000e+00, v40;
	v45 =	vshll.u32 v59, v1;
	v49 =	vld [tilespmem:s23+$0xFFFFFFB0];
	v48 =	vadd.s32 v7, v39  }
0x217: {  	s25 =	simm.s32 $0xF;
	s24 =	simm.s32 $0x10;
	v39 =	vmul.f32 $8.000000000e+00, v63;
	v54 =	vld [tilespmem:s23+$0xFFFFFFF0];
	[tilespmem:v3+s17+$0x0] =	vst.idx.msk $0xffff, v2;
	v53 =	vadd.s32 v4, v41;
	v41 =	vadd.s32 v38, v0  }
.LBB2_14:
0x218: {  	v0 =	vmov s25;
	v2 =	vadd.s32 v17, v37  }
0x219: {  	v0 =	vshrl.u32 v0, $0x3  }
0x21a: {  	v0 =	vshll.u32 v0, v1  }
0x21b: {  	[tilespmem:v51+s17+$0x0] =	vst.idx.msk $0xffff, v40;
	v40 =	vbroadcast v0, $0x0;
	v0 =	vmul.f32 $8.000000000e+00, v49  }
0x21c: {  	v3 =	vld [tilespmem:s23+$0x30]  }
0x21d: {  	v36 =	vadd.s32 v28, v36;
	v38 =	vmul.f32 $8.000000000e+00, v50;
	[tilespmem:v2+s17+$0x0] =	vst.idx.msk $0xffff, v0;
	v2 =	vld [tilespmem:$0x1FEC0]  }
0x21e: {  	v35 =	vadd.s32 v22, v35;
	[tilespmem:v55+s17+$0x0] =	vst.idx.msk $0xffff, v39;
	v57 =	vld [tilespmem:s23+$0xB0];
	v61 =	vmul.f32 $8.000000000e+00, v56;
	v56 =	vmul.f32 $8.000000000e+00, v52  }
0x21f: {  	v62 =	vld [tilespmem:s23+$0x70];
	s23 =	sadd.s32 $0x200, s23;
	[tilespmem:v48+s17+$0x0] =	vst.idx.msk $0xffff, v38  }
0x220: {  	v34 =	vadd.s32 v30, v34;
	v58 =	vmul.f32 $8.000000000e+00, v54;
	[tilespmem:v41+s17+$0x0] =	vst.idx.msk $0xffff, v56;
	v38 =	vld [tilespmem:s23+$0xFFFFFF00]  }
0x221: {  	v39 =	vmov v13;
	v0 =	vmul.f32 $8.000000000e+00, v3;
	v59 =	vld [tilespmem:s23+$0xFFFFFF40]  }
0x222: {  	v37 =	vbroadcast v44, $0x0;
	[tilespmem:v36+s17+$0x0] =	vst.idx.msk $0xffff, v58;
	v3 =	vld [tilespmem:s23+$0xFFFFFF80];
	v2 =	vadd.s32 v2, v39  }
0x223: {  	v36 =	vbroadcast v45, $0x0;
	[tilespmem:v35+s17+$0x0] =	vst.idx.msk $0xffff, v0;
	v0 =	vmul.f32 $8.000000000e+00, v57  }
0x224: {  	[tilespmem:v53+s17+$0x0] =	vst.idx.msk $0xffff, v61;
	v45 =	vadd.s32 v11, v37;
	v60 =	vmul.f32 $8.000000000e+00, v62;
	v35 =	vbroadcast v46, $0x0;
	v62 =	vld [tilespmem:s23+$0x0]  }
0x225: {  	v42 =	vshll.u32 v42, v1;
	v53 =	vld [tilespmem:s23+$0xC0];
	[tilespmem:v34+s17+$0x0] =	vst.idx.msk $0xffff, v0;
	v38 =	vmul.f32 $8.000000000e+00, v38  }
0x226: {  	v58 =	vadd.s32 v25, v35;
	v34 =	vbroadcast v42, $0x0;
	v0 =	vmul.f32 $8.000000000e+00, v59;
	v59 =	vld [tilespmem:s23+$0x80]  }
0x227: {  	v63 =	vadd.s32 v14, v40;
	[tilespmem:v2+s17+$0x0] =	vst.idx.msk $0xffff, v38;
	v2 =	vmul.f32 $8.000000000e+00, v3  }
0x228: {  	v41 =	vbroadcast v47, $0x0;
	v47 =	vadd.s32 v27, v34  }
0x229: {  	v33 =	vadd.s32 v23, v8;
	[tilespmem:v45+s17+$0x0] =	vst.idx.msk $0xffff, v2;
	v2 =	vmul.f32 $8.000000000e+00, v62  }
0x22a: {  	v56 =	vmul.f32 $8.000000000e+00, v53  }
0x22b: {  	v7 =	vld [tilespmem:$0x1FFD0];
	[tilespmem:v58+s17+$0x0] =	vst.idx.msk $0xffff, v2;
	v2 =	vmul.f32 $8.000000000e+00, v59  }
0x22c: {  	[tilespmem:v63+s17+$0x0] =	vst.idx.msk $0xffff, v56;
	v56 =	vld [tilespmem:s23+$0x10]  }
0x22d: {  	v61 =	vld [tilespmem:s23+$0xFFFFFFC0];
	v48 =	vadd.s32 v6, v41;
	[tilespmem:v47+s17+$0x0] =	vst.idx.msk $0xffff, v2  }
0x22e: {  	[tilespmem:v33+s17+$0x0] =	vst.idx.msk $0xffff, v60;
	v50 =	vadd.s32 v21, v35;
	v58 =	vld [tilespmem:s23+$0x90]  }
0x22f: {  	v57 =	vld [tilespmem:s23+$0x40]  }
0x230: {  	v19 =	vbroadcast v43, $0x0;
	v44 =	vadd.s32 v15, v36;
	v33 =	vld [tilespmem:s23+$0xD0]  }
0x231: {  	v62 =	vld [tilespmem:s23+$0xFFFFFF90];
	v38 =	vmul.f32 $8.000000000e+00, v56  }
0x232: {  	v49 =	vadd.s32 v12, v37;
	[tilespmem:v48+s17+$0x0] =	vst.idx.msk $0xffff, v0;
	v3 =	vadd.s32 v32, v19;
	v60 =	vld [tilespmem:s23+$0xFFFFFF10]  }
0x233: {  	v0 =	vmul.f32 $8.000000000e+00, v61;
	[tilespmem:v50+s17+$0x0] =	vst.idx.msk $0xffff, v38;
	v50 =	vmul.f32 $8.000000000e+00, v58;
	v58 =	vadd.s32 v7, v37;
	v7 =	vld [tilespmem:$0x1FFB0];
	_ =	sdelay $0x1  }
0x234: {  	v53 =	vadd.s32 v20, v39;
	[tilespmem:v44+s17+$0x0] =	vst.idx.msk $0xffff, v0;
	v0 =	vmul.f32 $8.000000000e+00, v57  }
0x235: {  	v45 =	vadd.s32 v24, v40;
	v62 =	vmul.f32 $8.000000000e+00, v62  }
0x236: {  	v61 =	vld [tilespmem:s23+$0xFFFFFF50];
	[tilespmem:v3+s17+$0x0] =	vst.idx.msk $0xffff, v0  }
0x237: {  	v0 =	vmul.f32 $8.000000000e+00, v33;
	v33 =	vmul.f32 $8.000000000e+00, v60;
	[tilespmem:v49+s17+$0x0] =	vst.idx.msk $0xffff, v62;
	v62 =	vadd.s32 v7, v36;
	v7 =	vld [tilespmem:$0x1FEF0]  }
0x238: {  	v63 =	vmov s24;
	v57 =	vld [tilespmem:s23+$0x50]  }
0x239: {  	v52 =	vadd.s32 v9, v41;
	v42 =	vshrl.u32 v63, $0x3;
	v63 =	vld [tilespmem:s23+$0xFFFFFFD0];
	[tilespmem:v53+s17+$0x0] =	vst.idx.msk $0xffff, v33  }
0x23a: {  	s28 =	sadd.s32 $0x3, s24;
	[tilespmem:v45+s17+$0x0] =	vst.idx.msk $0xffff, v0;
	v0 =	vshll.u32 v42, v1;
	v42 =	vadd.s32 v26, v19;
	v53 =	vld [tilespmem:s23+$0xFFFFFF20]  }
0x23b: {  	v44 =	vmov s28;
	v61 =	vmul.f32 $8.000000000e+00, v61;
	v60 =	vadd.s32 v16, v36;
	v55 =	vld [tilespmem:s23+$0xFFFFFFA0]  }
0x23c: {  	v59 =	vshrl.u32 v44, $0x3;
	v44 =	vadd.s32 v5, v39;
	v38 =	vadd.s32 v7, v35;
	v7 =	vld [tilespmem:$0x1FF10]  }
0x23d: {  	s31 =	sadd.s32 $0x6, s24;
	v33 =	vmul.f32 $8.000000000e+00, v57  }
0x23e: {  	v2 =	vmov s31;
	[tilespmem:v52+s17+$0x0] =	vst.idx.msk $0xffff, v61;
	v63 =	vmul.f32 $8.000000000e+00, v63  }
0x23f: {  	v52 =	vadd.s32 v29, v34;
	v45 =	vld [tilespmem:s23+$0xE0];
	[tilespmem:v42+s17+$0x0] =	vst.idx.msk $0xffff, v33;
	v42 =	vshrl.u32 v2, $0x3;
	v2 =	vmul.f32 $8.000000000e+00, v53  }
0x240: {  	v54 =	vld [tilespmem:s23+$0xFFFFFF60];
	[tilespmem:v60+s17+$0x0] =	vst.idx.msk $0xffff, v63  }
0x241: {  	v49 =	vadd.s32 v18, v40;
	[tilespmem:v44+s17+$0x0] =	vst.idx.msk $0xffff, v2;
	v2 =	vmul.f32 $8.000000000e+00, v55;
	v55 =	vadd.s32 v7, v19;
	v7 =	vld [tilespmem:$0x1FF30]  }
0x242: {  	s26 =	sadd.s32 $0x2, s24;
	v60 =	vld [tilespmem:s23+$0xFFFFFFE0]  }
0x243: {  	s29 =	sadd.s32 $0x4, s24;
	v51 =	vmov s26;
	v57 =	vadd.s32 v10, v41;
	v61 =	vld [tilespmem:s23+$0x20]  }
0x244: {  	s0 =	sadd.s32 $0x1, s24;
	v43 =	vmov s29;
	v51 =	vshrl.u32 v51, $0x3;
	v45 =	vmul.f32 $8.000000000e+00, v45;
	v63 =	vld [tilespmem:s23+$0x60];
	[tilespmem:v52+s17+$0x0] =	vst.idx.msk $0xffff, v50  }
0x245: {  	v43 =	vshrl.u32 v43, $0x3;
	v48 =	vmov s0;
	v13 =	vbroadcast v0, $0x0;
	v33 =	vld [tilespmem:s23+$0xA0]  }
0x246: {  	p0 =	slt.u32 s24, $0x78;
	s30 =	sadd.s32 $0x5, s24;
	v0 =	vmul.f32 $8.000000000e+00, v54;
	[tilespmem:v49+s17+$0x0] =	vst.idx.msk $0xffff, v45;
	v44 =	vshll.u32 v51, v1;
	v51 =	vadd.s32 v7, v34;
	v7 =	vld [tilespmem:$0x1FF70]  }
.Ltmp6:
0x247: {  	v46 =	vshll.u32 v43, v1;
	v48 =	vshrl.u32 v48, $0x3;
	v3 =	vmov s30;
	v56 =	vld [tilespmem:s23+$0xF0];
	(pc) =	sbr.rel @p0 .LBB2_14-.Ltmp6, $4  }
0x248: {  	v3 =	vshrl.u32 v3, $0x3;
	v47 =	vshll.u32 v48, v1;
	[tilespmem:v57+s17+$0x0] =	vst.idx.msk $0xffff, v0;
	v50 =	vld [tilespmem:s23+$0xFFFFFF30];
	v0 =	vmul.f32 $8.000000000e+00, v60  }
0x249: {  	v43 =	vshll.u32 v3, v1;
	v41 =	vadd.s32 v31, v41;
	v52 =	vld [tilespmem:s23+$0xFFFFFF70];
	[tilespmem:v58+s17+$0x0] =	vst.idx.msk $0xffff, v2;
	v2 =	vmul.f32 $8.000000000e+00, v61  }
0x24a: {  	v53 =	vadd.s32 v4, v40;
	v45 =	vshll.u32 v59, v1;
	v49 =	vld [tilespmem:s23+$0xFFFFFFB0];
	[tilespmem:v62+s17+$0x0] =	vst.idx.msk $0xffff, v0  }
0x24b: {  	s25 =	sadd.s32 $0x7, s24;
	v8 =	vmovc v19;
	s24 =	sadd.s32 $0x8, s24;
	v40 =	vmul.f32 $8.000000000e+00, v33;
	v54 =	vld [tilespmem:s23+$0xFFFFFFF0];
	[tilespmem:v38+s17+$0x0] =	vst.idx.msk $0xffff, v2;
	v48 =	vadd.s32 v7, v39;
	v39 =	vmul.f32 $8.000000000e+00, v63  }
0x24c: {  	_ =	sdelay $0x3  }
0x24d: {  	v2 =	vadd.s32 v17, v37;
	v33 =	vmul.f32 $8.000000000e+00, v56;
	[tilespmem:v55+s17+$0x0] =	vst.idx.msk $0xffff, v39  }
0x24e: {  	v3 =	vld [tilespmem:s23+$0x30];
	v61 =	vmul.f32 $8.000000000e+00, v50;
	[tilespmem:v51+s17+$0x0] =	vst.idx.msk $0xffff, v40  }
0x24f: {  	v62 =	vmul.f32 $8.000000000e+00, v52;
	[tilespmem:v53+s17+$0x0] =	vst.idx.msk $0xffff, v33  }
0x250: {  	[tilespmem:v48+s17+$0x0] =	vst.idx.msk $0xffff, v61;
	v55 =	vmul.f32 $8.000000000e+00, v49  }
0x251: {  	[tilespmem:v41+s17+$0x0] =	vst.idx.msk $0xffff, v62  }
0x252: {  	v0 =	vmov s25;
	v38 =	vld [tilespmem:s23+$0x70];
	[tilespmem:v2+s17+$0x0] =	vst.idx.msk $0xffff, v55  }
0x253: {  	v36 =	vadd.s32 v28, v36;
	v0 =	vshrl.u32 v0, $0x3;
	v2 =	vmul.f32 $8.000000000e+00, v3;
	v3 =	vld [tilespmem:$0x1FEC0]  }
0x254: {  	v35 =	vadd.s32 v22, v35;
	s28 =	sadd.s32 $0x200, s23;
	v0 =	vshll.u32 v0, v1;
	v40 =	vld [tilespmem:s23+$0xB0]  }
0x255: {  	v56 =	vadd.s32 v23, v8;
	v63 =	vld [tilespmem:s28+$0xC0];
	v0 =	vbroadcast v0, $0x0  }
0x256: {  	v34 =	vadd.s32 v30, v34;
	v57 =	vld [tilespmem:s28+$0xFFFFFF00];
	v58 =	vmul.f32 $8.000000000e+00, v54  }
0x257: {  	v42 =	vshll.u32 v42, v1;
	v47 =	vbroadcast v47, $0x0;
	v59 =	vld [tilespmem:s28+$0xFFFFFF40];
	v50 =	vadd.s32 v14, v0  }
0x258: {  	v44 =	vbroadcast v44, $0x0;
	v19 =	vld [tilespmem:s28+$0xFFFFFF80];
	[tilespmem:v36+s17+$0x0] =	vst.idx.msk $0xffff, v58;
	v60 =	vmul.f32 $8.000000000e+00, v38;
	v3 =	vadd.s32 v3, v13  }
0x259: {  	v45 =	vbroadcast v45, $0x0;
	v61 =	vadd.s32 v6, v47;
	v62 =	vld [tilespmem:s28+$0xFFFFFFC0];
	[tilespmem:v35+s17+$0x0] =	vst.idx.msk $0xffff, v2;
	v2 =	vmul.f32 $8.000000000e+00, v40  }
0x25a: {  	v46 =	vbroadcast v46, $0x0;
	v33 =	vmul.f32 $8.000000000e+00, v63;
	v35 =	vadd.s32 v11, v44;
	v40 =	vld [tilespmem:s28+$0x0];
	[tilespmem:v56+s17+$0x0] =	vst.idx.msk $0xffff, v60  }
0x25b: {  	v43 =	vbroadcast v43, $0x0;
	v48 =	vadd.s32 v15, v45;
	v49 =	vld [tilespmem:s28+$0x40];
	v63 =	vmul.f32 $8.000000000e+00, v57;
	[tilespmem:v34+s17+$0x0] =	vst.idx.msk $0xffff, v2  }
0x25c: {  	v42 =	vbroadcast v42, $0x0;
	v41 =	vld [tilespmem:s28+$0x80];
	v2 =	vmul.f32 $8.000000000e+00, v59;
	v34 =	vadd.s32 v25, v46;
	[tilespmem:v50+s17+$0x0] =	vst.idx.msk $0xffff, v33  }
0x25d: {  	v54 =	vmov v15;
	v33 =	vadd.s32 v32, v43;
	v15 =	vld [tilespmem:s28+$0xD0];
	[tilespmem:v3+s17+$0x0] =	vst.idx.msk $0xffff, v63;
	v3 =	vmul.f32 $8.000000000e+00, v19  }
0x25e: {  	[tilespmem:v61+s17+$0x0] =	vst.idx.msk $0xffff, v2;
	v2 =	vmul.f32 $8.000000000e+00, v62;
	v61 =	vadd.s32 v27, v42;
	v19 =	vld [tilespmem:s28+$0xFFFFFF10]  }
0x25f: {  	v63 =	vld [tilespmem:s28+$0xFFFFFF50];
	[tilespmem:v35+s17+$0x0] =	vst.idx.msk $0xffff, v3;
	v3 =	vmul.f32 $8.000000000e+00, v40;
	v35 =	vadd.s32 v24, v0  }
0x260: {  	[tilespmem:v48+s17+$0x0] =	vst.idx.msk $0xffff, v2;
	v2 =	vmul.f32 $8.000000000e+00, v49;
	v40 =	vadd.s32 v20, v13;
	v50 =	vld [tilespmem:s28+$0xFFFFFF90]  }
0x261: {  	v48 =	vadd.s32 v9, v47;
	v49 =	vld [tilespmem:s28+$0xFFFFFFD0];
	[tilespmem:v34+s17+$0x0] =	vst.idx.msk $0xffff, v3;
	v3 =	vmul.f32 $8.000000000e+00, v41  }
0x262: {  	v56 =	vmov v12;
	[tilespmem:v33+s17+$0x0] =	vst.idx.msk $0xffff, v2;
	v2 =	vmul.f32 $8.000000000e+00, v15;
	v34 =	vadd.s32 v12, v44;
	v12 =	vld [tilespmem:s28+$0x10]  }
0x263: {  	v57 =	vmov v16;
	v16 =	vadd.s32 v16, v45;
	v15 =	vmul.f32 $8.000000000e+00, v19;
	[tilespmem:v61+s17+$0x0] =	vst.idx.msk $0xffff, v3  }
0x264: {  	v3 =	vmul.f32 $8.000000000e+00, v63;
	v63 =	vmov v21;
	v21 =	vadd.s32 v21, v46;
	[tilespmem:v35+s17+$0x0] =	vst.idx.msk $0xffff, v2  }
0x265: {  	[tilespmem:v40+s17+$0x0] =	vst.idx.msk $0xffff, v15;
	v2 =	vmul.f32 $8.000000000e+00, v50  }
0x266: {  	v19 =	vld [tilespmem:s28+$0x50];
	[tilespmem:v48+s17+$0x0] =	vst.idx.msk $0xffff, v3;
	v3 =	vmul.f32 $8.000000000e+00, v49  }
0x267: {  	v55 =	vld [tilespmem:s28+$0x90];
	[tilespmem:v34+s17+$0x0] =	vst.idx.msk $0xffff, v2;
	v2 =	vmul.f32 $8.000000000e+00, v12  }
0x268: {  	v60 =	vadd.s32 v26, v43;
	[tilespmem:v16+s17+$0x0] =	vst.idx.msk $0xffff, v3  }
0x269: {  	v48 =	vadd.s32 v29, v42;
	v40 =	vld [tilespmem:s28+$0xFFFFFF20];
	[tilespmem:v21+s17+$0x0] =	vst.idx.msk $0xffff, v2  }
0x26a: {  	v41 =	vadd.s32 v5, v13;
	v5 =	vld [tilespmem:$0x1FFD0]  }
0x26b: {  	v35 =	vld [tilespmem:s28+$0xE0];
	v3 =	vmul.f32 $8.000000000e+00, v19  }
0x26c: {  	v2 =	vmul.f32 $8.000000000e+00, v55  }
0x26d: {  	v61 =	vld [tilespmem:s28+$0xFFFFFF60];
	v34 =	vadd.s32 v18, v0;
	[tilespmem:v60+s17+$0x0] =	vst.idx.msk $0xffff, v3  }
0x26e: {  	v8 =	vmov v29;
	v29 =	vmul.f32 $8.000000000e+00, v40;
	v40 =	vld [tilespmem:$0x1FFB0];
	[tilespmem:v48+s17+$0x0] =	vst.idx.msk $0xffff, v2  }
0x26f: {  	v19 =	vadd.s32 v5, v44;
	v5 =	vld [tilespmem:$0x1FEF0]  }
0x270: {  	v3 =	vmul.f32 $8.000000000e+00, v35;
	_ =	sdelay $0x1  }
0x271: {  	[tilespmem:v34+s17+$0x0] =	vst.idx.msk $0xffff, v3  }
0x272: {  	v16 =	vadd.s32 v10, v47;
	[tilespmem:v41+s17+$0x0] =	vst.idx.msk $0xffff, v29  }
0x273: {  	v2 =	vmul.f32 $8.000000000e+00, v61;
	v61 =	vadd.s32 v5, v46;
	v5 =	vld [tilespmem:$0x1FF10]  }
0x274: {  	v50 =	vld [tilespmem:s28+$0xFFFFFFA0];
	_ =	sdelay $0x1  }
0x275: {  	v51 =	vmov v6;
	v6 =	vmov v18;
	v18 =	vld [tilespmem:s28+$0xFFFFFFE0]  }
0x276: {  	v60 =	vld [tilespmem:s28+$0x60];
	[tilespmem:v16+s17+$0x0] =	vst.idx.msk $0xffff, v2  }
0x277: {  	v7 =	vmovc v14;
	v14 =	vmov v13;
	v55 =	vadd.s32 v40, v45;
	v13 =	vadd.s32 v5, v43;
	v5 =	vld [tilespmem:$0x1FF30]  }
0x278: {  	v21 =	vld [tilespmem:s28+$0x20];
	v3 =	vmul.f32 $8.000000000e+00, v50  }
0x279: {  	v34 =	vld [tilespmem:s28+$0xF0]  }
0x27a: {  	v12 =	vld [tilespmem:s28+$0xA0];
	v2 =	vmul.f32 $8.000000000e+00, v18;
	[tilespmem:v19+s17+$0x0] =	vst.idx.msk $0xffff, v3  }
0x27b: {  	v0 =	vadd.s32 v4, v0;
	v4 =	vld [tilespmem:$0x1FF70]  }
0x27c: {  	v19 =	vld [tilespmem:s28+$0xFFFFFFB0];
	[tilespmem:v55+s17+$0x0] =	vst.idx.msk $0xffff, v2;
	v2 =	vmul.f32 $8.000000000e+00, v60;
	v15 =	vadd.s32 v5, v42  }
0x27d: {  	v16 =	vld [tilespmem:s28+$0xFFFFFF70];
	v3 =	vmul.f32 $8.000000000e+00, v21  }
0x27e: {  	v44 =	vadd.s32 v17, v44;
	v41 =	vld [tilespmem:s28+$0xFFFFFF30];
	[tilespmem:v13+s17+$0x0] =	vst.idx.msk $0xffff, v2;
	v2 =	vmul.f32 $8.000000000e+00, v34  }
0x27f: {  	v21 =	vadd.s32 v31, v47;
	v29 =	vld [tilespmem:s28+$0xFFFFFFF0];
	[tilespmem:v61+s17+$0x0] =	vst.idx.msk $0xffff, v3;
	v3 =	vmul.f32 $8.000000000e+00, v12  }
0x280: {  	v31 =	vld [tilespmem:s28+$0x30];
	v18 =	vadd.s32 v4, v14;
	[tilespmem:v0+s17+$0x0] =	vst.idx.msk $0xffff, v2  }
0x281: {  	v49 =	vadd.s32 v28, v45;
	v50 =	vld [tilespmem:s28+$0x70];
	v0 =	vmul.f32 $8.000000000e+00, v19;
	[tilespmem:v15+s17+$0x0] =	vst.idx.msk $0xffff, v3  }
0x282: {  	v55 =	vadd.s32 v22, v46;
	v3 =	vmul.f32 $8.000000000e+00, v16;
	v60 =	vld [tilespmem:s28+$0xB0]  }
0x283: {  	v48 =	vmul.f32 $8.000000000e+00, v41;
	v2 =	vadd.s32 v23, v43;
	[tilespmem:v44+s17+$0x0] =	vst.idx.msk $0xffff, v0  }
0x284: {  	v61 =	vadd.s32 v30, v42;
	[tilespmem:v21+s17+$0x0] =	vst.idx.msk $0xffff, v3;
	v3 =	vmul.f32 $8.000000000e+00, v29  }
0x285: {  	v0 =	vmul.f32 $8.000000000e+00, v31;
	[tilespmem:v18+s17+$0x0] =	vst.idx.msk $0xffff, v48  }
0x286: {  	[tilespmem:v49+s17+$0x0] =	vst.idx.msk $0xffff, v3;
	v3 =	vmul.f32 $8.000000000e+00, v50  }
0x287: {  	[tilespmem:v55+s17+$0x0] =	vst.idx.msk $0xffff, v0;
	v0 =	vmul.f32 $8.000000000e+00, v60  }
0x288: {  	[tilespmem:v2+s17+$0x0] =	vst.idx.msk $0xffff, v3  }
0x289: {  	s0 =	simm.s32 $0xA400;
	[tilespmem:v61+s17+$0x0] =	vst.idx.msk $0xffff, v0  }
0x28a: {  	[hbm4b:s8+s3] =	stream.linear.scatter [tilespmem:s0], [sflag:$0x3], $0x80, $0x38;
	[tilespmem:$0xE800] =	vst v63  }
0x28b: {  	s29 =	simm.s32 $0xA488;
	s2 =	sadd.s32 $0x10, s8  }
0x28c: {  	[hbm4b:s2+s3] =	stream.linear.scatter [tilespmem:s29], [sflag:$0x3], $0x80, $0x38;
	[tilespmem:$0xE800] =	vst v63  }
0x28d: {  	s30 =	simm.s32 $0xA510;
	s31 =	sadd.s32 $0x20, s8;
	s24 =	sadd.s32 $0x30, s8  }
0x28e: {  	[hbm4b:s31+s3] =	stream.linear.scatter [tilespmem:s30], [sflag:$0x3], $0x80, $0x38;
	[tilespmem:$0xE800] =	vst v63  }
0x28f: {  	s25 =	simm.s32 $0xA620;
	s26 =	sadd.s32 $0x40, s8;
	s23 =	simm.s32 $0xA598  }
0x290: {  	[hbm4b:s24+s3] =	stream.linear.scatter [tilespmem:s23], [sflag:$0x3], $0x80, $0x38;
	[tilespmem:$0xE800] =	vst v63  }
0x291: {  	s28 =	simm.s32 $0xA6A8;
	s0 =	sadd.s32 $0x70, s8;
	s29 =	sadd.s32 $0x50, s8  }
0x292: {  	[hbm4b:s26+s3] =	stream.linear.scatter [tilespmem:s25], [sflag:$0x3], $0x80, $0x38;
	[tilespmem:$0xE800] =	vst v63  }
0x293: {  	s30 =	simm.s32 $0xA730;
	s31 =	sadd.s32 $0x60, s8;
	s23 =	simm.s32 $0x440  }
0x294: {  	[hbm4b:s29+s3] =	stream.linear.scatter [tilespmem:s28], [sflag:$0x3], $0x80, $0x38;
	[tilespmem:$0xE800] =	vst v63  }
0x295: {  	v52 =	vmov v11;
	v53 =	vmov v24;
	v58 =	vmov v25;
	s24 =	sadd.s32 $0x1000, s8;
	s25 =	simm.s32 $0x2200;
	s26 =	simm.s32 $0xA7B8  }
0x296: {  	v59 =	vmovc v32;
	v25 =	vmovc v26;
	v32 =	vmov v9;
	v62 =	vmov v27;
	v5 =	vmov v20;
	[hbm4b:s31+s3] =	stream.linear.scatter [tilespmem:s30], [sflag:$0x3], $0x80, $0x38;
	[tilespmem:$0xE800] =	vst v63  }
.LBB2_16:
0x297: {  	[hbm4b:s0+s3] =	stream.linear.scatter [tilespmem:s26], [sflag:$0x3], $0x80, $0x38;
	[tilespmem:$0xE800] =	vst v63  }
0x298: {  	s0 =	smov.u32 s23;
	s2 =	smov.u32 s25  }
0x299: {  	s23 =	sshra.s32 s2, $0x2;
	s2 =	sadd.s32 $0x1100, s25;
	s26 =	sadd.s32 $0xA400, s0  }
0x29a: {  	[hbm4b:s24+s3] =	stream.linear.scatter [tilespmem:s26], [sflag:$0x3], $0x80, $0x38;
	[tilespmem:$0xE800] =	vst v63  }
0x29b: {  	p0 =	sne.s32 s25, $0x7700;
	s25 =	sadd.s32 $0xA488, s0;
	s26 =	sadd.s32 $0x10, s24  }
0x29c: {  	[hbm4b:s26+s3] =	stream.linear.scatter [tilespmem:s25], [sflag:$0x3], $0x80, $0x38;
	[tilespmem:$0xE800] =	vst v63  }
0x29d: {  	s25 =	sadd.s32 $0xA510, s0;
	s26 =	sadd.s32 $0x20, s24  }
0x29e: {  	[hbm4b:s26+s3] =	stream.linear.scatter [tilespmem:s25], [sflag:$0x3], $0x80, $0x38;
	[tilespmem:$0xE800] =	vst v63  }
0x29f: {  	s25 =	sadd.s32 $0xA598, s0;
	s26 =	sadd.s32 $0x30, s24  }
0x2a0: {  	[hbm4b:s26+s3] =	stream.linear.scatter [tilespmem:s25], [sflag:$0x3], $0x80, $0x38;
	[tilespmem:$0xE800] =	vst v63  }
0x2a1: {  	s25 =	sadd.s32 $0xA620, s0;
	s26 =	sadd.s32 $0x40, s24  }
0x2a2: {  	[hbm4b:s26+s3] =	stream.linear.scatter [tilespmem:s25], [sflag:$0x3], $0x80, $0x38;
	[tilespmem:$0xE800] =	vst v63  }
0x2a3: {  	s25 =	sadd.s32 $0xA6A8, s0;
	s26 =	sadd.s32 $0x50, s24  }
0x2a4: {  	[hbm4b:s26+s3] =	stream.linear.scatter [tilespmem:s25], [sflag:$0x3], $0x80, $0x38;
	[tilespmem:$0xE800] =	vst v63  }
.Ltmp7:
0x2a5: {  	_ = 	snop;
	(pc) =	sbr.rel @p0 .LBB2_16-.Ltmp7, $4  }
0x2a6: {  	s25 =	sadd.s32 $0xA730, s0;
	s26 =	sadd.s32 $0x60, s24  }
0x2a7: {  	[hbm4b:s26+s3] =	stream.linear.scatter [tilespmem:s25], [sflag:$0x3], $0x80, $0x38;
	[tilespmem:$0xE800] =	vst v63  }
0x2a8: {  	s26 =	sadd.s32 $0xA7B8, s0  }
0x2a9: {  	s0 =	sadd.s32 $0x70, s24;
	s24 =	sadd.s32 $0x1000, s24;
	s25 =	smov.u32 s2  }
0x2aa: {  	[hbm4b:s0+s3] =	stream.linear.scatter [tilespmem:s26], [sflag:$0x3], $0x80, $0x38;
	[tilespmem:$0xE800] =	vst v63  }
0x2ab: {  	s25 =	sadd.s32 $0xA400, s23  }
0x2ac: {  	[hbm4b:s24+s3] =	stream.linear.scatter [tilespmem:s25], [sflag:$0x3], $0x80, $0x38;
	[tilespmem:$0xE800] =	vst v63  }
0x2ad: {  	s26 =	sadd.s32 $0xA488, s23;
	s2 =	sadd.s32 $0x10, s24  }
0x2ae: {  	[hbm4b:s2+s3] =	stream.linear.scatter [tilespmem:s26], [sflag:$0x3], $0x80, $0x38;
	[tilespmem:$0xE800] =	vst v63  }
0x2af: {  	s28 =	sadd.s32 $0xA510, s23;
	s29 =	sadd.s32 $0x20, s24  }
0x2b0: {  	[hbm4b:s29+s3] =	stream.linear.scatter [tilespmem:s28], [sflag:$0x3], $0x80, $0x38;
	[tilespmem:$0xE800] =	vst v63  }
0x2b1: {  	s30 =	sadd.s32 $0xA598, s23;
	s31 =	sadd.s32 $0x30, s24  }
0x2b2: {  	[hbm4b:s31+s3] =	stream.linear.scatter [tilespmem:s30], [sflag:$0x3], $0x80, $0x38;
	[tilespmem:$0xE800] =	vst v63  }
0x2b3: {  	s25 =	sadd.s32 $0xA620, s23;
	s26 =	sadd.s32 $0x40, s24  }
0x2b4: {  	[hbm4b:s26+s3] =	stream.linear.scatter [tilespmem:s25], [sflag:$0x3], $0x80, $0x38;
	[tilespmem:$0xE800] =	vst v63  }
0x2b5: {  	s28 =	sadd.s32 $0xA6A8, s23;
	s29 =	sadd.s32 $0x50, s24  }
0x2b6: {  	[hbm4b:s29+s3] =	stream.linear.scatter [tilespmem:s28], [sflag:$0x3], $0x80, $0x38;
	[tilespmem:$0xE800] =	vst v63  }
0x2b7: {  	s30 =	sadd.s32 $0xA730, s23;
	s31 =	sadd.s32 $0x60, s24  }
0x2b8: {  	[hbm4b:s31+s3] =	stream.linear.scatter [tilespmem:s30], [sflag:$0x3], $0x80, $0x38;
	[tilespmem:$0xE800] =	vst v63  }
0x2b9: {  	s2 =	sadd.s32 $0xA7B8, s23;
	s23 =	sadd.s32 $0x70, s24;
	s24 =	simm.s32 $0x0  }
0x2ba: {  	[hbm4b:s23+s3] =	stream.linear.scatter [tilespmem:s2], [sflag:$0x3], $0x80, $0x38;
	[tilespmem:$0xE800] =	vst v63  }
0x2bb: {  	v0 =	vmov s24;
	s25 =	simm.s32 $0x1;
	s26 =	simm.s32 $0x2;
	_ =	swait.ge [sflag:s18], $0x2000  }
0x2bc: {  	v0 =	vshrl.u32 v0, $0x3;
	v2 =	vmov s25;
	v3 =	vmov s26;
	[sflag:s18] =	ssyncset.done $0x0  }
0x2bd: {  	v0 =	vshll.u32 v0, v1;
	s28 =	simm.s32 $0x3;
	v2 =	vshrl.u32 v2, $0x3;
	v3 =	vshrl.u32 v3, $0x3;
	s23 =	simm.s32 $0x7;
	[sflag:s18] =	ssyncadd.s32 $0xFFFFE000  }
0x2be: {  	s29 =	simm.s32 $0x4;
	v39 =	vbroadcast v0, $0x0;
	v33 =	vmov s28;
	v37 =	vmov s23;
	_ =	swait.ge [sflag:s21], $0x2000  }
0x2bf: {  	v34 =	vmov s29;
	v2 =	vshll.u32 v2, v1;
	v37 =	vshrl.u32 v37, $0x3;
	[sflag:s21] =	ssyncset.done $0x0  }
0x2c0: {  	v3 =	vshll.u32 v3, v1;
	v33 =	vshrl.u32 v33, $0x3;
	s23 =	simm.s32 $0x8500;
	v37 =	vshll.u32 v37, v1;
	v4 =	vld [tilespmem:$0x1FEC0];
	[sflag:s21] =	ssyncadd.s32 $0xFFFFE000  }
0x2c1: {  	s30 =	simm.s32 $0x5;
	s31 =	simm.s32 $0x6;
	v34 =	vshrl.u32 v34, $0x3;
	v18 =	vbroadcast v2, $0x0;
	v41 =	vbroadcast v37, $0x0;
	v0 =	vld [tilespmem:s23+$0xC0]  }
0x2c2: {  	v35 =	vmov s30;
	v36 =	vmov s31;
	v33 =	vshll.u32 v33, v1;
	v42 =	vld [tilespmem:s23+$0xFFFFFF40]  }
0x2c3: {  	v34 =	vshll.u32 v34, v1;
	v35 =	vshrl.u32 v35, $0x3;
	v2 =	vadd.s32 v7, v41;
	v38 =	vld [tilespmem:s23+$0xFFFFFF00]  }
0x2c4: {  	v36 =	vshrl.u32 v36, $0x3;
	v46 =	vadd.s32 v51, v18;
	v43 =	vshll.u32 v35, v1;
	v45 =	vld [tilespmem:s23+$0xFFFFFF80]  }
0x2c5: {  	v35 =	vbroadcast v34, $0x0;
	v37 =	vbroadcast v3, $0x0;
	v47 =	vld [tilespmem:s23+$0xFFFFFFC0];
	v44 =	vadd.s32 v4, v39  }
0x2c6: {  	v3 =	vshll.u32 v36, v1;
	v36 =	vbroadcast v33, $0x0;
	v49 =	vld [tilespmem:s23+$0x0];
	v0 =	vmul.f32 $8.000000000e+00, v0  }
0x2c7: {  	v10 =	vmovc v51;
	v13 =	vbroadcast v43, $0x0;
	v48 =	vadd.s32 v52, v37;
	v51 =	vld [tilespmem:s23+$0x40];
	v42 =	vmul.f32 $8.000000000e+00, v42  }
0x2c8: {  	v43 =	vadd.s32 v58, v35;
	v50 =	vadd.s32 v54, v36;
	v58 =	vld [tilespmem:s23+$0x80];
	v38 =	vmul.f32 $8.000000000e+00, v38;
	[tilespmem:v2+s19+$0x0] =	vst.idx.msk $0xffff, v0  }
0x2c9: {  	v34 =	vbroadcast v3, $0x0;
	[tilespmem:v46+s19+$0x0] =	vst.idx.msk $0xffff, v42;
	v33 =	vld [tilespmem:s23+$0xD0]  }
0x2ca: {  	v3 =	vadd.s32 v59, v13;
	v2 =	vmul.f32 $8.000000000e+00, v45;
	[tilespmem:v44+s19+$0x0] =	vst.idx.msk $0xffff, v38;
	v61 =	vld [tilespmem:s23+$0xFFFFFF50]  }
0x2cb: {  	v60 =	vadd.s32 v62, v34;
	v59 =	vmul.f32 $8.000000000e+00, v47;
	v44 =	vld [tilespmem:s23+$0xFFFFFF10]  }
0x2cc: {  	[tilespmem:v48+s19+$0x0] =	vst.idx.msk $0xffff, v2;
	v2 =	vmul.f32 $8.000000000e+00, v49;
	v48 =	vadd.s32 v53, v41  }
0x2cd: {  	v27 =	vmov v62;
	v62 =	vmul.f32 $8.000000000e+00, v51;
	v51 =	vadd.s32 v32, v18;
	[tilespmem:v50+s19+$0x0] =	vst.idx.msk $0xffff, v59;
	v54 =	vld [tilespmem:s23+$0xFFFFFF90]  }
0x2ce: {  	v24 =	vmov v53;
	v55 =	vld [tilespmem:s23+$0xFFFFFFD0];
	v53 =	vadd.s32 v5, v39;
	[tilespmem:v43+s19+$0x0] =	vst.idx.msk $0xffff, v2;
	v2 =	vmul.f32 $8.000000000e+00, v58  }
0x2cf: {  	v52 =	vadd.s32 v56, v37;
	[tilespmem:v3+s19+$0x0] =	vst.idx.msk $0xffff, v62;
	v3 =	vmul.f32 $8.000000000e+00, v33  }
0x2d0: {  	[tilespmem:v60+s19+$0x0] =	vst.idx.msk $0xffff, v2;
	v60 =	vmul.f32 $8.000000000e+00, v61;
	v42 =	vmul.f32 $8.000000000e+00, v44;
	v44 =	vadd.s32 v57, v36  }
0x2d1: {  	[tilespmem:v48+s19+$0x0] =	vst.idx.msk $0xffff, v3  }
0x2d2: {  	v12 =	vmov v56;
	v56 =	vld [tilespmem:s23+$0x10];
	v3 =	vmul.f32 $8.000000000e+00, v54;
	[tilespmem:v51+s19+$0x0] =	vst.idx.msk $0xffff, v60  }
0x2d3: {  	v21 =	vmov v63;
	v33 =	vld [tilespmem:s23+$0x50];
	v61 =	vadd.s32 v63, v35;
	v63 =	vmul.f32 $8.000000000e+00, v55;
	[tilespmem:v53+s19+$0x0] =	vst.idx.msk $0xffff, v42  }
0x2d4: {  	v62 =	vld [tilespmem:s23+$0x90];
	[tilespmem:v52+s19+$0x0] =	vst.idx.msk $0xffff, v3  }
0x2d5: {  	v20 =	vmov v4;
	v42 =	vadd.s32 v25, v13;
	v4 =	vld [tilespmem:$0x1FF60];
	[tilespmem:v44+s19+$0x0] =	vst.idx.msk $0xffff, v63  }
0x2d6: {  	v29 =	vmov v8;
	v51 =	vadd.s32 v8, v34;
	v8 =	vld [tilespmem:$0x1FEA0]  }
0x2d7: {  	v48 =	vld [tilespmem:s23+$0xE0];
	v3 =	vmul.f32 $8.000000000e+00, v56  }
0x2d8: {  	s28 =	simm.s32 $0xB;
	v53 =	vld [tilespmem:s23+$0xFFFFFF20];
	v33 =	vmul.f32 $8.000000000e+00, v33  }
0x2d9: {  	v50 =	vmov s28;
	v52 =	vadd.s32 v6, v41;
	[tilespmem:v61+s19+$0x0] =	vst.idx.msk $0xffff, v3  }
0x2da: {  	v59 =	vshrl.u32 v50, $0x3;
	v16 =	vld [tilespmem:$0x1FFD0];
	[tilespmem:v42+s19+$0x0] =	vst.idx.msk $0xffff, v33;
	v50 =	vadd.s32 v4, v39  }
0x2db: {  	s31 =	simm.s32 $0xE;
	v3 =	vmul.f32 $8.000000000e+00, v62;
	v45 =	vadd.s32 v8, v18;
	v8 =	vld [tilespmem:$0x1FFB0]  }
0x2dc: {  	v2 =	vmov s31;
	v56 =	vmul.f32 $8.000000000e+00, v48  }
0x2dd: {  	v54 =	vld [tilespmem:s23+$0xFFFFFF60];
	v42 =	vshrl.u32 v2, $0x3;
	v2 =	vmul.f32 $8.000000000e+00, v53;
	[tilespmem:v51+s19+$0x0] =	vst.idx.msk $0xffff, v3  }
0x2de: {  	s24 =	simm.s32 $0x8;
	v3 =	vld [tilespmem:$0x1FEF0];
	[tilespmem:v52+s19+$0x0] =	vst.idx.msk $0xffff, v56  }
0x2df: {  	v0 =	vmov s24;
	v55 =	vld [tilespmem:s23+$0xFFFFFFA0];
	[tilespmem:v50+s19+$0x0] =	vst.idx.msk $0xffff, v2  }
0x2e0: {  	v0 =	vshrl.u32 v0, $0x3;
	v17 =	vmov v8;
	v33 =	vadd.s32 v8, v36;
	v8 =	vld [tilespmem:$0x1FF10]  }
0x2e1: {  	v0 =	vshll.u32 v0, v1  }
0x2e2: {  	v15 =	vbroadcast v0, $0x0;
	v0 =	vmul.f32 $8.000000000e+00, v54;
	_ =	sdelay $0x1  }
0x2e3: {  	v28 =	vmov v57;
	v57 =	vld [tilespmem:s23+$0xFFFFFFE0];
	v60 =	vadd.s32 v16, v37;
	[tilespmem:v45+s19+$0x0] =	vst.idx.msk $0xffff, v0  }
0x2e4: {  	s30 =	simm.s32 $0xD;
	v2 =	vmul.f32 $8.000000000e+00, v55;
	v9 =	vmov v8;
	v55 =	vadd.s32 v8, v13;
	v8 =	vld [tilespmem:$0x1FF30]  }
0x2e5: {  	v38 =	vmov s30;
	v61 =	vld [tilespmem:s23+$0x20]  }
0x2e6: {  	v58 =	vshrl.u32 v38, $0x3;
	v38 =	vld [tilespmem:s23+$0x60]  }
0x2e7: {  	v40 =	vld [tilespmem:s23+$0xA0]  }
0x2e8: {  	v56 =	vld [tilespmem:s23+$0xF0];
	[tilespmem:v60+s19+$0x0] =	vst.idx.msk $0xffff, v2  }
0x2e9: {  	v22 =	vmov v8;
	v51 =	vadd.s32 v8, v34;
	v8 =	vld [tilespmem:$0x1FF50]  }
0x2ea: {  	s26 =	simm.s32 $0xA;
	v50 =	vld [tilespmem:s23+$0xFFFFFF30];
	v14 =	vmov v3;
	v3 =	vadd.s32 v3, v35  }
0x2eb: {  	v49 =	vmov s26;
	v0 =	vmul.f32 $8.000000000e+00, v57;
	v52 =	vld [tilespmem:s23+$0xFFFFFF70]  }
0x2ec: {  	v49 =	vshrl.u32 v49, $0x3;
	v2 =	vmul.f32 $8.000000000e+00, v61;
	v61 =	vld [tilespmem:$0x1FF70]  }
0x2ed: {  	v44 =	vshll.u32 v49, v1;
	v49 =	vld [tilespmem:s23+$0xFFFFFFB0];
	[tilespmem:v33+s19+$0x0] =	vst.idx.msk $0xffff, v0  }
0x2ee: {  	v30 =	vmov v8;
	v53 =	vadd.s32 v8, v41;
	v8 =	vld [tilespmem:$0x1FFC0]  }
0x2ef: {  	s25 =	simm.s32 $0x9;
	s29 =	simm.s32 $0xC;
	v54 =	vld [tilespmem:s23+$0xFFFFFFF0];
	[tilespmem:v3+s19+$0x0] =	vst.idx.msk $0xffff, v2  }
0x2f0: {  	v11 =	vmov v13;
	v46 =	vmov s25;
	v43 =	vmov s29;
	v13 =	vld [tilespmem:$0x1FF80]  }
0x2f1: {  	v46 =	vshrl.u32 v46, $0x3;
	v43 =	vshrl.u32 v43, $0x3;
	v19 =	vld [tilespmem:$0x1FED0]  }
0x2f2: {  	v47 =	vshll.u32 v46, v1;
	v46 =	vshll.u32 v43, v1;
	v23 =	vld [tilespmem:$0x1FF90]  }
0x2f3: {  	v43 =	vshll.u32 v58, v1;
	v45 =	vshll.u32 v59, v1;
	v41 =	vadd.s32 v8, v18;
	v18 =	vld [tilespmem:$0x1FEB0]  }
0x2f4: {  	s25 =	simm.s32 $0xF;
	s24 =	simm.s32 $0x10;
	v40 =	vmul.f32 $8.000000000e+00, v40;
	v48 =	vadd.s32 v61, v39;
	v39 =	vmul.f32 $8.000000000e+00, v38;
	v26 =	vld [tilespmem:$0x1FFA0]  }
.LBB2_18:
0x2f5: {  	v3 =	vld [tilespmem:s23+$0x30]  }
0x2f6: {  	v0 =	vmov s25;
	v2 =	vadd.s32 v19, v37;
	v33 =	vadd.s32 v13, v11;
	v11 =	vld [tilespmem:$0x1FFF0]  }
0x2f7: {  	v31 =	vld [tilespmem:$0x1FFE0];
	[tilespmem:v55+s19+$0x0] =	vst.idx.msk $0xffff, v39;
	v0 =	vshrl.u32 v0, $0x3;
	v38 =	vmul.f32 $8.000000000e+00, v50  }
0x2f8: {  	v36 =	vadd.s32 v18, v36;
	[tilespmem:v51+s19+$0x0] =	vst.idx.msk $0xffff, v40;
	v57 =	vld [tilespmem:s23+$0x70];
	v0 =	vshll.u32 v0, v1;
	v56 =	vmul.f32 $8.000000000e+00, v56  }
0x2f9: {  	v59 =	vld [tilespmem:s23+$0xB0];
	s23 =	sadd.s32 $0x200, s23;
	v40 =	vbroadcast v0, $0x0;
	v0 =	vmul.f32 $8.000000000e+00, v49;
	[tilespmem:v48+s19+$0x0] =	vst.idx.msk $0xffff, v38  }
0x2fa: {  	v35 =	vadd.s32 v23, v35;
	v58 =	vmul.f32 $8.000000000e+00, v52;
	[tilespmem:v53+s19+$0x0] =	vst.idx.msk $0xffff, v56;
	v38 =	vld [tilespmem:s23+$0xFFFFFF00]  }
0x2fb: {  	v39 =	vmov v15;
	v60 =	vmul.f32 $8.000000000e+00, v54;
	[tilespmem:v2+s19+$0x0] =	vst.idx.msk $0xffff, v0;
	v53 =	vld [tilespmem:s23+$0xC0]  }
0x2fc: {  	[tilespmem:v41+s19+$0x0] =	vst.idx.msk $0xffff, v58;
	v0 =	vmul.f32 $8.000000000e+00, v3;
	v2 =	vadd.s32 v20, v39;
	v3 =	vld [tilespmem:s23+$0xFFFFFF80]  }
0x2fd: {  	v34 =	vadd.s32 v26, v34;
	v41 =	vbroadcast v47, $0x0;
	[tilespmem:v36+s19+$0x0] =	vst.idx.msk $0xffff, v60;
	v36 =	vbroadcast v45, $0x0;
	v62 =	vld [tilespmem:s23+$0xFFFFFF40]  }
0x2fe: {  	v37 =	vbroadcast v44, $0x0;
	v63 =	vadd.s32 v7, v40;
	v55 =	vmul.f32 $8.000000000e+00, v57;
	v50 =	vld [tilespmem:s23+$0xFFFFFFC0]  }
0x2ff: {  	v48 =	vadd.s32 v10, v41;
	[tilespmem:v35+s19+$0x0] =	vst.idx.msk $0xffff, v0;
	v44 =	vadd.s32 v31, v36;
	v31 =	vld [tilespmem:$0x1FEE0];
	v38 =	vmul.f32 $8.000000000e+00, v38  }
0x300: {  	v0 =	vmul.f32 $8.000000000e+00, v59;
	v51 =	vld [tilespmem:s23+$0x0];
	[tilespmem:v33+s19+$0x0] =	vst.idx.msk $0xffff, v55  }
0x301: {  	v56 =	vmul.f32 $8.000000000e+00, v53;
	[tilespmem:v2+s19+$0x0] =	vst.idx.msk $0xffff, v38;
	v2 =	vmul.f32 $8.000000000e+00, v3;
	v3 =	vld [tilespmem:$0x1FF00]  }
0x302: {  	v45 =	vadd.s32 v11, v37;
	v57 =	vld [tilespmem:s23+$0x40];
	[tilespmem:v34+s19+$0x0] =	vst.idx.msk $0xffff, v0;
	v0 =	vmul.f32 $8.000000000e+00, v62  }
0x303: {  	v35 =	vbroadcast v46, $0x0;
	v59 =	vld [tilespmem:s23+$0x80];
	[tilespmem:v63+s19+$0x0] =	vst.idx.msk $0xffff, v56  }
0x304: {  	v42 =	vshll.u32 v42, v1;
	v15 =	vbroadcast v43, $0x0;
	[tilespmem:v48+s19+$0x0] =	vst.idx.msk $0xffff, v0;
	v62 =	vld [tilespmem:s23+$0xD0]  }
0x305: {  	v34 =	vbroadcast v42, $0x0;
	v58 =	vadd.s32 v31, v35;
	v33 =	vld [tilespmem:s23+$0xFFFFFF50]  }
0x306: {  	v0 =	vmul.f32 $8.000000000e+00, v50;
	v63 =	vld [tilespmem:s23+$0xFFFFFF10];
	v3 =	vadd.s32 v3, v15  }
0x307: {  	v47 =	vadd.s32 v27, v34;
	[tilespmem:v45+s19+$0x0] =	vst.idx.msk $0xffff, v2  }
0x308: {  	v60 =	vmov s24;
	v52 =	vadd.s32 v32, v41;
	v2 =	vmul.f32 $8.000000000e+00, v51;
	[tilespmem:v44+s19+$0x0] =	vst.idx.msk $0xffff, v0  }
0x309: {  	v42 =	vshrl.u32 v60, $0x3;
	v53 =	vadd.s32 v5, v39;
	v0 =	vmul.f32 $8.000000000e+00, v57;
	v55 =	vld [tilespmem:s23+$0xFFFFFFD0]  }
0x30a: {  	v45 =	vadd.s32 v24, v40;
	v60 =	vld [tilespmem:s23+$0xFFFFFF90];
	[tilespmem:v58+s19+$0x0] =	vst.idx.msk $0xffff, v2;
	v2 =	vmul.f32 $8.000000000e+00, v59;
	v33 =	vmul.f32 $8.000000000e+00, v33  }
0x30b: {  	[tilespmem:v3+s19+$0x0] =	vst.idx.msk $0xffff, v0;
	v0 =	vmul.f32 $8.000000000e+00, v62;
	v62 =	vmul.f32 $8.000000000e+00, v63;
	v63 =	vadd.s32 v28, v36  }
0x30c: {  	v49 =	vadd.s32 v12, v37;
	v56 =	vld [tilespmem:s23+$0x10];
	[tilespmem:v47+s19+$0x0] =	vst.idx.msk $0xffff, v2  }
0x30d: {  	s29 =	sadd.s32 $0x4, s24;
	v58 =	vld [tilespmem:s23+$0x90];
	[tilespmem:v52+s19+$0x0] =	vst.idx.msk $0xffff, v33  }
0x30e: {  	v43 =	vmov s29;
	v57 =	vld [tilespmem:s23+$0x50];
	[tilespmem:v53+s19+$0x0] =	vst.idx.msk $0xffff, v62;
	v62 =	vmul.f32 $8.000000000e+00, v55  }
0x30f: {  	s0 =	sadd.s32 $0x1, s24;
	v43 =	vshrl.u32 v43, $0x3;
	v50 =	vadd.s32 v21, v35;
	v60 =	vmul.f32 $8.000000000e+00, v60;
	[tilespmem:v45+s19+$0x0] =	vst.idx.msk $0xffff, v0;
	v53 =	vld [tilespmem:s23+$0xFFFFFF20]  }
0x310: {  	s28 =	sadd.s32 $0x3, s24;
	v48 =	vmov s0;
	v0 =	vshll.u32 v42, v1;
	v42 =	vadd.s32 v25, v15;
	[tilespmem:v63+s19+$0x0] =	vst.idx.msk $0xffff, v62;
	v63 =	vld [tilespmem:$0x1FEA0]  }
0x311: {  	v48 =	vshrl.u32 v48, $0x3;
	v44 =	vmov s28;
	v52 =	vadd.s32 v29, v34;
	[tilespmem:v49+s19+$0x0] =	vst.idx.msk $0xffff, v60;
	v45 =	vld [tilespmem:s23+$0xE0]  }
0x312: {  	s31 =	sadd.s32 $0x6, s24;
	v59 =	vshrl.u32 v44, $0x3;
	v44 =	vadd.s32 v4, v39;
	v38 =	vmul.f32 $8.000000000e+00, v56;
	v55 =	vld [tilespmem:s23+$0xFFFFFFA0]  }
0x313: {  	s30 =	sadd.s32 $0x5, s24;
	v2 =	vmov s31;
	v54 =	vld [tilespmem:s23+$0xFFFFFF60];
	v49 =	vadd.s32 v6, v40;
	v46 =	vmul.f32 $8.000000000e+00, v57  }
0x314: {  	v3 =	vmov s30;
	[tilespmem:v50+s19+$0x0] =	vst.idx.msk $0xffff, v38;
	v33 =	vmul.f32 $8.000000000e+00, v58;
	v58 =	vadd.s32 v16, v37  }
0x315: {  	v31 =	vmovc v19;
	v60 =	vld [tilespmem:s23+$0xFFFFFFE0];
	[tilespmem:v42+s19+$0x0] =	vst.idx.msk $0xffff, v46;
	v42 =	vshrl.u32 v2, $0x3;
	v2 =	vmul.f32 $8.000000000e+00, v53;
	v57 =	vadd.s32 v63, v41  }
0x316: {  	v19 =	vmovc v61;
	v47 =	vshll.u32 v48, v1;
	v3 =	vshrl.u32 v3, $0x3;
	v61 =	vld [tilespmem:s23+$0x20];
	[tilespmem:v52+s19+$0x0] =	vst.idx.msk $0xffff, v33;
	v45 =	vmul.f32 $8.000000000e+00, v45  }
0x317: {  	v38 =	vadd.s32 v14, v35;
	v62 =	vadd.s32 v17, v36;
	v33 =	vld [tilespmem:s23+$0xA0];
	[tilespmem:v44+s19+$0x0] =	vst.idx.msk $0xffff, v2;
	v2 =	vmul.f32 $8.000000000e+00, v55  }
0x318: {  	p0 =	slt.u32 s24, $0x78;
	s26 =	sadd.s32 $0x2, s24;
	v50 =	vbroadcast v0, $0x0;
	v0 =	vmul.f32 $8.000000000e+00, v54;
	v53 =	vadd.s32 v30, v40;
	v63 =	vld [tilespmem:s23+$0x60];
	[tilespmem:v49+s19+$0x0] =	vst.idx.msk $0xffff, v45  }
.Ltmp8:
0x319: {  	v11 =	vmovc v15;
	v51 =	vmov s26;
	v46 =	vshll.u32 v43, v1;
	v43 =	vshll.u32 v3, v1;
	v56 =	vld [tilespmem:s23+$0xF0];
	[tilespmem:v58+s19+$0x0] =	vst.idx.msk $0xffff, v2;
	(pc) =	sbr.rel @p0 .LBB2_18-.Ltmp8, $4  }
0x31a: {  	v51 =	vshrl.u32 v51, $0x3;
	v55 =	vadd.s32 v9, v15;
	v15 =	vmovc v50;
	v50 =	vld [tilespmem:s23+$0xFFFFFF30];
	[tilespmem:v57+s19+$0x0] =	vst.idx.msk $0xffff, v0;
	v0 =	vmul.f32 $8.000000000e+00, v60  }
0x31b: {  	v44 =	vshll.u32 v51, v1;
	v51 =	vadd.s32 v22, v34;
	v2 =	vmul.f32 $8.000000000e+00, v61;
	v49 =	vld [tilespmem:s23+$0xFFFFFFB0]  }
0x31c: {  	v45 =	vshll.u32 v59, v1;
	v41 =	vadd.s32 v8, v41;
	v61 =	vmov v19;
	v52 =	vld [tilespmem:s23+$0xFFFFFF70];
	[tilespmem:v62+s19+$0x0] =	vst.idx.msk $0xffff, v0  }
0x31d: {  	s25 =	sadd.s32 $0x7, s24;
	s24 =	sadd.s32 $0x8, s24;
	v40 =	vmul.f32 $8.000000000e+00, v33;
	v19 =	vmovc v31;
	v48 =	vadd.s32 v61, v39;
	[tilespmem:v38+s19+$0x0] =	vst.idx.msk $0xffff, v2;
	v39 =	vmul.f32 $8.000000000e+00, v63;
	v54 =	vld [tilespmem:s23+$0xFFFFFFF0]  }
0x31e: {  	_ =	sdelay $0x3  }
0x31f: {  	v2 =	vadd.s32 v19, v37;
	v3 =	vld [tilespmem:s23+$0x30];
	v33 =	vmul.f32 $8.000000000e+00, v56;
	[tilespmem:v55+s19+$0x0] =	vst.idx.msk $0xffff, v39  }
0x320: {  	v36 =	vadd.s32 v18, v36;
	v57 =	vmul.f32 $8.000000000e+00, v50;
	[tilespmem:v51+s19+$0x0] =	vst.idx.msk $0xffff, v40  }
0x321: {  	v35 =	vadd.s32 v23, v35;
	[tilespmem:v53+s19+$0x0] =	vst.idx.msk $0xffff, v33;
	v58 =	vmul.f32 $8.000000000e+00, v52  }
0x322: {  	v0 =	vmov s25;
	v59 =	vmul.f32 $8.000000000e+00, v49;
	[tilespmem:v48+s19+$0x0] =	vst.idx.msk $0xffff, v57  }
0x323: {  	v0 =	vshrl.u32 v0, $0x3;
	v38 =	vld [tilespmem:s23+$0x70];
	v62 =	vmul.f32 $8.000000000e+00, v54;
	[tilespmem:v41+s19+$0x0] =	vst.idx.msk $0xffff, v58  }
0x324: {  	s28 =	sadd.s32 $0x200, s23;
	v0 =	vshll.u32 v0, v1;
	v40 =	vld [tilespmem:s23+$0xB0];
	[tilespmem:v2+s19+$0x0] =	vst.idx.msk $0xffff, v59;
	v2 =	vmul.f32 $8.000000000e+00, v3  }
0x325: {  	v33 =	vld [tilespmem:s28+$0xC0];
	v0 =	vbroadcast v0, $0x0;
	v48 =	vadd.s32 v13, v11;
	[tilespmem:v36+s19+$0x0] =	vst.idx.msk $0xffff, v62  }
0x326: {  	v34 =	vadd.s32 v26, v34;
	v11 =	vld [tilespmem:s28+$0xFFFFFF00];
	[tilespmem:v35+s19+$0x0] =	vst.idx.msk $0xffff, v2  }
0x327: {  	v52 =	vmov v7;
	v63 =	vadd.s32 v7, v0;
	v7 =	vld [tilespmem:$0x1FFF0]  }
0x328: {  	v3 =	vadd.s32 v20, v15;
	v55 =	vmul.f32 $8.000000000e+00, v38  }
0x329: {  	v39 =	vld [tilespmem:s28+$0xFFFFFFC0];
	v2 =	vmul.f32 $8.000000000e+00, v40  }
0x32a: {  	v44 =	vbroadcast v44, $0x0;
	v41 =	vld [tilespmem:s28+$0xFFFFFF40];
	v33 =	vmul.f32 $8.000000000e+00, v33;
	[tilespmem:v48+s19+$0x0] =	vst.idx.msk $0xffff, v55  }
0x32b: {  	v62 =	vmul.f32 $8.000000000e+00, v11;
	v11 =	vmov v15;
	v15 =	vld [tilespmem:$0x1FFE0];
	[tilespmem:v34+s19+$0x0] =	vst.idx.msk $0xffff, v2  }
0x32c: {  	v47 =	vbroadcast v47, $0x0;
	v51 =	vmov v7;
	v58 =	vadd.s32 v7, v44;
	v7 =	vld [tilespmem:$0x1FEE0];
	[tilespmem:v63+s19+$0x0] =	vst.idx.msk $0xffff, v33  }
0x32d: {  	v54 =	vld [tilespmem:s28+$0xFFFFFF80];
	[tilespmem:v3+s19+$0x0] =	vst.idx.msk $0xffff, v62  }
0x32e: {  	v45 =	vbroadcast v45, $0x0;
	v38 =	vadd.s32 v10, v47;
	v63 =	vld [tilespmem:$0x1FF00]  }
0x32f: {  	v57 =	vmov v10;
	v10 =	vld [tilespmem:s28+$0xFFFFFF10]  }
0x330: {  	v42 =	vshll.u32 v42, v1;
	v46 =	vbroadcast v46, $0x0;
	v59 =	vld [tilespmem:s28+$0x0];
	v48 =	vadd.s32 v15, v45  }
0x331: {  	v43 =	vbroadcast v43, $0x0;
	v49 =	vld [tilespmem:s28+$0x40];
	v40 =	vadd.s32 v5, v11;
	v2 =	vmul.f32 $8.000000000e+00, v41  }
0x332: {  	v42 =	vbroadcast v42, $0x0;
	v41 =	vld [tilespmem:s28+$0x80];
	v3 =	vmul.f32 $8.000000000e+00, v54;
	v34 =	vadd.s32 v7, v46  }
0x333: {  	v36 =	vld [tilespmem:s28+$0xD0];
	[tilespmem:v38+s19+$0x0] =	vst.idx.msk $0xffff, v2;
	v2 =	vmul.f32 $8.000000000e+00, v39;
	v33 =	vadd.s32 v63, v43  }
0x334: {  	v38 =	vadd.s32 v27, v42;
	v39 =	vld [tilespmem:s28+$0xFFFFFF50];
	[tilespmem:v58+s19+$0x0] =	vst.idx.msk $0xffff, v3;
	v10 =	vmul.f32 $8.000000000e+00, v10  }
0x335: {  	v35 =	vadd.s32 v24, v0;
	v3 =	vmul.f32 $8.000000000e+00, v59;
	v50 =	vld [tilespmem:s28+$0xFFFFFF90];
	[tilespmem:v48+s19+$0x0] =	vst.idx.msk $0xffff, v2  }
0x336: {  	v2 =	vmul.f32 $8.000000000e+00, v49;
	v48 =	vadd.s32 v32, v47;
	v49 =	vld [tilespmem:s28+$0xFFFFFFD0];
	[tilespmem:v40+s19+$0x0] =	vst.idx.msk $0xffff, v10  }
0x337: {  	[tilespmem:v34+s19+$0x0] =	vst.idx.msk $0xffff, v3;
	v3 =	vmul.f32 $8.000000000e+00, v41;
	v34 =	vadd.s32 v12, v44  }
0x338: {  	[tilespmem:v33+s19+$0x0] =	vst.idx.msk $0xffff, v2;
	v2 =	vmul.f32 $8.000000000e+00, v36;
	v36 =	vadd.s32 v28, v45  }
0x339: {  	[tilespmem:v38+s19+$0x0] =	vst.idx.msk $0xffff, v3;
	v3 =	vmul.f32 $8.000000000e+00, v39  }
0x33a: {  	[tilespmem:v35+s19+$0x0] =	vst.idx.msk $0xffff, v2;
	v2 =	vmul.f32 $8.000000000e+00, v50  }
0x33b: {  	v62 =	vld [tilespmem:s28+$0x10];
	[tilespmem:v48+s19+$0x0] =	vst.idx.msk $0xffff, v3;
	v3 =	vmul.f32 $8.000000000e+00, v49  }
0x33c: {  	v37 =	vld [tilespmem:s28+$0x50];
	[tilespmem:v34+s19+$0x0] =	vst.idx.msk $0xffff, v2  }
0x33d: {  	v39 =	vld [tilespmem:s28+$0x90];
	[tilespmem:v36+s19+$0x0] =	vst.idx.msk $0xffff, v3  }
0x33e: {  	v41 =	vadd.s32 v4, v11;
	v38 =	vadd.s32 v21, v46;
	v4 =	vld [tilespmem:$0x1FEA0]  }
0x33f: {  	v55 =	vadd.s32 v25, v43;
	v40 =	vld [tilespmem:s28+$0xFFFFFF20]  }
0x340: {  	v35 =	vld [tilespmem:s28+$0xE0];
	v48 =	vadd.s32 v29, v42  }
0x341: {  	v10 =	vld [tilespmem:s28+$0xFFFFFF60];
	v2 =	vmul.f32 $8.000000000e+00, v62  }
0x342: {  	v34 =	vadd.s32 v6, v0;
	v50 =	vld [tilespmem:s28+$0xFFFFFFA0];
	v3 =	vmul.f32 $8.000000000e+00, v37  }
0x343: {  	v37 =	vld [tilespmem:s28+$0xFFFFFFE0];
	[tilespmem:v38+s19+$0x0] =	vst.idx.msk $0xffff, v2;
	v2 =	vmul.f32 $8.000000000e+00, v39;
	v36 =	vadd.s32 v4, v47  }
0x344: {  	v38 =	vadd.s32 v16, v44;
	v39 =	vld [tilespmem:s28+$0x20];
	[tilespmem:v55+s19+$0x0] =	vst.idx.msk $0xffff, v3;
	v55 =	vmul.f32 $8.000000000e+00, v40  }
0x345: {  	v3 =	vmul.f32 $8.000000000e+00, v35;
	v35 =	vadd.s32 v17, v45;
	v40 =	vld [tilespmem:s28+$0x60];
	[tilespmem:v48+s19+$0x0] =	vst.idx.msk $0xffff, v2  }
0x346: {  	v2 =	vmul.f32 $8.000000000e+00, v10;
	v48 =	vadd.s32 v14, v46;
	v10 =	vld [tilespmem:s28+$0xA0];
	[tilespmem:v41+s19+$0x0] =	vst.idx.msk $0xffff, v55  }
0x347: {  	v33 =	vadd.s32 v9, v43;
	[tilespmem:v34+s19+$0x0] =	vst.idx.msk $0xffff, v3;
	v3 =	vmul.f32 $8.000000000e+00, v50;
	v41 =	vld [tilespmem:s28+$0xFFFFFF30]  }
0x348: {  	v34 =	vld [tilespmem:s28+$0xF0];
	[tilespmem:v36+s19+$0x0] =	vst.idx.msk $0xffff, v2;
	v2 =	vmul.f32 $8.000000000e+00, v37;
	v36 =	vadd.s32 v22, v42  }
0x349: {  	[tilespmem:v38+s19+$0x0] =	vst.idx.msk $0xffff, v3;
	v38 =	vadd.s32 v61, v11;
	v3 =	vmul.f32 $8.000000000e+00, v39;
	v55 =	vld [tilespmem:s28+$0xFFFFFF70]  }
0x34a: {  	v0 =	vadd.s32 v30, v0;
	v39 =	vld [tilespmem:s28+$0xFFFFFFB0];
	[tilespmem:v35+s19+$0x0] =	vst.idx.msk $0xffff, v2;
	v2 =	vmul.f32 $8.000000000e+00, v40  }
0x34b: {  	v61 =	vadd.s32 v8, v47;
	[tilespmem:v48+s19+$0x0] =	vst.idx.msk $0xffff, v3;
	v3 =	vmul.f32 $8.000000000e+00, v10;
	v9 =	vld [tilespmem:s28+$0xFFFFFFF0]  }
0x34c: {  	v44 =	vadd.s32 v19, v44;
	v10 =	vld [tilespmem:s28+$0x30];
	v11 =	vmul.f32 $8.000000000e+00, v41;
	[tilespmem:v33+s19+$0x0] =	vst.idx.msk $0xffff, v2  }
0x34d: {  	v45 =	vadd.s32 v18, v45;
	v2 =	vmul.f32 $8.000000000e+00, v34;
	v48 =	vld [tilespmem:s28+$0x70];
	[tilespmem:v36+s19+$0x0] =	vst.idx.msk $0xffff, v3  }
0x34e: {  	v60 =	vmov v13;
	v49 =	vadd.s32 v23, v46;
	[tilespmem:v38+s19+$0x0] =	vst.idx.msk $0xffff, v11;
	v3 =	vmul.f32 $8.000000000e+00, v55;
	v55 =	vld [tilespmem:s28+$0xB0]  }
0x34f: {  	[tilespmem:v0+s19+$0x0] =	vst.idx.msk $0xffff, v2;
	v0 =	vmul.f32 $8.000000000e+00, v39;
	v2 =	vadd.s32 v60, v43  }
0x350: {  	[tilespmem:v61+s19+$0x0] =	vst.idx.msk $0xffff, v3;
	v3 =	vmul.f32 $8.000000000e+00, v9;
	v61 =	vadd.s32 v26, v42  }
0x351: {  	[tilespmem:v44+s19+$0x0] =	vst.idx.msk $0xffff, v0;
	v0 =	vmul.f32 $8.000000000e+00, v10  }
0x352: {  	[tilespmem:v45+s19+$0x0] =	vst.idx.msk $0xffff, v3;
	v3 =	vmul.f32 $8.000000000e+00, v48  }
0x353: {  	[tilespmem:v49+s19+$0x0] =	vst.idx.msk $0xffff, v0;
	v0 =	vmul.f32 $8.000000000e+00, v55  }
0x354: {  	[tilespmem:v2+s19+$0x0] =	vst.idx.msk $0xffff, v3  }
0x355: {  	s0 =	simm.s32 $0xC600;
	[tilespmem:v61+s19+$0x0] =	vst.idx.msk $0xffff, v0  }
0x356: {  	[hbm4b:s9+s3] =	stream.linear.scatter [tilespmem:s0], [sflag:$0x4], $0x80, $0x38;
	[tilespmem:$0xE800] =	vst v63  }
0x357: {  	s29 =	simm.s32 $0xC688;
	s2 =	sadd.s32 $0x10, s9  }
0x358: {  	[hbm4b:s2+s3] =	stream.linear.scatter [tilespmem:s29], [sflag:$0x4], $0x80, $0x38;
	[tilespmem:$0xE800] =	vst v63  }
0x359: {  	s30 =	simm.s32 $0xC710;
	s31 =	sadd.s32 $0x20, s9;
	s24 =	sadd.s32 $0x30, s9  }
0x35a: {  	[hbm4b:s31+s3] =	stream.linear.scatter [tilespmem:s30], [sflag:$0x4], $0x80, $0x38;
	[tilespmem:$0xE800] =	vst v63  }
0x35b: {  	s25 =	simm.s32 $0xC820;
	s26 =	sadd.s32 $0x40, s9;
	s23 =	simm.s32 $0xC798  }
0x35c: {  	[hbm4b:s24+s3] =	stream.linear.scatter [tilespmem:s23], [sflag:$0x4], $0x80, $0x38;
	[tilespmem:$0xE800] =	vst v63  }
0x35d: {  	s28 =	simm.s32 $0xC8A8;
	s0 =	sadd.s32 $0x70, s9;
	s29 =	sadd.s32 $0x50, s9  }
0x35e: {  	[hbm4b:s26+s3] =	stream.linear.scatter [tilespmem:s25], [sflag:$0x4], $0x80, $0x38;
	[tilespmem:$0xE800] =	vst v63  }
0x35f: {  	s30 =	simm.s32 $0xC930;
	s31 =	sadd.s32 $0x60, s9;
	s23 =	simm.s32 $0x440  }
0x360: {  	v56 =	vmovc v28;
	v53 =	vmov v32;
	v13 =	vmov v16;
	v20 =	vmov v21;
	[hbm4b:s29+s3] =	stream.linear.scatter [tilespmem:s28], [sflag:$0x4], $0x80, $0x38;
	[tilespmem:$0xE800] =	vst v63  }
0x361: {  	v59 =	vmovc v24;
	v58 =	vmovc v25;
	v25 =	vmov v29;
	v54 =	vmov v63;
	v63 =	vmov v5;
	s24 =	sadd.s32 $0x1000, s9;
	s25 =	simm.s32 $0x2200;
	s26 =	simm.s32 $0xC9B8  }
0x362: {  	v62 =	vmovc v6;
	v6 =	vmovc v23;
	v23 =	vmov v60;
	v18 =	vmov v26;
	v50 =	vmov v8;
	[hbm4b:s31+s3] =	stream.linear.scatter [tilespmem:s30], [sflag:$0x4], $0x80, $0x38;
	[tilespmem:$0xE800] =	vst v63  }
.LBB2_20:
0x363: {  	[hbm4b:s0+s3] =	stream.linear.scatter [tilespmem:s26], [sflag:$0x4], $0x80, $0x38;
	[tilespmem:$0xE800] =	vst v63  }
0x364: {  	s0 =	smov.u32 s23;
	s2 =	smov.u32 s25  }
0x365: {  	s23 =	sshra.s32 s2, $0x2;
	s2 =	sadd.s32 $0x1100, s25;
	s26 =	sadd.s32 $0xC600, s0  }
0x366: {  	[hbm4b:s24+s3] =	stream.linear.scatter [tilespmem:s26], [sflag:$0x4], $0x80, $0x38;
	[tilespmem:$0xE800] =	vst v63  }
0x367: {  	p0 =	sne.s32 s25, $0x7700;
	s25 =	sadd.s32 $0xC688, s0;
	s26 =	sadd.s32 $0x10, s24  }
0x368: {  	[hbm4b:s26+s3] =	stream.linear.scatter [tilespmem:s25], [sflag:$0x4], $0x80, $0x38;
	[tilespmem:$0xE800] =	vst v63  }
0x369: {  	s25 =	sadd.s32 $0xC710, s0;
	s26 =	sadd.s32 $0x20, s24  }
0x36a: {  	[hbm4b:s26+s3] =	stream.linear.scatter [tilespmem:s25], [sflag:$0x4], $0x80, $0x38;
	[tilespmem:$0xE800] =	vst v63  }
0x36b: {  	s25 =	sadd.s32 $0xC798, s0;
	s26 =	sadd.s32 $0x30, s24  }
0x36c: {  	[hbm4b:s26+s3] =	stream.linear.scatter [tilespmem:s25], [sflag:$0x4], $0x80, $0x38;
	[tilespmem:$0xE800] =	vst v63  }
0x36d: {  	s25 =	sadd.s32 $0xC820, s0;
	s26 =	sadd.s32 $0x40, s24  }
0x36e: {  	[hbm4b:s26+s3] =	stream.linear.scatter [tilespmem:s25], [sflag:$0x4], $0x80, $0x38;
	[tilespmem:$0xE800] =	vst v63  }
0x36f: {  	s25 =	sadd.s32 $0xC8A8, s0;
	s26 =	sadd.s32 $0x50, s24  }
0x370: {  	[hbm4b:s26+s3] =	stream.linear.scatter [tilespmem:s25], [sflag:$0x4], $0x80, $0x38;
	[tilespmem:$0xE800] =	vst v63  }
.Ltmp9:
0x371: {  	_ = 	snop;
	(pc) =	sbr.rel @p0 .LBB2_20-.Ltmp9, $4  }
0x372: {  	s25 =	sadd.s32 $0xC930, s0;
	s26 =	sadd.s32 $0x60, s24  }
0x373: {  	[hbm4b:s26+s3] =	stream.linear.scatter [tilespmem:s25], [sflag:$0x4], $0x80, $0x38;
	[tilespmem:$0xE800] =	vst v63  }
0x374: {  	s26 =	sadd.s32 $0xC9B8, s0  }
0x375: {  	s0 =	sadd.s32 $0x70, s24;
	s24 =	sadd.s32 $0x1000, s24;
	s25 =	smov.u32 s2  }
0x376: {  	[hbm4b:s0+s3] =	stream.linear.scatter [tilespmem:s26], [sflag:$0x4], $0x80, $0x38;
	[tilespmem:$0xE800] =	vst v63  }
0x377: {  	s30 =	sadd.s32 $0xC600, s23  }
0x378: {  	[hbm4b:s24+s3] =	stream.linear.scatter [tilespmem:s30], [sflag:$0x4], $0x80, $0x38;
	[tilespmem:$0xE800] =	vst v63  }
0x379: {  	s31 =	sadd.s32 $0xC688, s23;
	s2 =	sadd.s32 $0x10, s24  }
0x37a: {  	[hbm4b:s2+s3] =	stream.linear.scatter [tilespmem:s31], [sflag:$0x4], $0x80, $0x38;
	[tilespmem:$0xE800] =	vst v63  }
0x37b: {  	s25 =	sadd.s32 $0xC710, s23;
	s26 =	sadd.s32 $0x20, s24  }
0x37c: {  	[hbm4b:s26+s3] =	stream.linear.scatter [tilespmem:s25], [sflag:$0x4], $0x80, $0x38;
	[tilespmem:$0xE800] =	vst v63  }
0x37d: {  	s28 =	sadd.s32 $0xC798, s23;
	s29 =	sadd.s32 $0x30, s24  }
0x37e: {  	[hbm4b:s29+s3] =	stream.linear.scatter [tilespmem:s28], [sflag:$0x4], $0x80, $0x38;
	[tilespmem:$0xE800] =	vst v63  }
0x37f: {  	s30 =	sadd.s32 $0xC820, s23;
	s31 =	sadd.s32 $0x40, s24  }
0x380: {  	[hbm4b:s31+s3] =	stream.linear.scatter [tilespmem:s30], [sflag:$0x4], $0x80, $0x38;
	[tilespmem:$0xE800] =	vst v63  }
0x381: {  	s25 =	sadd.s32 $0xC8A8, s23;
	s26 =	sadd.s32 $0x50, s24  }
0x382: {  	[hbm4b:s26+s3] =	stream.linear.scatter [tilespmem:s25], [sflag:$0x4], $0x80, $0x38;
	[tilespmem:$0xE800] =	vst v63  }
0x383: {  	s28 =	sadd.s32 $0xC930, s23;
	s29 =	sadd.s32 $0x60, s24  }
0x384: {  	[hbm4b:s29+s3] =	stream.linear.scatter [tilespmem:s28], [sflag:$0x4], $0x80, $0x38;
	[tilespmem:$0xE800] =	vst v63  }
0x385: {  	s22 =	sadd.s32 $0x1, s22;
	s30 =	sadd.s32 $0xC9B8, s23;
	s31 =	sadd.s32 $0x70, s24  }
0x386: {  	[hbm4b:s31+s3] =	stream.linear.scatter [tilespmem:s30], [sflag:$0x4], $0x80, $0x38;
	[tilespmem:$0xE800] =	vst v63  }
0x387: {  	p0 =	sne.s32 s22, s10;
	_ =	swait.ge [sflag:s20], $0x2000  }
.Ltmp10:
0x388: {  	[sflag:s20] =	ssyncset.done $0x0;
	(pc) =	sbr.rel @p0 .LBB2_1-.Ltmp10, $4  }
0x389: {  	[sflag:s20] =	ssyncadd.s32 $0xFFFFE000  }
0x38a: {  	_ =	swait.ge [sflag:s21], $0x2000  }
0x38b: {  	v22 =	vmovc v6;
	v30 =	vmovc v18;
	v11 =	vmov v51;
	v14 =	vmov v52;
	v9 =	vmov v53;
	[sflag:s21] =	ssyncset.done $0x0;
	v3 =	vld [tilespmem:$0x1FEC0]  }
0x38c: {  	v32 =	vmovc v54;
	v16 =	vmovc v56;
	v10 =	vmov v50;
	v6 =	vmov v57;
	v26 =	vmov v58;
	v5 =	vld [tilespmem:$0x1FF60];
	[sflag:s21] =	ssyncadd.s32 $0xFFFFE000  }
0x38d: {  	_ =	sfence.sel $0x180000  }
0x38e: {  	[bflag:$0x0] =	sbarrier.arrive $0xFFFF  }
0x38f: {  	_ =	strace $0x9000004A  }
0x390: {  	s0 =	stileid.u32;
	[bflag:$0x2] =	sbarrier.arrive $0xFFFF  }
0x391: {  	p0 =	sne.s32 s0, $0x0;
	s0 =	rddreg [dreg:$0x2]  }
0x392: {  	s0 =	sadd.s32 @!p0 $0x100000, s0  }
0x393: {  	[sflag:s0] =	ssyncadd.tile.s32 @!p0 $0x1;
	_ =	shalt  }
.Lfunc_end2:
_tile_overlayer_lowered:
.L_overlay_start_2:
0x394: {  	(tag) =	ssettag $0x2  }
0x395: {  	s0 =	rddreg [dreg:$0x0];
	s2 =	stileid.u32  }
0x396: {  	s1 =	rddreg [dreg:$0x1];
	p0 =	sne.s32 s2, $0x0  }
0x397: {  	s3 =	rddreg [dreg:$0x2];
	[bflag:$0x3] =	sbarrier.arrive $0xFFFF;
	s2 =	simm.s32 @!p0 $0x1C05  }
0x398: {  	[timem:s3], [sflag:s2] =	dma.local @!p0 [hbm:s0], s1  }
0x399: {  	s0 =	simm.s32 @!p0 $0x5  }
0x39a: {  	_ =	swait.ge @!p0 [sflag:s0], s1  }
0x39b: {  	s1 =	ssub.s32 @!p0 $0x0, s1;
	[sflag:s0] =	ssyncset.done @!p0 $0x0  }
0x39c: {  	[sflag:s0] =	ssyncadd.s32 @!p0 s1  }
0x39d: {  	[bflag:$0x3] =	sbarrier.arrive $0xFFFF  }
0x39e: {  	_ =	shalt  }

// kernel: sparse-core-data-format-call.cloned.1.call-start
scs
called_computation_lowered:
.L_overlay_start_0:
0x0: {  	s2 =	sld [smem:$0x3FD9]  }
0x1: {  	s3 =	sld [smem:$0x3FFE];
	_ =	sdelay $0x1  }
0x2: {  	s1 =	srdreg.scid  }
0x3: {  	s0 =	sand.u32 $0x1, s1  }
0x4: {  	s18 =	sshll.u32 s0, $0xA;
	s2 =	sadd.s32 s3, s2  }
0x5: {  	s2 =	sadd.s32 s2, s18  }
0x6: {  	[smem:$0x3FC6] =	sst s2  }
0x7: {  	_ = 	snop  }
0x8: {  	s2 =	sld [smem:$0x3FC8];
	(tm) =	ssettm $0x1  }
0x9: {  	s19 =	sld [smem:$0x3FFB];
	_ =	sdelay $0x3  }
0xa: {  	_ =	strace s19  }
0xb: {  	s3 =	sld [smem:$0x3FFC];
	_ =	sdelay $0x3  }
0xc: {  	_ =	strace s3  }
0xd: {  	s3 =	sld [smem:$0x3FFD];
	_ =	sdelay $0x3  }
0xe: {  	_ =	strace s3  }
0xf: {  	_ =	strace $0x8FFFFFFF  }
0x10: {  	s20 =	sld [smem:$0x3FDB];
	_ =	sdelay $0x1  }
0x11: {  	s4 =	simm.s32 $_scs_section_size  }
0x12: {  	s5 =	simm.s32 $_size__tile_overlayer_lowered;
	s6 =	simm.s32 $_tile_overlayer_lowered  }
0x13: {  	s23 =	simm.s32 $0x1BFF;
	s22 =	sshll.u32 s6, $0x1;
	s3 =	sadd.s32 s4, s20  }
0x14: {  	s7 =	simm.s32 $0x0;
	s21 =	sshll.u32 s5, $0x1;
	s5 =	sadd.s32 s22, s3  }
0x15: {  	[timem:s7], [sflag:s23] =	dma.local [hbm:s5], s21  }
0x16: {  	_ =	swait.ge [sflag:s23], s21  }
0x17: {  	s4 =	ssub.s32 $0x0, s21;
	[sflag:s23] =	ssyncset.done $0x0  }
0x18: {  	[sflag:s23] =	ssyncadd.s32 s4;
	_ =	sdelay $0x1  }
0x19: {  	s24 =	simm.s32 $0x1B8B  }
0x1a: {  	_ =	swait.ge [sflag:s24], $0x1  }
0x1b: {  	[sflag:s24] =	ssyncset.done $0x0  }
0x1c: {  	s26 =	simm.s32 $0x1B8E;
	s25 =	sld [smem:$0x3FFE];
	[sflag:s24] =	ssyncadd.s32 $0xFFFFFFFF  }
0x1d: {  	s27 =	simm.s32 $execute0_lowered;
	[smem:$0x3FD2] =	sst s26  }
0x1e: {  	s5 =	sshll.u32 s27, $0x1;
	_ =	strace $0x80000046;
	[dreg:$0x1] =	wrdreg $0xFFFFFFFF  }
0x1f: {  	s28 =	simm.s32 $_size_execute0_lowered;
	s3 =	sadd.s32 s3, s5;
	[dreg:$0x0] =	wrdreg $0x0  }
0x20: {  	s5 =	sshll.u32 s28, $0x1;
	[dreg:$0x2] =	wrdreg s3  }
0x21: {  	[dreg:$0x3] =	wrdreg s5  }
0x22: {  	[dreg:$0x4] =	wrdreg $0xC0  }
0x23: {  	_ =	task [dreg:s7], $0x5FFFF  }
0x24: {  	[dreg:$0x1] =	wrdreg $0xFFFFFFFF  }
0x25: {  	[dreg:$0x0] =	wrdreg $0x60  }
0x26: {  	[dreg:$0x2] =	wrdreg s2  }
0x27: {  	[dreg:$0x3] =	wrdreg s25  }
0x28: {  	[dreg:$0x4] =	wrdreg $0x9  }
0x29: {  	_ =	task.clear_ibuf [dreg:s7], $0x5FFFF;
	_ =	strace $0x90000046  }
0x2a: {  	s29 =	simm.s32 $0x9;
	_ =	strace $0x80000048  }
0x2b: {  	_ =	swait.ge [sflag:s29], $0x1  }
0x2c: {  	[sflag:s29] =	ssyncadd.s32 $0xFFFFFFFF  }
0x2d: {  	_ =	strace $0x90000048  }
0x2e: {  	_ =	sfence  }
0x2f: {  	s30 =	sld [smem:$0x0];
	_ =	sdelay $0x2  }
0x30: {  	s31 =	sshll.u32 s1, $0xD;
	s1 =	sshrl.u32 s1, $0x2  }
0x31: {  	s3 =	sand.u32 $0x4000, s31;
	s1 =	sadd.s32 s1, s30  }
0x32: {  	s0 =	sor.u32 s3, s0;
	s1 =	sshll.u32 s1, $0x11  }
0x33: {  	s0 =	sor.u32 s1, s0  }
0x34: {  	s0 =	sadd.s32 $0x8F2B, s0  }
0x35: {  	[sflag:s0] =	ssyncadd.remote.s32 $0x1  }
0x36: {  	_ =	sfence.sel $0xFFFF  }
0x37: {  	[dreg:$0x0] =	wrdreg $0xFFFFFFFF;
	(pc) =	sbr.abs _section_cstart, $3  }
0x38: {  	[dreg:$0x1] =	wrdreg $0xFFFFFFFF  }
0x39: {  	_ =	task.clear_ibuf [dreg:s7], $0x2FFFF;
	_ =	strace $0x9FFFFFFF  }
0x3a: {  	(tm) =	ssettm $0x7FFFFFFF  }
0x3b: {  	_ =	shalt  }
tec
execute0_lowered:
.L_overlay_start_1:
0x0: {  	(tag) =	ssettag $0x1  }
0x1: {  	s0 =	srdreg.scid;
	s2 =	rddreg [dreg:$0x0]  }
0x2: {  	s5 =	rddreg [dreg:$0x1];
	s1 =	stileid.u32  }
0x3: {  	s4 =	simm.s32 $0x1;
	s6 =	simm.s32 $0x2;
	s15 =	simm.s32 $0x0  }
0x4: {  	p0 =	por $0x0, $0x0;
	s8 =	simm.s32 $0x80;
	s0 =	sshll.u32 s0, $0x4  }
0x5: {  	s14 =	simm.s32 $0x0;
	s9 =	simm.s32 $0x0;
	s3 =	sand.u32 $0x10, s0  }
.Ltmp0:
0x6: {  	s10 =	simm.s32 $0x0;
	s3 =	sor.u32 s1, s3;
	(pc) =	sbr.rel .LBB1_1-.Ltmp0, $4  }
0x7: {  	s0 =	rddreg [dreg:$0x2];
	_ =	strace $0x80000047;
	s3 =	sshll.u32 s3, $0x7  }
0x8: {  	s12 =	simm.s32 $0x0;
	[sflag:s4] =	ssyncpa.u1 $0x0;
	s7 =	ssub.s32 $0xF4200, s3  }
0x9: {  	s13 =	simm.s32 $0x0;
	[sflag:s6] =	ssyncpa.u1 $0x0;
	s6 =	sshrl.u32 s7, $0xC  }
0xa: {  	s5 =	sadd.s32 $0xA00, s5;
	s11 =	smov.u32 s3;
	s7 =	sadd.s32 $0x2, s6  }
.LBB1_5:
0xb: {  	p1 =	slt.u32 s13, $0x2  }
0xc: {  	s17 =	smov.u32 s15;
	p2 =	sgt.s32 @!p1 s15, $0xF41C0;
	s16 =	sshra.s32 @!p1 s15, $0x1F  }
0xd: {  	p3 =	sgt.s32 @!p1 s14, $0x40;
	s18 =	sshra.s32 @!p1 s14, $0x1F;
	p2 =	por !p2, p1  }
0xe: {  	s15 =	sand.u32 @!p1 s16, s15;
	p3 =	por !p3, p1;
	s16 =	smov.u32 s14  }
0xf: {  	s14 =	sand.u32 @!p1 s18, s14;
	s17 =	simm.s32 @p2 $0xF41C0;
	s16 =	simm.s32 @p3 $0x40  }
0x10: {  	s15 =	ssub.s32 @!p1 s17, s15;
	s14 =	ssub.s32 @!p1 s16, s14  }
0x11: {  	s18 =	smov.u32 s12;
	s16 =	sadd.s32 @!p1 $0xFFF0BE40, s15;
	s17 =	sadd.s32 @!p1 $0xFFFFFFC0, s14  }
0x12: {  	s15 =	ssub.s32 @!p1 $0xF4240, s15;
	p2 =	sgt.s32 @!p1 s16, $0x7F;
	p3 =	sgt.s32 @!p1 s17, $0x3F  }
0x13: {  	s14 =	ssub.s32 @!p1 $0x80, s14;
	p2 =	por !p2, p1;
	p3 =	por !p3, p1  }
0x14: {  	s16 =	sadd.s32 $0x1000, s11;
	s15 =	simm.s32 @!p2 $0x0;
	s14 =	simm.s32 @!p3 $0x0  }
0x15: {  	p2 =	sgt.s32 s16, $0xF423F;
	s14 =	smul.u32 @!p1 s14, s15;
	s15 =	sadd.s32 $0x40, s12  }
0x16: {  	s18 =	smov.u32 @p2 s15  }
0x17: {  	s16 =	smov.u32 @p2 s3;
	p2 =	sgt.s32 s18, $0x3F  }
0x18: {  	s18 =	simm.s32 @p2 $0x0;
	p2 =	sne.s32 s13, s7  }
.Ltmp1:
0x19: {  	p0 =	por !p0, !p0;
	s17 =	simm.s32 @!p1 $0x2;
	(pc) =	sbr.rel @!p2 .LBB1_6-.Ltmp1, $4  }
0x1a: {  	s15 =	smov.u32 s9;
	s9 =	smov.u32 s11;
	s14 =	sand.u32 @!p1 $0x3FFFFFFF, s14  }
0x1b: {  	s11 =	smov.u32 s16;
	_ =	swait.ge @!p1 [sflag:s17], s14;
	s19 =	ssub.s32 @!p1 $0x0, s14  }
0x1c: {  	s14 =	smov.u32 s10;
	s13 =	sadd.s32 $0x1, s13;
	[sflag:s17] =	ssyncset.done @!p1 $0x0  }
0x1d: {  	s10 =	smov.u32 s12;
	s12 =	smov.u32 s18;
	[sflag:s17] =	ssyncadd.s32 @!p1 s19  }
.LBB1_1:
0x1e: {  	p1 =	sgt.u32 s13, s6  }
0x1f: {  	s16 =	sshrl.u32 @!p1 s12, $0x3  }
0x20: {  	s17 =	sshll.u32 @!p1 s11, $0x3;
	s16 =	smul.u32 @!p1 $0x7A1400, s16  }
0x21: {  	s18 =	sshll.u32 @!p1 s12, $0x7;
	s17 =	sand.u32 @!p1 $0xFFFFFC00, s17  }
0x22: {  	s16 =	sadd.s32 @!p1 s16, s17;
	s17 =	sand.u32 @!p1 $0x380, s18  }
0x23: {  	s18 =	sand.u32 @!p1 $0x7F, s11;
	s16 =	sor.u32 @!p1 s17, s16  }
0x24: {  	s17 =	sor.u32 @!p1 s18, s16  }
0x25: {  	s18 =	smulhi.u32 @!p1 $0x218D6287, s17;
	_ =	sdelay $0x1  }
0x26: {  	s16 =	smulhi.u32 @!p1 $0x218D6287, s16;
	s18 =	sshrl.u32 @!p1 s18, $0x11  }
0x27: {  	s18 =	smul.u32 @!p1 $0xF4280, s18  }
0x28: {  	s19 =	sxor.u32 @!p1 $0xFFFFFFFF, s13;
	s16 =	sshrl.u32 @!p1 s16, $0x11  }
0x29: {  	s19 =	sshll.u32 @!p1 s19, $0xD;
	s16 =	sand.u32 @!p1 $0x3F, s16;
	s17 =	ssub.s32 @!p1 s17, s18  }
0x2a: {  	s16 =	smul.u32 @!p1 $0x1E850, s16;
	s18 =	sshrl.u32 @!p1 s17, $0x3;
	s17 =	sand.u32 @!p1 $0x7, s17  }
0x2b: {  	s19 =	sand.u32 @!p1 $0x2000, s19;
	s18 =	sadd.s32 @!p1 s2, s18;
	s17 =	sshll.u32 @!p1 s17, $0x12  }
0x2c: {  	s16 =	sadd.s32 @!p1 s16, s18;
	s17 =	sor.u32 @!p1 $0x400, s17;
	s18 =	simm.s32 @!p1 $0x7A1400  }
0x2d: {  	[tilespmem:s19], [sflag:$0x1] =	stream.strided.gather @!p1 [hbm4b:s16+s17], $0x2000, s18, s17, $0x38;
	[tilespmem:$0x8100] =	vst v63  }
0x2e: {  	p1 =	seq.s32 s13, $0x0  }
0x2f: {  	p2 =	sge.u32 @!p1 s13, s7  }
0x30: {  	p1 =	por p1, p2  }
.Ltmp2:
0x31: {  	_ = 	snop;
	(pc) =	sbr.rel @p1 .LBB1_5-.Ltmp2, $1  }
0x32: {  	_ =	sdelay $0x3  }
0x33: {  	s16 =	simm.s32 $0x1  }
0x34: {  	_ =	swait.ge [sflag:s4], $0x2000;
	s16 =	simm.s32 @!p0 $0x0  }
0x35: {  	[sflag:s4] =	ssyncset.done $0x0;
	s17 =	sshll.u32 s16, $0xD  }
0x36: {  	[sflag:s4] =	ssyncadd.s32 $0xFFFFE000;
	s17 =	sor.u32 $0x40, s17  }
0x37: {  	s16 =	smul.u32 $0x8200, s16;
	v0 =	vld [tilespmem:s17+$0x30]  }
0x38: {  	v1 =	vld [tilespmem:s17+$0xFFFFFFD0]  }
0x39: {  	s16 =	sshrl.u32 s16, $0x2;
	v5 =	vld [tilespmem:s17+$0xFFFFFFE0]  }
0x3a: {  	v6 =	vld [tilespmem:s17+$0xFFFFFFF0];
	s19 =	sor.u32 $0x4000, s16  }
0x3b: {  	s31 =	sand.u32 $0x1, s13;
	v4 =	vld [tilespmem:s17+$0x0];
	s18 =	sadd.s32 $0x0, s19  }
0x3c: {  	v3 =	vld [tilespmem:s17+$0x10];
	s16 =	smul.u32 $0x8200, s31;
	[tilespmem:s18+$0x1C70 ss:$0x41] =	vst.msk $0xffff, v0  }
0x3d: {  	v2 =	vld [tilespmem:s17+$0x20];
	[tilespmem:s18+$0x410 ss:$0x41] =	vst.msk $0xffff, v1  }
0x3e: {  	s16 =	sshrl.u32 s16, $0x2;
	v1 =	vld [tilespmem:s17+$0xFFFFFFC0];
	[tilespmem:s18+$0x820 ss:$0x41] =	vst.msk $0xffff, v5;
	s17 =	sadd.s32 $0x80, s17  }
0x3f: {  	s20 =	simm.s32 $0x4;
	s21 =	simm.s32 $0x8;
	s16 =	sor.u32 $0x4000, s16;
	[tilespmem:s18+$0xC30 ss:$0x41] =	vst.msk $0xffff, v6;
	v0 =	vld [tilespmem:s17+$0x30]  }
.LBB1_3:
0x40: {  	p1 =	sne.s32 s21, $0xFC;
	v5 =	vld [tilespmem:s17+$0xFFFFFFD0];
	[tilespmem:s18+$0x1040 ss:$0x41] =	vst.msk $0xffff, v4  }
0x41: {  	v6 =	vld [tilespmem:s17+$0xFFFFFFE0];
	[tilespmem:s18+$0x1450 ss:$0x41] =	vst.msk $0xffff, v3  }
0x42: {  	s22 =	sshra.s32 s20, $0x2;
	s20 =	smov.u32 s21;
	v7 =	vld [tilespmem:s17+$0xFFFFFFF0];
	[tilespmem:s18+$0x1860 ss:$0x41] =	vst.msk $0xffff, v2  }
.Ltmp3:
0x43: {  	v4 =	vld [tilespmem:s17+$0x0];
	[tilespmem:s18+$0x0 ss:$0x41] =	vst.msk $0xffff, v1;
	s18 =	sadd.s32 s22, s19;
	(pc) =	sbr.rel @p1 .LBB1_3-.Ltmp3, $4  }
0x44: {  	v3 =	vld [tilespmem:s17+$0x10];
	[tilespmem:s18+$0x1C70 ss:$0x41] =	vst.msk $0xffff, v0  }
0x45: {  	[tilespmem:s18+$0x410 ss:$0x41] =	vst.msk $0xffff, v5;
	v2 =	vld [tilespmem:s17+$0x20]  }
0x46: {  	v1 =	vld [tilespmem:s17+$0xFFFFFFC0];
	[tilespmem:s18+$0x820 ss:$0x41] =	vst.msk $0xffff, v6;
	s17 =	sadd.s32 $0x80, s17  }
0x47: {  	s21 =	sadd.s32 $0x4, s21;
	v0 =	vld [tilespmem:s17+$0x30];
	[tilespmem:s18+$0xC30 ss:$0x41] =	vst.msk $0xffff, v7  }
0x48: {  	s21 =	sshll.u32 s9, $0x7;
	s22 =	sshll.u32 s10, $0x3;
	s20 =	sshra.s32 s20, $0x2  }
0x49: {  	p1 =	sgt.s32 s9, $0xF41C0;
	s30 =	sshra.s32 s9, $0x1F;
	s25 =	sshra.s32 s10, $0x1F  }
0x4a: {  	v5 =	vld [tilespmem:s17+$0xFFFFFFD0];
	s28 =	sshrl.u32 s10, $0x3;
	s23 =	sand.u32 $0xFFFFFC00, s21;
	s22 =	sand.u32 $0xFFFFFC00, s22  }
0x4b: {  	[tilespmem:s18+$0x1040 ss:$0x41] =	vst.msk $0xffff, v4;
	v58 =	vld [tilespmem:s17+$0xFFFFFFE0];
	s21 =	sand.u32 $0x380, s21;
	s19 =	sadd.s32 s20, s19;
	s22 =	sadd.s32 s22, s23  }
0x4c: {  	v59 =	vld [tilespmem:s17+$0xFFFFFFF0];
	[tilespmem:s18+$0x1450 ss:$0x41] =	vst.msk $0xffff, v3;
	s29 =	sor.u32 s21, s22;
	s21 =	smov.u32 s9;
	s22 =	sand.u32 s30, s9  }
0x4d: {  	v60 =	vld [tilespmem:s17+$0x0];
	[tilespmem:s18+$0x1860 ss:$0x41] =	vst.msk $0xffff, v2;
	s30 =	sand.u32 $0x7, s10;
	s20 =	sshrl.u32 s29, $0x7;
	s21 =	simm.s32 @!p1 $0xF41C0  }
0x4e: {  	v61 =	vld [tilespmem:s17+$0x10];
	[tilespmem:s18+$0x0 ss:$0x41] =	vst.msk $0xffff, v1;
	p1 =	sgt.s32 s10, $0x40;
	s24 =	ssub.s32 s21, s22;
	s21 =	smov.u32 s10  }
0x4f: {  	v62 =	vld [tilespmem:s17+$0x20];
	[tilespmem:s19+$0x1C70 ss:$0x41] =	vst.msk $0xffff, v0;
	s31 =	smulhi.u32 $0x218DEF5, s20;
	s22 =	sand.u32 s25, s10;
	s21 =	simm.s32 @!p1 $0x40  }
0x50: {  	v63 =	vld [tilespmem:s17+$0xFFFFFFC0];
	[tilespmem:s19+$0x410 ss:$0x41] =	vst.msk $0xffff, v5;
	s26 =	sadd.s32 $0xFFF0BE40, s24;
	s17 =	ssub.s32 $0xF4240, s24;
	s21 =	ssub.s32 s21, s22  }
0x51: {  	[tilespmem:s19+$0x820 ss:$0x41] =	vst.msk $0xffff, v58;
	s23 =	sshrl.u32 s31, $0xD;
	p1 =	sgt.s32 s26, $0x7F;
	s27 =	sadd.s32 $0xFFFFFFC0, s21  }
0x52: {  	[tilespmem:s19+$0xC30 ss:$0x41] =	vst.msk $0xffff, v59;
	s23 =	smul.u32 $0xF4240, s23;
	s18 =	ssub.s32 $0x80, s21;
	p2 =	sgt.s32 s27, $0x3F  }
.Ltmp4:
0x53: {  	[tilespmem:s19+$0x1040 ss:$0x41] =	vst.msk $0xffff, v60;
	s17 =	simm.s32 @p1 $0x0;
	s18 =	simm.s32 @p2 $0x0;
	(pc) =	sbr.rel .LBB1_5-.Ltmp4, $4  }
0x54: {  	s29 =	sand.u32 $0xF, s28;
	[tilespmem:s19+$0x1450 ss:$0x41] =	vst.msk $0xffff, v61;
	s20 =	ssub.s32 s20, s23;
	s17 =	smul.u32 s18, s17  }
0x55: {  	[tilespmem:s19+$0x1860 ss:$0x41] =	vst.msk $0xffff, v62;
	s21 =	sshll.u32 s30, $0x12;
	s20 =	sshll.u32 s20, $0x4;
	s18 =	sadd.s32 s5, s29  }
0x56: {  	[tilespmem:s19+$0x0 ss:$0x41] =	vst.msk $0xffff, v63;
	s31 =	sor.u32 $0x40, s21;
	s18 =	sadd.s32 s20, s18;
	s17 =	sand.u32 $0x3FFFFFFF, s17  }
0x57: {  	[hbm4b:s18+s31] =	stream.strided.scatter [tilespmem:s16], [sflag:$0x2], s17, s8, s31, $0x18;
	[tilespmem:$0x8100] =	vst v63  }
.LBB1_6:
0x58: {  	_ =	sfence.sel $0x180000  }
0x59: {  	s2 =	simm.s32 $0x1;
	[bflag:$0x0] =	sbarrier.arrive $0xFFFF  }
0x5a: {  	s31 =	simm.s32 $0x2;
	[sflag:s2] =	ssyncpa.u1 $0x1  }
0x5b: {  	[sflag:s31] =	ssyncpa.u1 $0x1  }
0x5c: {  	p0 =	sne.s32 s1, $0x0;
	_ =	strace $0x90000047  }
0x5d: {  	s0 =	sadd.s32 @!p0 $0x100000, s0;
	[bflag:$0x2] =	sbarrier.arrive $0xFFFF  }
0x5e: {  	[sflag:s0] =	ssyncadd.tile.s32 @!p0 $0x1;
	_ =	shalt  }
.Lfunc_end1:
_tile_overlayer_lowered:
.L_overlay_start_2:
0x5f: {  	(tag) =	ssettag $0x2  }
0x60: {  	s0 =	rddreg [dreg:$0x0];
	s2 =	stileid.u32  }
0x61: {  	s1 =	rddreg [dreg:$0x1];
	p0 =	sne.s32 s2, $0x0  }
0x62: {  	s3 =	rddreg [dreg:$0x2];
	[bflag:$0x3] =	sbarrier.arrive $0xFFFF;
	s2 =	simm.s32 @!p0 $0x1C01  }
0x63: {  	[timem:s3], [sflag:s2] =	dma.local @!p0 [hbm:s0], s1  }
0x64: {  	s0 =	simm.s32 @!p0 $0x1  }
0x65: {  	_ =	swait.ge @!p0 [sflag:s0], s1  }
0x66: {  	s1 =	ssub.s32 @!p0 $0x0, s1;
	[sflag:s0] =	ssyncset.done @!p0 $0x0  }
0x67: {  	[sflag:s0] =	ssyncadd.s32 @!p0 s1  }
0x68: {  	[bflag:$0x3] =	sbarrier.arrive $0xFFFF  }
0x69: {  	_ =	shalt  }

</sc_bundles>
